<compile_context>
chip_gen: v7x
topology: tpu7x:2x2x1
jax: 0.10.2.dev20260603
libtpu: 0.0.44.dev20260713+nightly
codegen_flags: <defaults>
</compile_context>

<pallas_src>
import functools

import jax
import jax.numpy as jnp
from jax import lax
from jax.experimental import pallas as pl
from jax.experimental.pallas import tpu as pltpu
from jax.experimental.pallas import tpu_sc as plsc

N = 10000
E = 320000
D = 128
LD = 32
RD = 32
NL = 1024
RB = 4096

NC = 2
NS = 16
NW = NC * NS

NP = 10240
TAB_ROWS = NP + RB
CHUNK = 64
ROWS = 2 * CHUNK
CH = 160
EPAD = NW * CH * CHUNK
ZROWS = NP // NS

BLK = 2048
GRID_N = NP // BLK
GRID_TAB = TAB_ROWS // BLK



def _ln_relu(pre, g, b):
    h = jnp.maximum(pre, 0.0)
    mu = jnp.mean(h, axis=-1, keepdims=True)
    var = jnp.mean((h - mu) * (h - mu), axis=-1, keepdims=True)
    return (h - mu) * lax.rsqrt(var + 1e-5) * g + b


def _nmap(i):
    return (jnp.minimum(i, GRID_N - 1), 0)


def _rmap(i):
    return (jnp.maximum(i - GRID_N, 0), 0)


def _tc_first_body(x_ref, lab_ref, lemb_ref, wtop_ref, wbot_ref, bin_ref,
                   wn_ref, ws_ref, bs_ref, rel_ref, wr_ref,
                   tab_ref, s_ref, t_ref):
    i = pl.program_id(0)

    @pl.when(i == 0)
    def _():
        t_ref[...] = lemb_ref[...] @ wbot_ref[...]

    @pl.when(i < GRID_N)
    def _():
        onehot = jnp.where(
            lab_ref[...] == lax.broadcasted_iota(jnp.int32, (1, NL), 1),
            1.0, 0.0)
        h = jnp.maximum(
            x_ref[...] @ wtop_ref[...] + onehot @ t_ref[...] + bin_ref[...],
            0.0)
        tab_ref[...] = h @ wn_ref[...]
        s_ref[...] = h @ ws_ref[...] + bs_ref[...]

    @pl.when(i >= GRID_N)
    def _():
        tab_ref[...] = rel_ref[...] @ wr_ref[...]


def _tc_first(x, lab, lemb, wtop, wbot, bin2, wn, ws, bs2, relemb, wr):
    return pl.pallas_call(
        _tc_first_body,
        grid=(GRID_TAB,),
        in_specs=[
            pl.BlockSpec((BLK, D), _nmap),
            pl.BlockSpec((BLK, 1), _nmap),
            pl.BlockSpec((NL, LD), lambda i: (0, 0)),
            pl.BlockSpec((D, D), lambda i: (0, 0)),
            pl.BlockSpec((LD, D), lambda i: (0, 0)),
            pl.BlockSpec((1, D), lambda i: (0, 0)),
            pl.BlockSpec((D, D), lambda i: (0, 0)),
            pl.BlockSpec((D, D), lambda i: (0, 0)),
            pl.BlockSpec((1, D), lambda i: (0, 0)),
            pl.BlockSpec((BLK, RD), _rmap),
            pl.BlockSpec((RD, D), lambda i: (0, 0)),
        ],
        out_specs=[
            pl.BlockSpec((BLK, D), lambda i: (i, 0)),
            pl.BlockSpec((BLK, D), _nmap),
        ],
        out_shape=[
            jax.ShapeDtypeStruct((TAB_ROWS, D), jnp.float32),
            jax.ShapeDtypeStruct((NP, D), jnp.float32),
        ],
        scratch_shapes=[pltpu.VMEM((NL, D), jnp.float32)],
    )(x, lab, lemb, wtop, wbot, bin2, wn, ws, bs2, relemb, wr)


def _tc_mid_body(s_ref, acc_ref, cnt_ref, g_ref, b_ref, wn_ref, ws_ref,
                 bs_ref, rel_ref, wr_ref, tab_ref, so_ref):
    i = pl.program_id(0)

    @pl.when(i < GRID_N)
    def _():
        agg = acc_ref[0, :, :] + acc_ref[1, :, :]
        agg = agg / jnp.maximum(cnt_ref[...], 1.0)
        h = _ln_relu(s_ref[...] + agg, g_ref[...], b_ref[...])
        tab_ref[...] = h @ wn_ref[...]
        so_ref[...] = h @ ws_ref[...] + bs_ref[...]

    @pl.when(i >= GRID_N)
    def _():
        tab_ref[...] = rel_ref[...] @ wr_ref[...]


def _tc_mid(s, acc, cnt, g2, b2, wn, ws, bs2, relemb, wr):
    return pl.pallas_call(
        _tc_mid_body,
        grid=(GRID_TAB,),
        in_specs=[
            pl.BlockSpec((BLK, D), _nmap),
            pl.BlockSpec((2, BLK, D), lambda i: (0, *_nmap(i))),
            pl.BlockSpec((BLK, 1), _nmap),
            pl.BlockSpec((1, D), lambda i: (0, 0)),
            pl.BlockSpec((1, D), lambda i: (0, 0)),
            pl.BlockSpec((D, D), lambda i: (0, 0)),
            pl.BlockSpec((D, D), lambda i: (0, 0)),
            pl.BlockSpec((1, D), lambda i: (0, 0)),
            pl.BlockSpec((BLK, RD), _rmap),
            pl.BlockSpec((RD, D), lambda i: (0, 0)),
        ],
        out_specs=[
            pl.BlockSpec((BLK, D), lambda i: (i, 0)),
            pl.BlockSpec((BLK, D), _nmap),
        ],
        out_shape=[
            jax.ShapeDtypeStruct((TAB_ROWS, D), jnp.float32),
            jax.ShapeDtypeStruct((NP, D), jnp.float32),
        ],
    )(s, acc, cnt, g2, b2, wn, ws, bs2, relemb, wr)


def _tc_post_body(s_ref, acc_ref, cnt_ref, g_ref, b_ref, o_ref):
    agg = acc_ref[0, :, :] + acc_ref[1, :, :]
    agg = agg / jnp.maximum(cnt_ref[...], 1.0)
    o_ref[...] = _ln_relu(s_ref[...] + agg, g_ref[...], b_ref[...])


def _tc_post(s, acc, cnt, g2, b2):
    return pl.pallas_call(
        _tc_post_body,
        grid=(GRID_N,),
        in_specs=[
            pl.BlockSpec((BLK, D), lambda i: (i, 0)),
            pl.BlockSpec((2, BLK, D), lambda i: (0, i, 0)),
            pl.BlockSpec((BLK, 1), lambda i: (i, 0)),
            pl.BlockSpec((1, D), lambda i: (0, 0)),
            pl.BlockSpec((1, D), lambda i: (0, 0)),
        ],
        out_specs=pl.BlockSpec((BLK, D), lambda i: (i, 0)),
        out_shape=jax.ShapeDtypeStruct((NP, D), jnp.float32),
    )(s, acc, cnt, g2, b2)



@functools.cache
def _mesh():
    return plsc.VectorSubcoreMesh(core_axis_name="c", subcore_axis_name="s",
                                  num_cores=NC, num_subcores=NS)


def _sc_edge_body(with_cnt, tab_hbm, idx_hbm, acc_out, cnt_out,
                  idx0, idx1, bg0, bg1, sx0, sx1, ones_v, zb_v,
                  acc_s, cnt_s, sem_i, sem_g0, sem_g1, sem_s0, sem_s1):
    cid = lax.axis_index("c")
    sid = lax.axis_index("s")
    w = cid * NS + sid

    zero16 = jnp.zeros((16,), jnp.float32)
    one16 = jnp.ones((16,), jnp.float32)

    def _fill(i, _):
        for c in range(D // 16):
            bg0[i, pl.ds(c * 16, 16)] = zero16
        return 0

    lax.fori_loop(0, ROWS, _fill, 0)

    for i in range(ROWS // 16):
        ones_v[pl.ds(i * 16, 16)] = one16

    def _fillz(i, _):
        zb_v[pl.ds(i * 16, 16)] = zero16
        return 0

    lax.fori_loop(0, ZROWS // 16, _fillz, 0)

    zbase = sid * ZROWS
    for k in range(ZROWS // ROWS):
        pltpu.sync_copy(bg0.at[pl.ds(0, ROWS)],
                        acc_s.at[pl.ds(zbase + k * ROWS, ROWS)])
    if with_cnt:
        pltpu.sync_copy(zb_v, cnt_s.at[pl.ds(zbase, ZROWS)])

    plsc.subcore_barrier()

    idx = (idx0, idx1)
    bg = (bg0, bg1)
    sx = (sx0, sx1)
    sem_g = (sem_g0, sem_g1)
    sem_s = (sem_s0, sem_s1)

    pltpu.sync_copy(idx_hbm.at[w, 0], idx0)
    pltpu.async_copy(tab_hbm.at[idx0.at[0]], bg0, sem_g0)
    pltpu.async_copy(idx_hbm.at[w, 1], idx1, sem_i)

    def _pair(gi, _):
        for p in (0, 1):
            j = 2 * gi + p
            q = 1 - p

            @pl.when(j + 1 < CH)
            def _():
                pltpu.make_async_copy(idx_hbm.at[w, 0], idx[q], sem_i).wait()

                @pl.when(j >= 1)
                def _():
                    pltpu.make_async_copy(
                        bg[q], acc_s.at[sx[q].at[0]], sem_s[q]).wait()

                pltpu.async_copy(tab_hbm.at[idx[q].at[0]], bg[q], sem_g[q])

            for k in range(ROWS // 16):
                sx[p][0, pl.ds(k * 16, 16)] = idx[p][1, pl.ds(k * 16, 16)]

            pltpu.make_async_copy(tab_hbm.at[idx[p].at[0]], bg[p],
                                  sem_g[p]).wait()
            pltpu.async_copy(bg[p], acc_s.at[sx[p].at[0]], sem_s[p],
                             add=True)
            if with_cnt:
                pltpu.sync_copy(ones_v, cnt_s.at[idx[p].at[2]], add=True)

            @pl.when(j + 2 < CH)
            def _():
                pltpu.async_copy(idx_hbm.at[w, j + 2], idx[p], sem_i)

        return 0

    lax.fori_loop(0, CH // 2, _pair, 0)

    for p in (0, 1):
        pltpu.make_async_copy(bg[p], acc_s.at[sx[p].at[0]], sem_s[p]).wait()

    plsc.subcore_barrier()

    pltpu.sync_copy(acc_s.at[pl.ds(zbase, ZROWS)],
                    acc_out.at[cid, pl.ds(zbase, ZROWS)])
    if with_cnt:
        pltpu.sync_copy(cnt_s.at[pl.ds(zbase, ZROWS)],
                        cnt_out.at[cid, pl.ds(zbase, ZROWS)])


@functools.cache
def _sc_edge(with_cnt):
    return functools.partial(
        pl.kernel,
        out_type=[
            jax.ShapeDtypeStruct((NC, NP, D), jnp.float32),
            jax.ShapeDtypeStruct((NC, NP), jnp.float32),
        ],
        mesh=_mesh(),
        compiler_params=pltpu.CompilerParams(needs_layout_passes=False),
        scratch_types=[
            pltpu.VMEM((3, ROWS), jnp.int32),
            pltpu.VMEM((3, ROWS), jnp.int32),
            pltpu.VMEM((ROWS, D), jnp.float32),
            pltpu.VMEM((ROWS, D), jnp.float32),
            pltpu.VMEM((1, ROWS), jnp.int32),
            pltpu.VMEM((1, ROWS), jnp.int32),
            pltpu.VMEM((ROWS,), jnp.float32),
            pltpu.VMEM((ZROWS,), jnp.float32),
            pltpu.VMEM_SHARED((NP, D), jnp.float32),
            pltpu.VMEM_SHARED((NP,), jnp.float32),
            pltpu.SemaphoreType.DMA,
            pltpu.SemaphoreType.DMA,
            pltpu.SemaphoreType.DMA,
            pltpu.SemaphoreType.DMA,
            pltpu.SemaphoreType.DMA,
        ],
    )(functools.partial(_sc_edge_body, with_cnt))



def kernel(x, label, edge_index, edge_rel, label_emb, Win, bin_, rel_emb0,
           Wn0, Ws0, bs0, Wr0, g0, beta0, rel_emb1, Wn1, Ws1, bs1, Wr1, g1,
           beta1):
    wtop = Win[:D]
    wbot = Win[D:]
    bin2 = bin_.reshape(1, D)
    bs02 = bs0.reshape(1, D)
    bs12 = bs1.reshape(1, D)
    g02 = g0.reshape(1, D)
    b02 = beta0.reshape(1, D)
    g12 = g1.reshape(1, D)
    b12 = beta1.reshape(1, D)

    xp = jnp.concatenate([x, jnp.zeros((NP - N, D), jnp.float32)])
    lab = jnp.concatenate(
        [label.astype(jnp.int32), jnp.zeros((NP - N,), jnp.int32)]
    ).reshape(NP, 1)

    pad = jnp.arange(EPAD - E, dtype=jnp.int32)
    src = jnp.concatenate(
        [edge_index[0].astype(jnp.int32), pad % N]).reshape(NW, CH, CHUNK)
    dst = jnp.concatenate(
        [edge_index[1].astype(jnp.int32), N + pad % (NP - N)]
    ).reshape(NW, CH, CHUNK)
    rel = (NP + jnp.concatenate(
        [edge_rel.astype(jnp.int32), pad % RB])).reshape(NW, CH, CHUNK)
    trash = (N + jnp.arange(EPAD, dtype=jnp.int32) % (NP - N)
             ).reshape(NW, CH, CHUNK)
    gath = jnp.concatenate([src, rel], axis=-1)
    scat = jnp.concatenate([dst, dst], axis=-1)
    cntr = jnp.concatenate([dst, trash], axis=-1)
    eidx = jnp.stack([gath, scat, cntr], axis=2)

    tab0, s0 = _tc_first(xp, lab, label_emb, wtop, wbot, bin2,
                         Wn0, Ws0, bs02, rel_emb0, Wr0)
    acc0, cntp = _sc_edge(True)(tab0, eidx)
    cnt = (cntp[0] + cntp[1]).reshape(NP, 1)
    tab1, s1 = _tc_mid(s0, acc0, cnt, g02, b02, Wn1, Ws1, bs12,
                       rel_emb1, Wr1)
    acc1, _ = _sc_edge(False)(tab1, eidx)
    return _tc_post(s1, acc1, cnt, g12, b12)[:N]

# --- scband reference (transcript-rebuilt; emitter-appended) ---
"""Pipeline reference for scband-graph-encoder-55190329753873 (READ-ONLY COPY).

The authoritative reference and input builder live on the scoring server;
editing this copy changes nothing except your own understanding.
"""

import jax, jax.numpy as jnp
import numpy as np

N = 10000
E = 320000
D = 128
LD = 32
RD = 32
NL = 1024
RB = 4096


def _layer_norm(h, g, b, eps=1e-5):
    mu = jnp.mean(h, axis=-1, keepdims=True)
    var = jnp.var(h, axis=-1, keepdims=True)
    return (h - mu) / jnp.sqrt(var + eps) * g + b


def _conv(h, edge_index, edge_rel, rel_emb, Wn, Ws, bs, Wr, g, b):
    rel = jnp.take(rel_emb, edge_rel, axis=0)
    src = edge_index[0]
    dst = edge_index[1]
    msg = jnp.take(h, src, axis=0) @ Wn + rel @ Wr
    agg_sum = jax.ops.segment_sum(msg, dst, num_segments=h.shape[0])
    cnt = jax.ops.segment_sum(jnp.ones((msg.shape[0], 1), msg.dtype), dst, num_segments=h.shape[0])
    agg = agg_sum / jnp.clip(cnt, 1.0, None)
    out = h @ Ws + bs + agg
    return _layer_norm(jax.nn.relu(out), g, b)


def setup_inputs(seed: int = 0) -> dict:
    key = jax.random.key(seed)
    ks = jax.random.split(key, 24)
    s = 0.02
    inp = {
        'x': jax.random.normal(ks[0], (N, D), jnp.float32),
        'label': jax.random.randint(ks[1], (N,), 0, NL),
        'edge_index': jax.random.randint(ks[2], (2, E), 0, N),
        'edge_rel': jax.random.randint(ks[3], (E,), 0, RB),
        'label_emb': jax.random.normal(ks[4], (NL, LD), jnp.float32) * s,
        'Win': jax.random.normal(ks[5], (D + LD, D), jnp.float32) * s,
        'bin_': jnp.zeros((D,), jnp.float32),
        'rel_emb0': jax.random.normal(ks[6], (RB, RD), jnp.float32) * s,
        'Wn0': jax.random.normal(ks[7], (D, D), jnp.float32) * s,
        'Ws0': jax.random.normal(ks[8], (D, D), jnp.float32) * s,
        'bs0': jnp.zeros((D,), jnp.float32),
        'Wr0': jax.random.normal(ks[9], (RD, D), jnp.float32) * s,
        'g0': jnp.ones((D,), jnp.float32),
        'beta0': jnp.zeros((D,), jnp.float32),
        'rel_emb1': jax.random.normal(ks[10], (RB, RD), jnp.float32) * s,
        'Wn1': jax.random.normal(ks[11], (D, D), jnp.float32) * s,
        'Ws1': jax.random.normal(ks[12], (D, D), jnp.float32) * s,
        'bs1': jnp.zeros((D,), jnp.float32),
        'Wr1': jax.random.normal(ks[13], (RD, D), jnp.float32) * s,
        'g1': jnp.ones((D,), jnp.float32),
        'beta1': jnp.zeros((D,), jnp.float32),
    }
    return inp


def reference(x, label, edge_index, edge_rel, label_emb, Win, bin_, rel_emb0, Wn0, Ws0, bs0, Wr0, g0, beta0, rel_emb1, Wn1, Ws1, bs1, Wr1, g1, beta1):
    l = jnp.take(label_emb, label, axis=0)
    h = jnp.concatenate([x, l], axis=-1)
    h = jax.nn.relu(h @ Win + bin_)
    # dropout is identity in eval mode
    h = _conv(h, edge_index, edge_rel, rel_emb0, Wn0, Ws0, bs0, Wr0, g0, beta0)
    h = _conv(h, edge_index, edge_rel, rel_emb1, Wn1, Ws1, bs1, Wr1, g1, beta1)
    return h

if __name__ == "__main__":
    import jax
    _d = setup_inputs()
    print(jax.jit(kernel)(*tuple(_d.values())))

</pallas_src>

<mosaic_0001>
#map = affine_map<(d0, d1) -> (0, 0)>
#map1 = affine_map<(d0, d1) -> (0, 0, 0, 0)>
#map2 = affine_map<(d0, d1) -> (0, 0, 0)>
module attributes {stable_mosaic.version = 14 : i64} {
  func.func @_sc_edge_body(%arg0: i32, %arg1: i32, %arg2: memref<14336x128xf32, #tpu.memory_space<hbm>>, %arg3: memref<32x160x3x128xi32, #tpu.memory_space<hbm>>, %arg4: memref<2x10240x128xf32, #tpu.memory_space<hbm>>, %arg5: memref<2x10240xf32, #tpu.memory_space<hbm>>, %arg6: memref<3x128xi32, #tpu.memory_space<vmem>>, %arg7: memref<3x128xi32, #tpu.memory_space<vmem>>, %arg8: memref<128x128xf32, #tpu.memory_space<vmem>>, %arg9: memref<128x128xf32, #tpu.memory_space<vmem>>, %arg10: memref<1x128xi32, #tpu.memory_space<vmem>>, %arg11: memref<1x128xi32, #tpu.memory_space<vmem>>, %arg12: memref<128xf32, #tpu.memory_space<vmem>>, %arg13: memref<640xf32, #tpu.memory_space<vmem>>, %arg14: memref<10240x128xf32, #tpu.memory_space<vmem_shared>>, %arg15: memref<10240xf32, #tpu.memory_space<vmem_shared>>, %arg16: memref<!tpu.dma_semaphore, #tpu.memory_space<semaphore_mem>>, %arg17: memref<!tpu.dma_semaphore, #tpu.memory_space<semaphore_mem>>, %arg18: memref<!tpu.dma_semaphore, #tpu.memory_space<semaphore_mem>>, %arg19: memref<!tpu.dma_semaphore, #tpu.memory_space<semaphore_mem>>, %arg20: memref<!tpu.dma_semaphore, #tpu.memory_space<semaphore_mem>>) attributes {dimension_semantics = [#tpu.dimension_semantics<core_parallel>, #tpu.dimension_semantics<subcore_parallel>], iteration_bounds = array<i64: 2, 16>, scalar_prefetch = 0 : i64, scratch_operands = 15 : i64, tpu.core_type = #tpu.core_type<sc_vector_subcore>, window_params = [{transform_indices = #map}, {transform_indices = #map1}, {transform_indices = #map2}, {transform_indices = #map}]} {
    %mul3A = arith.constant 16 : i32
    %mul3A_0 = arith.muli %arg0, %mul3A : i32
    %add3A = arith.addi %mul3A_0, %arg1 : i32
    %broadcast_in_dim3A = arith.constant 0.000000e+00 : f32
    %broadcast_in_dim3A_1 = vector.broadcast %broadcast_in_dim3A : f32 to vector<16xf32>
    %broadcast_in_dim3A_2 = arith.constant 1.000000e+00 : f32
    %broadcast_in_dim3A_3 = vector.broadcast %broadcast_in_dim3A_2 : f32 to vector<16xf32>
    %scan3A = arith.constant 0 : i32
    %scan3A_4 = arith.constant 0 : i32
    %scan3A_5 = arith.constant 128 : i32
    %scan3A_6 = arith.addi %scan3A_4, %scan3A_5 : i32
    %scan3A_7 = arith.constant 1 : i32
    %scan3A_8 = scf.for %scan3A_80 = %scan3A_4 to %scan3A_6 step %scan3A_7 iter_args(%scan3A_81 = %scan3A) -> (i32)  : i32 {
      %swap3A_82 = arith.index_cast %scan3A_80 : i32 to index
      %swap3A_83 = arith.constant 0 : index
      %swap3A_84 = tpu.vector_load %arg8[%swap3A_82, %swap3A_83] {strides = array<i32>} : memref<128x128xf32, #tpu.memory_space<vmem>>, vector<16xf32>,
      tpu.vector_store %arg8[%swap3A_82, %swap3A_83], %broadcast_in_dim3A_1 {strides = array<i32>} : memref<128x128xf32, #tpu.memory_space<vmem>>, vector<16xf32>,
      %swap3A_85 = arith.index_cast %scan3A_80 : i32 to index
      %swap3A_86 = arith.constant 16 : index
      %swap3A_87 = tpu.vector_load %arg8[%swap3A_85, %swap3A_86] {strides = array<i32>} : memref<128x128xf32, #tpu.memory_space<vmem>>, vector<16xf32>,
      tpu.vector_store %arg8[%swap3A_85, %swap3A_86], %broadcast_in_dim3A_1 {strides = array<i32>} : memref<128x128xf32, #tpu.memory_space<vmem>>, vector<16xf32>,
      %swap3A_88 = arith.index_cast %scan3A_80 : i32 to index
      %swap3A_89 = arith.constant 32 : index
      %swap3A_90 = tpu.vector_load %arg8[%swap3A_88, %swap3A_89] {strides = array<i32>} : memref<128x128xf32, #tpu.memory_space<vmem>>, vector<16xf32>,
      tpu.vector_store %arg8[%swap3A_88, %swap3A_89], %broadcast_in_dim3A_1 {strides = array<i32>} : memref<128x128xf32, #tpu.memory_space<vmem>>, vector<16xf32>,
      %swap3A_91 = arith.index_cast %scan3A_80 : i32 to index
      %swap3A_92 = arith.constant 48 : index
      %swap3A_93 = tpu.vector_load %arg8[%swap3A_91, %swap3A_92] {strides = array<i32>} : memref<128x128xf32, #tpu.memory_space<vmem>>, vector<16xf32>,
      tpu.vector_store %arg8[%swap3A_91, %swap3A_92], %broadcast_in_dim3A_1 {strides = array<i32>} : memref<128x128xf32, #tpu.memory_space<vmem>>, vector<16xf32>,
      %swap3A_94 = arith.index_cast %scan3A_80 : i32 to index
      %swap3A_95 = arith.constant 64 : index
      %swap3A_96 = tpu.vector_load %arg8[%swap3A_94, %swap3A_95] {strides = array<i32>} : memref<128x128xf32, #tpu.memory_space<vmem>>, vector<16xf32>,
      tpu.vector_store %arg8[%swap3A_94, %swap3A_95], %broadcast_in_dim3A_1 {strides = array<i32>} : memref<128x128xf32, #tpu.memory_space<vmem>>, vector<16xf32>,
      %swap3A_97 = arith.index_cast %scan3A_80 : i32 to index
      %swap3A_98 = arith.constant 80 : index
      %swap3A_99 = tpu.vector_load %arg8[%swap3A_97, %swap3A_98] {strides = array<i32>} : memref<128x128xf32, #tpu.memory_space<vmem>>, vector<16xf32>,
      tpu.vector_store %arg8[%swap3A_97, %swap3A_98], %broadcast_in_dim3A_1 {strides = array<i32>} : memref<128x128xf32, #tpu.memory_space<vmem>>, vector<16xf32>,
      %swap3A_100 = arith.index_cast %scan3A_80 : i32 to index
      %swap3A_101 = arith.constant 96 : index
      %swap3A_102 = tpu.vector_load %arg8[%swap3A_100, %swap3A_101] {strides = array<i32>} : memref<128x128xf32, #tpu.memory_space<vmem>>, vector<16xf32>,
      tpu.vector_store %arg8[%swap3A_100, %swap3A_101], %broadcast_in_dim3A_1 {strides = array<i32>} : memref<128x128xf32, #tpu.memory_space<vmem>>, vector<16xf32>,
      %swap3A_103 = arith.index_cast %scan3A_80 : i32 to index
      %swap3A_104 = arith.constant 112 : index
      %swap3A_105 = tpu.vector_load %arg8[%swap3A_103, %swap3A_104] {strides = array<i32>} : memref<128x128xf32, #tpu.memory_space<vmem>>, vector<16xf32>,
      tpu.vector_store %arg8[%swap3A_103, %swap3A_104], %broadcast_in_dim3A_1 {strides = array<i32>} : memref<128x128xf32, #tpu.memory_space<vmem>>, vector<16xf32>,
      %scan3A_106 = arith.constant 0 : i32
      scf.yield %scan3A_106 : i32
    }
    %scan3A_9 = arith.constant 128 : i32
    %swap3A = arith.constant 0 : index
    %swap3A_10 = tpu.vector_load %arg12[%swap3A] {strides = array<i32>} : memref<128xf32, #tpu.memory_space<vmem>>, vector<16xf32>,
    tpu.vector_store %arg12[%swap3A], %broadcast_in_dim3A_3 {strides = array<i32>} : memref<128xf32, #tpu.memory_space<vmem>>, vector<16xf32>,
    %swap3A_11 = arith.constant 16 : index
    %swap3A_12 = tpu.vector_load %arg12[%swap3A_11] {strides = array<i32>} : memref<128xf32, #tpu.memory_space<vmem>>, vector<16xf32>,
    tpu.vector_store %arg12[%swap3A_11], %broadcast_in_dim3A_3 {strides = array<i32>} : memref<128xf32, #tpu.memory_space<vmem>>, vector<16xf32>,
    %swap3A_13 = arith.constant 32 : index
    %swap3A_14 = tpu.vector_load %arg12[%swap3A_13] {strides = array<i32>} : memref<128xf32, #tpu.memory_space<vmem>>, vector<16xf32>,
    tpu.vector_store %arg12[%swap3A_13], %broadcast_in_dim3A_3 {strides = array<i32>} : memref<128xf32, #tpu.memory_space<vmem>>, vector<16xf32>,
    %swap3A_15 = arith.constant 48 : index
    %swap3A_16 = tpu.vector_load %arg12[%swap3A_15] {strides = array<i32>} : memref<128xf32, #tpu.memory_space<vmem>>, vector<16xf32>,
    tpu.vector_store %arg12[%swap3A_15], %broadcast_in_dim3A_3 {strides = array<i32>} : memref<128xf32, #tpu.memory_space<vmem>>, vector<16xf32>,
    %swap3A_17 = arith.constant 64 : index
    %swap3A_18 = tpu.vector_load %arg12[%swap3A_17] {strides = array<i32>} : memref<128xf32, #tpu.memory_space<vmem>>, vector<16xf32>,
    tpu.vector_store %arg12[%swap3A_17], %broadcast_in_dim3A_3 {strides = array<i32>} : memref<128xf32, #tpu.memory_space<vmem>>, vector<16xf32>,
    %swap3A_19 = arith.constant 80 : index
    %swap3A_20 = tpu.vector_load %arg12[%swap3A_19] {strides = array<i32>} : memref<128xf32, #tpu.memory_space<vmem>>, vector<16xf32>,
    tpu.vector_store %arg12[%swap3A_19], %broadcast_in_dim3A_3 {strides = array<i32>} : memref<128xf32, #tpu.memory_space<vmem>>, vector<16xf32>,
    %swap3A_21 = arith.constant 96 : index
    %swap3A_22 = tpu.vector_load %arg12[%swap3A_21] {strides = array<i32>} : memref<128xf32, #tpu.memory_space<vmem>>, vector<16xf32>,
    tpu.vector_store %arg12[%swap3A_21], %broadcast_in_dim3A_3 {strides = array<i32>} : memref<128xf32, #tpu.memory_space<vmem>>, vector<16xf32>,
    %swap3A_23 = arith.constant 112 : index
    %swap3A_24 = tpu.vector_load %arg12[%swap3A_23] {strides = array<i32>} : memref<128xf32, #tpu.memory_space<vmem>>, vector<16xf32>,
    tpu.vector_store %arg12[%swap3A_23], %broadcast_in_dim3A_3 {strides = array<i32>} : memref<128xf32, #tpu.memory_space<vmem>>, vector<16xf32>,
    %scan3A_25 = arith.constant 0 : i32
    %scan3A_26 = arith.constant 0 : i32
    %scan3A_27 = arith.constant 40 : i32
    %scan3A_28 = arith.addi %scan3A_26, %scan3A_27 : i32
    %scan3A_29 = arith.constant 1 : i32
    %scan3A_30 = scf.for %scan3A_80 = %scan3A_26 to %scan3A_28 step %scan3A_29 iter_args(%scan3A_81 = %scan3A_25) -> (i32)  : i32 {
      %mul3A_82 = arith.constant 16 : i32
      %mul3A_83 = arith.muli %scan3A_80, %mul3A_82 : i32
      %swap3A_84 = arith.index_cast %mul3A_83 : i32 to index
      %swap3A_85 = tpu.vector_load %arg13[%swap3A_84] {strides = array<i32>} : memref<640xf32, #tpu.memory_space<vmem>>, vector<16xf32>,
      tpu.vector_store %arg13[%swap3A_84], %broadcast_in_dim3A_1 {strides = array<i32>} : memref<640xf32, #tpu.memory_space<vmem>>, vector<16xf32>,
      %scan3A_86 = arith.constant 0 : i32
      scf.yield %scan3A_86 : i32
    }
    %scan3A_31 = arith.constant 40 : i32
    %mul3A_32 = arith.constant 640 : i32
    %mul3A_33 = arith.muli %arg1, %mul3A_32 : i32
    %add3A_34 = arith.constant 0 : i32
    %add3A_35 = arith.addi %mul3A_33, %add3A_34 : i32
    "tpu.region"() ({
      %run_scoped3A_80 = tpu.sem_alloc : memref<!tpu.dma_semaphore, #tpu.memory_space<semaphore_mem>>
      %dma_start3A_81 = arith.constant 0 : i32
      %dma_start3A_82 = arith.constant 0 : i32
      %dma_start3A_83 = tpu.memref_slice %arg8[%dma_start3A_81, %dma_start3A_82] : memref<128x128xf32, #tpu.memory_space<vmem>> -> memref<128x128xf32, #tpu.memory_space<vmem>>
      %dma_start3A_84 = arith.constant 0 : i32
      %dma_start3A_85 = tpu.memref_slice %arg14[%add3A_35, %dma_start3A_84] : memref<10240x128xf32, #tpu.memory_space<vmem_shared>> -> memref<128x128xf32, #tpu.memory_space<vmem_shared>>
      %dma_start3A_86 = arith.constant 0 : i32
      %dma_start3A_87 = tpu.memref_slice %arg14[%add3A_35, %dma_start3A_86] : memref<10240x128xf32, #tpu.memory_space<vmem_shared>> -> memref<128x128xf32, #tpu.memory_space<vmem_shared>>
      %dma_start3A_88 = arith.constant 0 : i32
      %dma_start3A_89 = arith.constant 0 : i32
      %dma_start3A_90 = tpu.memref_slice %arg8[%dma_start3A_88, %dma_start3A_89] : memref<128x128xf32, #tpu.memory_space<vmem>> -> memref<128x128xf32, #tpu.memory_space<vmem>>
      tpu.enqueue_dma source(%dma_start3A_90 : memref<128x128xf32, #tpu.memory_space<vmem>>) target(%dma_start3A_87 : memref<128x128xf32, #tpu.memory_space<vmem_shared>>) target_semaphore(%run_scoped3A_80 : memref<!tpu.dma_semaphore, #tpu.memory_space<semaphore_mem>>)
      %dma_wait3A_91 = arith.constant 0 : i32
      %dma_wait3A_92 = arith.constant 0 : i32
      %dma_wait3A_93 = tpu.memref_slice %arg8[%dma_wait3A_91, %dma_wait3A_92] : memref<128x128xf32, #tpu.memory_space<vmem>> -> memref<128x128xf32, #tpu.memory_space<vmem>>
      %dma_wait3A_94 = arith.constant 0 : i32
      %dma_wait3A_95 = tpu.memref_slice %arg14[%add3A_35, %dma_wait3A_94] : memref<10240x128xf32, #tpu.memory_space<vmem_shared>> -> memref<128x128xf32, #tpu.memory_space<vmem_shared>>
      %dma_wait3A_96 = arith.constant 0 : i32
      %dma_wait3A_97 = tpu.memref_slice %arg14[%add3A_35, %dma_wait3A_96] : memref<10240x128xf32, #tpu.memory_space<vmem_shared>> -> memref<128x128xf32, #tpu.memory_space<vmem_shared>>
      %dma_wait3A_98 = arith.constant 0 : i32
      %dma_wait3A_99 = arith.constant 0 : i32
      %dma_wait3A_100 = tpu.memref_slice %arg8[%dma_wait3A_98, %dma_wait3A_99] : memref<128x128xf32, #tpu.memory_space<vmem>> -> memref<128x128xf32, #tpu.memory_space<vmem>>
      tpu.wait_dma2 semaphore(%run_scoped3A_80 : memref<!tpu.dma_semaphore, #tpu.memory_space<semaphore_mem>>) src(%dma_wait3A_100 : memref<128x128xf32, #tpu.memory_space<vmem>>) dst(%dma_wait3A_97 : memref<128x128xf32, #tpu.memory_space<vmem_shared>>)
      tpu.yield
    }) : () -> ()
    %add3A_36 = arith.constant 128 : i32
    %add3A_37 = arith.addi %mul3A_33, %add3A_36 : i32
    "tpu.region"() ({
      %run_scoped3A_80 = tpu.sem_alloc : memref<!tpu.dma_semaphore, #tpu.memory_space<semaphore_mem>>
      %dma_start3A_81 = arith.constant 0 : i32
      %dma_start3A_82 = arith.constant 0 : i32
      %dma_start3A_83 = tpu.memref_slice %arg8[%dma_start3A_81, %dma_start3A_82] : memref<128x128xf32, #tpu.memory_space<vmem>> -> memref<128x128xf32, #tpu.memory_space<vmem>>
      %dma_start3A_84 = arith.constant 0 : i32
      %dma_start3A_85 = tpu.memref_slice %arg14[%add3A_37, %dma_start3A_84] : memref<10240x128xf32, #tpu.memory_space<vmem_shared>> -> memref<128x128xf32, #tpu.memory_space<vmem_shared>>
      %dma_start3A_86 = arith.constant 0 : i32
      %dma_start3A_87 = tpu.memref_slice %arg14[%add3A_37, %dma_start3A_86] : memref<10240x128xf32, #tpu.memory_space<vmem_shared>> -> memref<128x128xf32, #tpu.memory_space<vmem_shared>>
      %dma_start3A_88 = arith.constant 0 : i32
      %dma_start3A_89 = arith.constant 0 : i32
      %dma_start3A_90 = tpu.memref_slice %arg8[%dma_start3A_88, %dma_start3A_89] : memref<128x128xf32, #tpu.memory_space<vmem>> -> memref<128x128xf32, #tpu.memory_space<vmem>>
      tpu.enqueue_dma source(%dma_start3A_90 : memref<128x128xf32, #tpu.memory_space<vmem>>) target(%dma_start3A_87 : memref<128x128xf32, #tpu.memory_space<vmem_shared>>) target_semaphore(%run_scoped3A_80 : memref<!tpu.dma_semaphore, #tpu.memory_space<semaphore_mem>>)
      %dma_wait3A_91 = arith.constant 0 : i32
      %dma_wait3A_92 = arith.constant 0 : i32
      %dma_wait3A_93 = tpu.memref_slice %arg8[%dma_wait3A_91, %dma_wait3A_92] : memref<128x128xf32, #tpu.memory_space<vmem>> -> memref<128x128xf32, #tpu.memory_space<vmem>>
      %dma_wait3A_94 = arith.constant 0 : i32
      %dma_wait3A_95 = tpu.memref_slice %arg14[%add3A_37, %dma_wait3A_94] : memref<10240x128xf32, #tpu.memory_space<vmem_shared>> -> memref<128x128xf32, #tpu.memory_space<vmem_shared>>
      %dma_wait3A_96 = arith.constant 0 : i32
      %dma_wait3A_97 = tpu.memref_slice %arg14[%add3A_37, %dma_wait3A_96] : memref<10240x128xf32, #tpu.memory_space<vmem_shared>> -> memref<128x128xf32, #tpu.memory_space<vmem_shared>>
      %dma_wait3A_98 = arith.constant 0 : i32
      %dma_wait3A_99 = arith.constant 0 : i32
      %dma_wait3A_100 = tpu.memref_slice %arg8[%dma_wait3A_98, %dma_wait3A_99] : memref<128x128xf32, #tpu.memory_space<vmem>> -> memref<128x128xf32, #tpu.memory_space<vmem>>
      tpu.wait_dma2 semaphore(%run_scoped3A_80 : memref<!tpu.dma_semaphore, #tpu.memory_space<semaphore_mem>>) src(%dma_wait3A_100 : memref<128x128xf32, #tpu.memory_space<vmem>>) dst(%dma_wait3A_97 : memref<128x128xf32, #tpu.memory_space<vmem_shared>>)
      tpu.yield
    }) : () -> ()
    %add3A_38 = arith.constant 256 : i32
    %add3A_39 = arith.addi %mul3A_33, %add3A_38 : i32
    "tpu.region"() ({
      %run_scoped3A_80 = tpu.sem_alloc : memref<!tpu.dma_semaphore, #tpu.memory_space<semaphore_mem>>
      %dma_start3A_81 = arith.constant 0 : i32
      %dma_start3A_82 = arith.constant 0 : i32
      %dma_start3A_83 = tpu.memref_slice %arg8[%dma_start3A_81, %dma_start3A_82] : memref<128x128xf32, #tpu.memory_space<vmem>> -> memref<128x128xf32, #tpu.memory_space<vmem>>
      %dma_start3A_84 = arith.constant 0 : i32
      %dma_start3A_85 = tpu.memref_slice %arg14[%add3A_39, %dma_start3A_84] : memref<10240x128xf32, #tpu.memory_space<vmem_shared>> -> memref<128x128xf32, #tpu.memory_space<vmem_shared>>
      %dma_start3A_86 = arith.constant 0 : i32
      %dma_start3A_87 = tpu.memref_slice %arg14[%add3A_39, %dma_start3A_86] : memref<10240x128xf32, #tpu.memory_space<vmem_shared>> -> memref<128x128xf32, #tpu.memory_space<vmem_shared>>
      %dma_start3A_88 = arith.constant 0 : i32
      %dma_start3A_89 = arith.constant 0 : i32
      %dma_start3A_90 = tpu.memref_slice %arg8[%dma_start3A_88, %dma_start3A_89] : memref<128x128xf32, #tpu.memory_space<vmem>> -> memref<128x128xf32, #tpu.memory_space<vmem>>
      tpu.enqueue_dma source(%dma_start3A_90 : memref<128x128xf32, #tpu.memory_space<vmem>>) target(%dma_start3A_87 : memref<128x128xf32, #tpu.memory_space<vmem_shared>>) target_semaphore(%run_scoped3A_80 : memref<!tpu.dma_semaphore, #tpu.memory_space<semaphore_mem>>)
      %dma_wait3A_91 = arith.constant 0 : i32
      %dma_wait3A_92 = arith.constant 0 : i32
      %dma_wait3A_93 = tpu.memref_slice %arg8[%dma_wait3A_91, %dma_wait3A_92] : memref<128x128xf32, #tpu.memory_space<vmem>> -> memref<128x128xf32, #tpu.memory_space<vmem>>
      %dma_wait3A_94 = arith.constant 0 : i32
      %dma_wait3A_95 = tpu.memref_slice %arg14[%add3A_39, %dma_wait3A_94] : memref<10240x128xf32, #tpu.memory_space<vmem_shared>> -> memref<128x128xf32, #tpu.memory_space<vmem_shared>>
      %dma_wait3A_96 = arith.constant 0 : i32
      %dma_wait3A_97 = tpu.memref_slice %arg14[%add3A_39, %dma_wait3A_96] : memref<10240x128xf32, #tpu.memory_space<vmem_shared>> -> memref<128x128xf32, #tpu.memory_space<vmem_shared>>
      %dma_wait3A_98 = arith.constant 0 : i32
      %dma_wait3A_99 = arith.constant 0 : i32
      %dma_wait3A_100 = tpu.memref_slice %arg8[%dma_wait3A_98, %dma_wait3A_99] : memref<128x128xf32, #tpu.memory_space<vmem>> -> memref<128x128xf32, #tpu.memory_space<vmem>>
      tpu.wait_dma2 semaphore(%run_scoped3A_80 : memref<!tpu.dma_semaphore, #tpu.memory_space<semaphore_mem>>) src(%dma_wait3A_100 : memref<128x128xf32, #tpu.memory_space<vmem>>) dst(%dma_wait3A_97 : memref<128x128xf32, #tpu.memory_space<vmem_shared>>)
      tpu.yield
    }) : () -> ()
    %add3A_40 = arith.constant 384 : i32
    %add3A_41 = arith.addi %mul3A_33, %add3A_40 : i32
    "tpu.region"() ({
      %run_scoped3A_80 = tpu.sem_alloc : memref<!tpu.dma_semaphore, #tpu.memory_space<semaphore_mem>>
      %dma_start3A_81 = arith.constant 0 : i32
      %dma_start3A_82 = arith.constant 0 : i32
      %dma_start3A_83 = tpu.memref_slice %arg8[%dma_start3A_81, %dma_start3A_82] : memref<128x128xf32, #tpu.memory_space<vmem>> -> memref<128x128xf32, #tpu.memory_space<vmem>>
      %dma_start3A_84 = arith.constant 0 : i32
      %dma_start3A_85 = tpu.memref_slice %arg14[%add3A_41, %dma_start3A_84] : memref<10240x128xf32, #tpu.memory_space<vmem_shared>> -> memref<128x128xf32, #tpu.memory_space<vmem_shared>>
      %dma_start3A_86 = arith.constant 0 : i32
      %dma_start3A_87 = tpu.memref_slice %arg14[%add3A_41, %dma_start3A_86] : memref<10240x128xf32, #tpu.memory_space<vmem_shared>> -> memref<128x128xf32, #tpu.memory_space<vmem_shared>>
      %dma_start3A_88 = arith.constant 0 : i32
      %dma_start3A_89 = arith.constant 0 : i32
      %dma_start3A_90 = tpu.memref_slice %arg8[%dma_start3A_88, %dma_start3A_89] : memref<128x128xf32, #tpu.memory_space<vmem>> -> memref<128x128xf32, #tpu.memory_space<vmem>>
      tpu.enqueue_dma source(%dma_start3A_90 : memref<128x128xf32, #tpu.memory_space<vmem>>) target(%dma_start3A_87 : memref<128x128xf32, #tpu.memory_space<vmem_shared>>) target_semaphore(%run_scoped3A_80 : memref<!tpu.dma_semaphore, #tpu.memory_space<semaphore_mem>>)
      %dma_wait3A_91 = arith.constant 0 : i32
      %dma_wait3A_92 = arith.constant 0 : i32
      %dma_wait3A_93 = tpu.memref_slice %arg8[%dma_wait3A_91, %dma_wait3A_92] : memref<128x128xf32, #tpu.memory_space<vmem>> -> memref<128x128xf32, #tpu.memory_space<vmem>>
      %dma_wait3A_94 = arith.constant 0 : i32
      %dma_wait3A_95 = tpu.memref_slice %arg14[%add3A_41, %dma_wait3A_94] : memref<10240x128xf32, #tpu.memory_space<vmem_shared>> -> memref<128x128xf32, #tpu.memory_space<vmem_shared>>
      %dma_wait3A_96 = arith.constant 0 : i32
      %dma_wait3A_97 = tpu.memref_slice %arg14[%add3A_41, %dma_wait3A_96] : memref<10240x128xf32, #tpu.memory_space<vmem_shared>> -> memref<128x128xf32, #tpu.memory_space<vmem_shared>>
      %dma_wait3A_98 = arith.constant 0 : i32
      %dma_wait3A_99 = arith.constant 0 : i32
      %dma_wait3A_100 = tpu.memref_slice %arg8[%dma_wait3A_98, %dma_wait3A_99] : memref<128x128xf32, #tpu.memory_space<vmem>> -> memref<128x128xf32, #tpu.memory_space<vmem>>
      tpu.wait_dma2 semaphore(%run_scoped3A_80 : memref<!tpu.dma_semaphore, #tpu.memory_space<semaphore_mem>>) src(%dma_wait3A_100 : memref<128x128xf32, #tpu.memory_space<vmem>>) dst(%dma_wait3A_97 : memref<128x128xf32, #tpu.memory_space<vmem_shared>>)
      tpu.yield
    }) : () -> ()
    %add3A_42 = arith.constant 512 : i32
    %add3A_43 = arith.addi %mul3A_33, %add3A_42 : i32
    "tpu.region"() ({
      %run_scoped3A_80 = tpu.sem_alloc : memref<!tpu.dma_semaphore, #tpu.memory_space<semaphore_mem>>
      %dma_start3A_81 = arith.constant 0 : i32
      %dma_start3A_82 = arith.constant 0 : i32
      %dma_start3A_83 = tpu.memref_slice %arg8[%dma_start3A_81, %dma_start3A_82] : memref<128x128xf32, #tpu.memory_space<vmem>> -> memref<128x128xf32, #tpu.memory_space<vmem>>
      %dma_start3A_84 = arith.constant 0 : i32
      %dma_start3A_85 = tpu.memref_slice %arg14[%add3A_43, %dma_start3A_84] : memref<10240x128xf32, #tpu.memory_space<vmem_shared>> -> memref<128x128xf32, #tpu.memory_space<vmem_shared>>
      %dma_start3A_86 = arith.constant 0 : i32
      %dma_start3A_87 = tpu.memref_slice %arg14[%add3A_43, %dma_start3A_86] : memref<10240x128xf32, #tpu.memory_space<vmem_shared>> -> memref<128x128xf32, #tpu.memory_space<vmem_shared>>
      %dma_start3A_88 = arith.constant 0 : i32
      %dma_start3A_89 = arith.constant 0 : i32
      %dma_start3A_90 = tpu.memref_slice %arg8[%dma_start3A_88, %dma_start3A_89] : memref<128x128xf32, #tpu.memory_space<vmem>> -> memref<128x128xf32, #tpu.memory_space<vmem>>
      tpu.enqueue_dma source(%dma_start3A_90 : memref<128x128xf32, #tpu.memory_space<vmem>>) target(%dma_start3A_87 : memref<128x128xf32, #tpu.memory_space<vmem_shared>>) target_semaphore(%run_scoped3A_80 : memref<!tpu.dma_semaphore, #tpu.memory_space<semaphore_mem>>)
      %dma_wait3A_91 = arith.constant 0 : i32
      %dma_wait3A_92 = arith.constant 0 : i32
      %dma_wait3A_93 = tpu.memref_slice %arg8[%dma_wait3A_91, %dma_wait3A_92] : memref<128x128xf32, #tpu.memory_space<vmem>> -> memref<128x128xf32, #tpu.memory_space<vmem>>
      %dma_wait3A_94 = arith.constant 0 : i32
      %dma_wait3A_95 = tpu.memref_slice %arg14[%add3A_43, %dma_wait3A_94] : memref<10240x128xf32, #tpu.memory_space<vmem_shared>> -> memref<128x128xf32, #tpu.memory_space<vmem_shared>>
      %dma_wait3A_96 = arith.constant 0 : i32
      %dma_wait3A_97 = tpu.memref_slice %arg14[%add3A_43, %dma_wait3A_96] : memref<10240x128xf32, #tpu.memory_space<vmem_shared>> -> memref<128x128xf32, #tpu.memory_space<vmem_shared>>
      %dma_wait3A_98 = arith.constant 0 : i32
      %dma_wait3A_99 = arith.constant 0 : i32
      %dma_wait3A_100 = tpu.memref_slice %arg8[%dma_wait3A_98, %dma_wait3A_99] : memref<128x128xf32, #tpu.memory_space<vmem>> -> memref<128x128xf32, #tpu.memory_space<vmem>>
      tpu.wait_dma2 semaphore(%run_scoped3A_80 : memref<!tpu.dma_semaphore, #tpu.memory_space<semaphore_mem>>) src(%dma_wait3A_100 : memref<128x128xf32, #tpu.memory_space<vmem>>) dst(%dma_wait3A_97 : memref<128x128xf32, #tpu.memory_space<vmem_shared>>)
      tpu.yield
    }) : () -> ()
    "tpu.region"() ({
      %run_scoped3A_80 = tpu.sem_alloc : memref<!tpu.dma_semaphore, #tpu.memory_space<semaphore_mem>>
      %dma_start3A_81 = tpu.memref_slice %arg15[%mul3A_33] : memref<10240xf32, #tpu.memory_space<vmem_shared>> -> memref<640xf32, #tpu.memory_space<vmem_shared>>
      %dma_start3A_82 = tpu.memref_slice %arg15[%mul3A_33] : memref<10240xf32, #tpu.memory_space<vmem_shared>> -> memref<640xf32, #tpu.memory_space<vmem_shared>>
      tpu.enqueue_dma source(%arg13 : memref<640xf32, #tpu.memory_space<vmem>>) target(%dma_start3A_82 : memref<640xf32, #tpu.memory_space<vmem_shared>>) target_semaphore(%run_scoped3A_80 : memref<!tpu.dma_semaphore, #tpu.memory_space<semaphore_mem>>)
      %dma_wait3A_83 = tpu.memref_slice %arg15[%mul3A_33] : memref<10240xf32, #tpu.memory_space<vmem_shared>> -> memref<640xf32, #tpu.memory_space<vmem_shared>>
      %dma_wait3A_84 = tpu.memref_slice %arg15[%mul3A_33] : memref<10240xf32, #tpu.memory_space<vmem_shared>> -> memref<640xf32, #tpu.memory_space<vmem_shared>>
      tpu.wait_dma2 semaphore(%run_scoped3A_80 : memref<!tpu.dma_semaphore, #tpu.memory_space<semaphore_mem>>) src(%arg13 : memref<640xf32, #tpu.memory_space<vmem>>) dst(%dma_wait3A_84 : memref<640xf32, #tpu.memory_space<vmem_shared>>)
      tpu.yield
    }) : () -> ()
    %barrier3A = arith.constant 0 : index
    tpu.barrier barrier_id(%barrier3A)
    %run_scoped3A = arith.constant 0 : i32
    "tpu.region"() ({
      %run_scoped3A_80 = tpu.sem_alloc : memref<!tpu.dma_semaphore, #tpu.memory_space<semaphore_mem>>
      %dma_start3A_81 = arith.constant 0 : i32
      %dma_start3A_82 = arith.constant 0 : i32
      %dma_start3A_83 = tpu.memref_slice %arg3[%add3A, %run_scoped3A, %dma_start3A_81, %dma_start3A_82] : memref<32x160x3x128xi32, #tpu.memory_space<hbm>> -> memref<1x1x3x128xi32, #tpu.memory_space<hbm>>
      %dma_start3A_84 = tpu.memref_squeeze %dma_start3A_83 : memref<1x1x3x128xi32, #tpu.memory_space<hbm>> -> memref<3x128xi32, #tpu.memory_space<hbm>>
      %dma_start3A_85 = arith.constant 0 : i32
      %dma_start3A_86 = arith.constant 0 : i32
      %dma_start3A_87 = tpu.memref_slice %arg3[%add3A, %run_scoped3A, %dma_start3A_85, %dma_start3A_86] : memref<32x160x3x128xi32, #tpu.memory_space<hbm>> -> memref<1x1x3x128xi32, #tpu.memory_space<hbm>>
      %dma_start3A_88 = tpu.memref_squeeze %dma_start3A_87 : memref<1x1x3x128xi32, #tpu.memory_space<hbm>> -> memref<3x128xi32, #tpu.memory_space<hbm>>
      tpu.enqueue_dma source(%dma_start3A_88 : memref<3x128xi32, #tpu.memory_space<hbm>>) target(%arg6 : memref<3x128xi32, #tpu.memory_space<vmem>>) target_semaphore(%run_scoped3A_80 : memref<!tpu.dma_semaphore, #tpu.memory_space<semaphore_mem>>)
      %dma_wait3A_89 = arith.constant 0 : i32
      %dma_wait3A_90 = arith.constant 0 : i32
      %dma_wait3A_91 = tpu.memref_slice %arg3[%add3A, %run_scoped3A, %dma_wait3A_89, %dma_wait3A_90] : memref<32x160x3x128xi32, #tpu.memory_space<hbm>> -> memref<1x1x3x128xi32, #tpu.memory_space<hbm>>
      %dma_wait3A_92 = tpu.memref_squeeze %dma_wait3A_91 : memref<1x1x3x128xi32, #tpu.memory_space<hbm>> -> memref<3x128xi32, #tpu.memory_space<hbm>>
      %dma_wait3A_93 = arith.constant 0 : i32
      %dma_wait3A_94 = arith.constant 0 : i32
      %dma_wait3A_95 = tpu.memref_slice %arg3[%add3A, %run_scoped3A, %dma_wait3A_93, %dma_wait3A_94] : memref<32x160x3x128xi32, #tpu.memory_space<hbm>> -> memref<1x1x3x128xi32, #tpu.memory_space<hbm>>
      %dma_wait3A_96 = tpu.memref_squeeze %dma_wait3A_95 : memref<1x1x3x128xi32, #tpu.memory_space<hbm>> -> memref<3x128xi32, #tpu.memory_space<hbm>>
      tpu.wait_dma2 semaphore(%run_scoped3A_80 : memref<!tpu.dma_semaphore, #tpu.memory_space<semaphore_mem>>) src(%dma_wait3A_96 : memref<3x128xi32, #tpu.memory_space<hbm>>) dst(%arg6 : memref<3x128xi32, #tpu.memory_space<vmem>>)
      tpu.yield
    }) : () -> ()
    %dma_start3A = arith.constant 0 : i32
    %dma_start3A_44 = arith.constant 0 : i32
    %dma_start3A_45 = tpu.memref_slice %arg6[%dma_start3A, %dma_start3A_44] : memref<3x128xi32, #tpu.memory_space<vmem>> -> memref<1x128xi32, #tpu.memory_space<vmem>>
    %dma_start3A_46 = tpu.memref_squeeze %dma_start3A_45 : memref<1x128xi32, #tpu.memory_space<vmem>> -> memref<128xi32, #tpu.memory_space<vmem>>
    %dma_start3A_47 = arith.constant 0 : i32
    %dma_start3A_48 = arith.constant 0 : i32
    %dma_start3A_49 = tpu.memref_slice %arg2[%dma_start3A_47, %dma_start3A_48] : memref<14336x128xf32, #tpu.memory_space<hbm>> -> memref<14336x128xf32, #tpu.memory_space<hbm>>
    tpu.enqueue_indirect_dma source(%dma_start3A_49 : memref<14336x128xf32, #tpu.memory_space<hbm>>) target(%arg8 : memref<128x128xf32, #tpu.memory_space<vmem>>) offsets(%dma_start3A_46 : memref<128xi32, #tpu.memory_space<vmem>>) semaphore(%arg17 : memref<!tpu.dma_semaphore, #tpu.memory_space<semaphore_mem>>)
    %dma_start3A_50 = arith.constant 1 : i32
    %dma_start3A_51 = arith.constant 0 : i32
    %dma_start3A_52 = arith.constant 0 : i32
    %dma_start3A_53 = tpu.memref_slice %arg3[%add3A, %dma_start3A_50, %dma_start3A_51, %dma_start3A_52] : memref<32x160x3x128xi32, #tpu.memory_space<hbm>> -> memref<1x1x3x128xi32, #tpu.memory_space<hbm>>
    %dma_start3A_54 = tpu.memref_squeeze %dma_start3A_53 : memref<1x1x3x128xi32, #tpu.memory_space<hbm>> -> memref<3x128xi32, #tpu.memory_space<hbm>>
    %dma_start3A_55 = arith.constant 0 : i32
    %dma_start3A_56 = arith.constant 0 : i32
    %dma_start3A_57 = tpu.memref_slice %arg3[%add3A, %dma_start3A_50, %dma_start3A_55, %dma_start3A_56] : memref<32x160x3x128xi32, #tpu.memory_space<hbm>> -> memref<1x1x3x128xi32, #tpu.memory_space<hbm>>
    %dma_start3A_58 = tpu.memref_squeeze %dma_start3A_57 : memref<1x1x3x128xi32, #tpu.memory_space<hbm>> -> memref<3x128xi32, #tpu.memory_space<hbm>>
    tpu.enqueue_dma source(%dma_start3A_58 : memref<3x128xi32, #tpu.memory_space<hbm>>) target(%arg7 : memref<3x128xi32, #tpu.memory_space<vmem>>) target_semaphore(%arg16 : memref<!tpu.dma_semaphore, #tpu.memory_space<semaphore_mem>>)
    %scan3A_59 = arith.constant 0 : i32
    %scan3A_60 = arith.constant 0 : i32
    %scan3A_61 = arith.constant 80 : i32
    %scan3A_62 = arith.addi %scan3A_60, %scan3A_61 : i32
    %scan3A_63 = arith.constant 1 : i32
    %scan3A_64 = scf.for %scan3A_80 = %scan3A_60 to %scan3A_62 step %scan3A_63 iter_args(%scan3A_81 = %scan3A_59) -> (i32)  : i32 {
      %mul3A_82 = arith.constant 2 : i32
      %mul3A_83 = arith.muli %mul3A_82, %scan3A_80 : i32
      %add3A_84 = arith.constant 0 : i32
      %add3A_85 = arith.addi %mul3A_83, %add3A_84 : i32
      %add3A_86 = arith.constant 1 : i32
      %add3A_87 = arith.addi %add3A_85, %add3A_86 : i32
      %lt3A = arith.constant 160 : i32
      %lt3A_88 = arith.cmpi slt, %add3A_87, %lt3A : i32
      %convert_element_type3A = arith.extui %lt3A_88 : i1 to i32
      %cond3A = arith.constant 0 : i32
      %cond3A_89 = arith.cmpi ne, %convert_element_type3A, %cond3A : i32
      scf.if %cond3A_89 {
        %dma_wait3A_273 = arith.constant 0 : i32
        %dma_wait3A_274 = arith.constant 0 : i32
        %dma_wait3A_275 = arith.constant 0 : i32
        %dma_wait3A_276 = tpu.memref_slice %arg3[%add3A, %dma_wait3A_273, %dma_wait3A_274, %dma_wait3A_275] : memref<32x160x3x128xi32, #tpu.memory_space<hbm>> -> memref<1x1x3x128xi32, #tpu.memory_space<hbm>>
        %dma_wait3A_277 = tpu.memref_squeeze %dma_wait3A_276 : memref<1x1x3x128xi32, #tpu.memory_space<hbm>> -> memref<3x128xi32, #tpu.memory_space<hbm>>
        %dma_wait3A_278 = arith.constant 0 : i32
        %dma_wait3A_279 = arith.constant 0 : i32
        %dma_wait3A_280 = tpu.memref_slice %arg3[%add3A, %dma_wait3A_273, %dma_wait3A_278, %dma_wait3A_279] : memref<32x160x3x128xi32, #tpu.memory_space<hbm>> -> memref<1x1x3x128xi32, #tpu.memory_space<hbm>>
        %dma_wait3A_281 = tpu.memref_squeeze %dma_wait3A_280 : memref<1x1x3x128xi32, #tpu.memory_space<hbm>> -> memref<3x128xi32, #tpu.memory_space<hbm>>
        tpu.wait_dma2 semaphore(%arg16 : memref<!tpu.dma_semaphore, #tpu.memory_space<semaphore_mem>>) src(%dma_wait3A_281 : memref<3x128xi32, #tpu.memory_space<hbm>>) dst(%arg7 : memref<3x128xi32, #tpu.memory_space<vmem>>)
        %ge3A = arith.constant 1 : i32
        %ge3A_282 = arith.cmpi sge, %add3A_85, %ge3A : i32
        %convert_element_type3A_283 = arith.extui %ge3A_282 : i1 to i32
        %cond3A_284 = arith.constant 0 : i32
        %cond3A_285 = arith.cmpi ne, %convert_element_type3A_283, %cond3A_284 : i32
        scf.if %cond3A_285 {
          %dma_wait3A_293 = arith.constant 0 : i32
          %dma_wait3A_294 = arith.constant 0 : i32
          %dma_wait3A_295 = tpu.memref_slice %arg11[%dma_wait3A_293, %dma_wait3A_294] : memref<1x128xi32, #tpu.memory_space<vmem>> -> memref<1x128xi32, #tpu.memory_space<vmem>>
          %dma_wait3A_296 = tpu.memref_squeeze %dma_wait3A_295 : memref<1x128xi32, #tpu.memory_space<vmem>> -> memref<128xi32, #tpu.memory_space<vmem>>
          %dma_wait3A_297 = arith.constant 0 : i32
          %dma_wait3A_298 = arith.constant 0 : i32
          %dma_wait3A_299 = tpu.memref_slice %arg14[%dma_wait3A_297, %dma_wait3A_298] : memref<10240x128xf32, #tpu.memory_space<vmem_shared>> -> memref<10240x128xf32, #tpu.memory_space<vmem_shared>>
          tpu.wait_indirect_dma semaphore(%arg20 : memref<!tpu.dma_semaphore, #tpu.memory_space<semaphore_mem>>) src(%arg9 : memref<128x128xf32, #tpu.memory_space<vmem>>) dst(%dma_wait3A_299 : memref<10240x128xf32, #tpu.memory_space<vmem_shared>>)
        } else {
        }
        %dma_start3A_286 = arith.constant 0 : i32
        %dma_start3A_287 = arith.constant 0 : i32
        %dma_start3A_288 = tpu.memref_slice %arg7[%dma_start3A_286, %dma_start3A_287] : memref<3x128xi32, #tpu.memory_space<vmem>> -> memref<1x128xi32, #tpu.memory_space<vmem>>
        %dma_start3A_289 = tpu.memref_squeeze %dma_start3A_288 : memref<1x128xi32, #tpu.memory_space<vmem>> -> memref<128xi32, #tpu.memory_space<vmem>>
        %dma_start3A_290 = arith.constant 0 : i32
        %dma_start3A_291 = arith.constant 0 : i32
        %dma_start3A_292 = tpu.memref_slice %arg2[%dma_start3A_290, %dma_start3A_291] : memref<14336x128xf32, #tpu.memory_space<hbm>> -> memref<14336x128xf32, #tpu.memory_space<hbm>>
        tpu.enqueue_indirect_dma source(%dma_start3A_292 : memref<14336x128xf32, #tpu.memory_space<hbm>>) target(%arg9 : memref<128x128xf32, #tpu.memory_space<vmem>>) offsets(%dma_start3A_289 : memref<128xi32, #tpu.memory_space<vmem>>) semaphore(%arg18 : memref<!tpu.dma_semaphore, #tpu.memory_space<semaphore_mem>>)
      } else {
      }
      %get3A = arith.constant 1 : i32
      %get3A_90 = arith.index_cast %get3A : i32 to index
      %get3A_91 = arith.constant 0 : index
      %get3A_92 = tpu.vector_load %arg6[%get3A_90, %get3A_91] {strides = array<i32>} : memref<3x128xi32, #tpu.memory_space<vmem>>, vector<16xi32>,
      %swap3A_93 = arith.constant 0 : i32
      %swap3A_94 = arith.index_cast %swap3A_93 : i32 to index
      %swap3A_95 = arith.constant 0 : index
      %swap3A_96 = tpu.vector_load %arg10[%swap3A_94, %swap3A_95] {strides = array<i32>} : memref<1x128xi32, #tpu.memory_space<vmem>>, vector<16xi32>,
      tpu.vector_store %arg10[%swap3A_94, %swap3A_95], %get3A_92 {strides = array<i32>} : memref<1x128xi32, #tpu.memory_space<vmem>>, vector<16xi32>,
      %get3A_97 = arith.constant 1 : i32
      %get3A_98 = arith.index_cast %get3A_97 : i32 to index
      %get3A_99 = arith.constant 16 : index
      %get3A_100 = tpu.vector_load %arg6[%get3A_98, %get3A_99] {strides = array<i32>} : memref<3x128xi32, #tpu.memory_space<vmem>>, vector<16xi32>,
      %swap3A_101 = arith.constant 0 : i32
      %swap3A_102 = arith.index_cast %swap3A_101 : i32 to index
      %swap3A_103 = arith.constant 16 : index
      %swap3A_104 = tpu.vector_load %arg10[%swap3A_102, %swap3A_103] {strides = array<i32>} : memref<1x128xi32, #tpu.memory_space<vmem>>, vector<16xi32>,
      tpu.vector_store %arg10[%swap3A_102, %swap3A_103], %get3A_100 {strides = array<i32>} : memref<1x128xi32, #tpu.memory_space<vmem>>, vector<16xi32>,
      %get3A_105 = arith.constant 1 : i32
      %get3A_106 = arith.index_cast %get3A_105 : i32 to index
      %get3A_107 = arith.constant 32 : index
      %get3A_108 = tpu.vector_load %arg6[%get3A_106, %get3A_107] {strides = array<i32>} : memref<3x128xi32, #tpu.memory_space<vmem>>, vector<16xi32>,
      %swap3A_109 = arith.constant 0 : i32
      %swap3A_110 = arith.index_cast %swap3A_109 : i32 to index
      %swap3A_111 = arith.constant 32 : index
      %swap3A_112 = tpu.vector_load %arg10[%swap3A_110, %swap3A_111] {strides = array<i32>} : memref<1x128xi32, #tpu.memory_space<vmem>>, vector<16xi32>,
      tpu.vector_store %arg10[%swap3A_110, %swap3A_111], %get3A_108 {strides = array<i32>} : memref<1x128xi32, #tpu.memory_space<vmem>>, vector<16xi32>,
      %get3A_113 = arith.constant 1 : i32
      %get3A_114 = arith.index_cast %get3A_113 : i32 to index
      %get3A_115 = arith.constant 48 : index
      %get3A_116 = tpu.vector_load %arg6[%get3A_114, %get3A_115] {strides = array<i32>} : memref<3x128xi32, #tpu.memory_space<vmem>>, vector<16xi32>,
      %swap3A_117 = arith.constant 0 : i32
      %swap3A_118 = arith.index_cast %swap3A_117 : i32 to index
      %swap3A_119 = arith.constant 48 : index
      %swap3A_120 = tpu.vector_load %arg10[%swap3A_118, %swap3A_119] {strides = array<i32>} : memref<1x128xi32, #tpu.memory_space<vmem>>, vector<16xi32>,
      tpu.vector_store %arg10[%swap3A_118, %swap3A_119], %get3A_116 {strides = array<i32>} : memref<1x128xi32, #tpu.memory_space<vmem>>, vector<16xi32>,
      %get3A_121 = arith.constant 1 : i32
      %get3A_122 = arith.index_cast %get3A_121 : i32 to index
      %get3A_123 = arith.constant 64 : index
      %get3A_124 = tpu.vector_load %arg6[%get3A_122, %get3A_123] {strides = array<i32>} : memref<3x128xi32, #tpu.memory_space<vmem>>, vector<16xi32>,
      %swap3A_125 = arith.constant 0 : i32
      %swap3A_126 = arith.index_cast %swap3A_125 : i32 to index
      %swap3A_127 = arith.constant 64 : index
      %swap3A_128 = tpu.vector_load %arg10[%swap3A_126, %swap3A_127] {strides = array<i32>} : memref<1x128xi32, #tpu.memory_space<vmem>>, vector<16xi32>,
      tpu.vector_store %arg10[%swap3A_126, %swap3A_127], %get3A_124 {strides = array<i32>} : memref<1x128xi32, #tpu.memory_space<vmem>>, vector<16xi32>,
      %get3A_129 = arith.constant 1 : i32
      %get3A_130 = arith.index_cast %get3A_129 : i32 to index
      %get3A_131 = arith.constant 80 : index
      %get3A_132 = tpu.vector_load %arg6[%get3A_130, %get3A_131] {strides = array<i32>} : memref<3x128xi32, #tpu.memory_space<vmem>>, vector<16xi32>,
      %swap3A_133 = arith.constant 0 : i32
      %swap3A_134 = arith.index_cast %swap3A_133 : i32 to index
      %swap3A_135 = arith.constant 80 : index
      %swap3A_136 = tpu.vector_load %arg10[%swap3A_134, %swap3A_135] {strides = array<i32>} : memref<1x128xi32, #tpu.memory_space<vmem>>, vector<16xi32>,
      tpu.vector_store %arg10[%swap3A_134, %swap3A_135], %get3A_132 {strides = array<i32>} : memref<1x128xi32, #tpu.memory_space<vmem>>, vector<16xi32>,
      %get3A_137 = arith.constant 1 : i32
      %get3A_138 = arith.index_cast %get3A_137 : i32 to index
      %get3A_139 = arith.constant 96 : index
      %get3A_140 = tpu.vector_load %arg6[%get3A_138, %get3A_139] {strides = array<i32>} : memref<3x128xi32, #tpu.memory_space<vmem>>, vector<16xi32>,
      %swap3A_141 = arith.constant 0 : i32
      %swap3A_142 = arith.index_cast %swap3A_141 : i32 to index
      %swap3A_143 = arith.constant 96 : index
      %swap3A_144 = tpu.vector_load %arg10[%swap3A_142, %swap3A_143] {strides = array<i32>} : memref<1x128xi32, #tpu.memory_space<vmem>>, vector<16xi32>,
      tpu.vector_store %arg10[%swap3A_142, %swap3A_143], %get3A_140 {strides = array<i32>} : memref<1x128xi32, #tpu.memory_space<vmem>>, vector<16xi32>,
      %get3A_145 = arith.constant 1 : i32
      %get3A_146 = arith.index_cast %get3A_145 : i32 to index
      %get3A_147 = arith.constant 112 : index
      %get3A_148 = tpu.vector_load %arg6[%get3A_146, %get3A_147] {strides = array<i32>} : memref<3x128xi32, #tpu.memory_space<vmem>>, vector<16xi32>,
      %swap3A_149 = arith.constant 0 : i32
      %swap3A_150 = arith.index_cast %swap3A_149 : i32 to index
      %swap3A_151 = arith.constant 112 : index
      %swap3A_152 = tpu.vector_load %arg10[%swap3A_150, %swap3A_151] {strides = array<i32>} : memref<1x128xi32, #tpu.memory_space<vmem>>, vector<16xi32>,
      tpu.vector_store %arg10[%swap3A_150, %swap3A_151], %get3A_148 {strides = array<i32>} : memref<1x128xi32, #tpu.memory_space<vmem>>, vector<16xi32>,
      %dma_wait3A_153 = arith.constant 0 : i32
      %dma_wait3A_154 = arith.constant 0 : i32
      %dma_wait3A_155 = tpu.memref_slice %arg6[%dma_wait3A_153, %dma_wait3A_154] : memref<3x128xi32, #tpu.memory_space<vmem>> -> memref<1x128xi32, #tpu.memory_space<vmem>>
      %dma_wait3A_156 = tpu.memref_squeeze %dma_wait3A_155 : memref<1x128xi32, #tpu.memory_space<vmem>> -> memref<128xi32, #tpu.memory_space<vmem>>
      %dma_wait3A_157 = arith.constant 0 : i32
      %dma_wait3A_158 = arith.constant 0 : i32
      %dma_wait3A_159 = tpu.memref_slice %arg2[%dma_wait3A_157, %dma_wait3A_158] : memref<14336x128xf32, #tpu.memory_space<hbm>> -> memref<14336x128xf32, #tpu.memory_space<hbm>>
      tpu.wait_indirect_dma semaphore(%arg17 : memref<!tpu.dma_semaphore, #tpu.memory_space<semaphore_mem>>) src(%dma_wait3A_159 : memref<14336x128xf32, #tpu.memory_space<hbm>>) dst(%arg8 : memref<128x128xf32, #tpu.memory_space<vmem>>)
      %dma_start3A_160 = arith.constant 0 : i32
      %dma_start3A_161 = arith.constant 0 : i32
      %dma_start3A_162 = tpu.memref_slice %arg10[%dma_start3A_160, %dma_start3A_161] : memref<1x128xi32, #tpu.memory_space<vmem>> -> memref<1x128xi32, #tpu.memory_space<vmem>>
      %dma_start3A_163 = tpu.memref_squeeze %dma_start3A_162 : memref<1x128xi32, #tpu.memory_space<vmem>> -> memref<128xi32, #tpu.memory_space<vmem>>
      %dma_start3A_164 = arith.constant 0 : i32
      %dma_start3A_165 = arith.constant 0 : i32
      %dma_start3A_166 = tpu.memref_slice %arg14[%dma_start3A_164, %dma_start3A_165] : memref<10240x128xf32, #tpu.memory_space<vmem_shared>> -> memref<10240x128xf32, #tpu.memory_space<vmem_shared>>
      tpu.enqueue_indirect_dma source(%arg8 : memref<128x128xf32, #tpu.memory_space<vmem>>) target(%dma_start3A_166 : memref<10240x128xf32, #tpu.memory_space<vmem_shared>>) offsets(%dma_start3A_163 : memref<128xi32, #tpu.memory_space<vmem>>) semaphore(%arg19 : memref<!tpu.dma_semaphore, #tpu.memory_space<semaphore_mem>>) {add = true}
      %run_scoped3A_167 = arith.constant 2 : i32
      "tpu.region"() ({
        %run_scoped3A_273 = tpu.sem_alloc : memref<!tpu.dma_semaphore, #tpu.memory_space<semaphore_mem>>
        %dma_start3A_274 = arith.constant 0 : i32
        %dma_start3A_275 = tpu.memref_slice %arg6[%run_scoped3A_167, %dma_start3A_274] : memref<3x128xi32, #tpu.memory_space<vmem>> -> memref<1x128xi32, #tpu.memory_space<vmem>>
        %dma_start3A_276 = tpu.memref_squeeze %dma_start3A_275 : memref<1x128xi32, #tpu.memory_space<vmem>> -> memref<128xi32, #tpu.memory_space<vmem>>
        %dma_start3A_277 = arith.constant 0 : i32
        %dma_start3A_278 = tpu.memref_slice %arg15[%dma_start3A_277] : memref<10240xf32, #tpu.memory_space<vmem_shared>> -> memref<10240xf32, #tpu.memory_space<vmem_shared>>
        tpu.enqueue_indirect_dma source(%arg12 : memref<128xf32, #tpu.memory_space<vmem>>) target(%dma_start3A_278 : memref<10240xf32, #tpu.memory_space<vmem_shared>>) offsets(%dma_start3A_276 : memref<128xi32, #tpu.memory_space<vmem>>) semaphore(%run_scoped3A_273 : memref<!tpu.dma_semaphore, #tpu.memory_space<semaphore_mem>>) {add = true}
        %dma_wait3A_279 = arith.constant 0 : i32
        %dma_wait3A_280 = tpu.memref_slice %arg6[%run_scoped3A_167, %dma_wait3A_279] : memref<3x128xi32, #tpu.memory_space<vmem>> -> memref<1x128xi32, #tpu.memory_space<vmem>>
        %dma_wait3A_281 = tpu.memref_squeeze %dma_wait3A_280 : memref<1x128xi32, #tpu.memory_space<vmem>> -> memref<128xi32, #tpu.memory_space<vmem>>
        %dma_wait3A_282 = arith.constant 0 : i32
        %dma_wait3A_283 = tpu.memref_slice %arg15[%dma_wait3A_282] : memref<10240xf32, #tpu.memory_space<vmem_shared>> -> memref<10240xf32, #tpu.memory_space<vmem_shared>>
        tpu.wait_indirect_dma semaphore(%run_scoped3A_273 : memref<!tpu.dma_semaphore, #tpu.memory_space<semaphore_mem>>) src(%arg12 : memref<128xf32, #tpu.memory_space<vmem>>) dst(%dma_wait3A_283 : memref<10240xf32, #tpu.memory_space<vmem_shared>>)
        tpu.yield
      }) : () -> ()
      %add3A_168 = arith.constant 2 : i32
      %add3A_169 = arith.addi %add3A_85, %add3A_168 : i32
      %lt3A_170 = arith.constant 160 : i32
      %lt3A_171 = arith.cmpi slt, %add3A_169, %lt3A_170 : i32
      %convert_element_type3A_172 = arith.extui %lt3A_171 : i1 to i32
      %cond3A_173 = arith.constant 0 : i32
      %cond3A_174 = arith.cmpi ne, %convert_element_type3A_172, %cond3A_173 : i32
      scf.if %cond3A_174 {
        %add3A_273 = arith.constant 2 : i32
        %add3A_274 = arith.addi %add3A_85, %add3A_273 : i32
        %dma_start3A_275 = arith.constant 0 : i32
        %dma_start3A_276 = arith.constant 0 : i32
        %dma_start3A_277 = tpu.memref_slice %arg3[%add3A, %add3A_274, %dma_start3A_275, %dma_start3A_276] : memref<32x160x3x128xi32, #tpu.memory_space<hbm>> -> memref<1x1x3x128xi32, #tpu.memory_space<hbm>>
        %dma_start3A_278 = tpu.memref_squeeze %dma_start3A_277 : memref<1x1x3x128xi32, #tpu.memory_space<hbm>> -> memref<3x128xi32, #tpu.memory_space<hbm>>
        %dma_start3A_279 = arith.constant 0 : i32
        %dma_start3A_280 = arith.constant 0 : i32
        %dma_start3A_281 = tpu.memref_slice %arg3[%add3A, %add3A_274, %dma_start3A_279, %dma_start3A_280] : memref<32x160x3x128xi32, #tpu.memory_space<hbm>> -> memref<1x1x3x128xi32, #tpu.memory_space<hbm>>
        %dma_start3A_282 = tpu.memref_squeeze %dma_start3A_281 : memref<1x1x3x128xi32, #tpu.memory_space<hbm>> -> memref<3x128xi32, #tpu.memory_space<hbm>>
        tpu.enqueue_dma source(%dma_start3A_282 : memref<3x128xi32, #tpu.memory_space<hbm>>) target(%arg6 : memref<3x128xi32, #tpu.memory_space<vmem>>) target_semaphore(%arg16 : memref<!tpu.dma_semaphore, #tpu.memory_space<semaphore_mem>>)
      } else {
      }
      %mul3A_175 = arith.constant 2 : i32
      %mul3A_176 = arith.muli %mul3A_175, %scan3A_80 : i32
      %add3A_177 = arith.constant 1 : i32
      %add3A_178 = arith.addi %mul3A_176, %add3A_177 : i32
      %add3A_179 = arith.constant 1 : i32
      %add3A_180 = arith.addi %add3A_178, %add3A_179 : i32
      %lt3A_181 = arith.constant 160 : i32
      %lt3A_182 = arith.cmpi slt, %add3A_180, %lt3A_181 : i32
      %convert_element_type3A_183 = arith.extui %lt3A_182 : i1 to i32
      %cond3A_184 = arith.constant 0 : i32
      %cond3A_185 = arith.cmpi ne, %convert_element_type3A_183, %cond3A_184 : i32
      scf.if %cond3A_185 {
        %dma_wait3A_273 = arith.constant 0 : i32
        %dma_wait3A_274 = arith.constant 0 : i32
        %dma_wait3A_275 = arith.constant 0 : i32
        %dma_wait3A_276 = tpu.memref_slice %arg3[%add3A, %dma_wait3A_273, %dma_wait3A_274, %dma_wait3A_275] : memref<32x160x3x128xi32, #tpu.memory_space<hbm>> -> memref<1x1x3x128xi32, #tpu.memory_space<hbm>>
        %dma_wait3A_277 = tpu.memref_squeeze %dma_wait3A_276 : memref<1x1x3x128xi32, #tpu.memory_space<hbm>> -> memref<3x128xi32, #tpu.memory_space<hbm>>
        %dma_wait3A_278 = arith.constant 0 : i32
        %dma_wait3A_279 = arith.constant 0 : i32
        %dma_wait3A_280 = tpu.memref_slice %arg3[%add3A, %dma_wait3A_273, %dma_wait3A_278, %dma_wait3A_279] : memref<32x160x3x128xi32, #tpu.memory_space<hbm>> -> memref<1x1x3x128xi32, #tpu.memory_space<hbm>>
        %dma_wait3A_281 = tpu.memref_squeeze %dma_wait3A_280 : memref<1x1x3x128xi32, #tpu.memory_space<hbm>> -> memref<3x128xi32, #tpu.memory_space<hbm>>
        tpu.wait_dma2 semaphore(%arg16 : memref<!tpu.dma_semaphore, #tpu.memory_space<semaphore_mem>>) src(%dma_wait3A_281 : memref<3x128xi32, #tpu.memory_space<hbm>>) dst(%arg6 : memref<3x128xi32, #tpu.memory_space<vmem>>)
        %ge3A = arith.constant 1 : i32
        %ge3A_282 = arith.cmpi sge, %add3A_178, %ge3A : i32
        %convert_element_type3A_283 = arith.extui %ge3A_282 : i1 to i32
        %cond3A_284 = arith.constant 0 : i32
        %cond3A_285 = arith.cmpi ne, %convert_element_type3A_283, %cond3A_284 : i32
        scf.if %cond3A_285 {
          %dma_wait3A_293 = arith.constant 0 : i32
          %dma_wait3A_294 = arith.constant 0 : i32
          %dma_wait3A_295 = tpu.memref_slice %arg10[%dma_wait3A_293, %dma_wait3A_294] : memref<1x128xi32, #tpu.memory_space<vmem>> -> memref<1x128xi32, #tpu.memory_space<vmem>>
          %dma_wait3A_296 = tpu.memref_squeeze %dma_wait3A_295 : memref<1x128xi32, #tpu.memory_space<vmem>> -> memref<128xi32, #tpu.memory_space<vmem>>
          %dma_wait3A_297 = arith.constant 0 : i32
          %dma_wait3A_298 = arith.constant 0 : i32
          %dma_wait3A_299 = tpu.memref_slice %arg14[%dma_wait3A_297, %dma_wait3A_298] : memref<10240x128xf32, #tpu.memory_space<vmem_shared>> -> memref<10240x128xf32, #tpu.memory_space<vmem_shared>>
          tpu.wait_indirect_dma semaphore(%arg19 : memref<!tpu.dma_semaphore, #tpu.memory_space<semaphore_mem>>) src(%arg8 : memref<128x128xf32, #tpu.memory_space<vmem>>) dst(%dma_wait3A_299 : memref<10240x128xf32, #tpu.memory_space<vmem_shared>>)
        } else {
        }
        %dma_start3A_286 = arith.constant 0 : i32
        %dma_start3A_287 = arith.constant 0 : i32
        %dma_start3A_288 = tpu.memref_slice %arg6[%dma_start3A_286, %dma_start3A_287] : memref<3x128xi32, #tpu.memory_space<vmem>> -> memref<1x128xi32, #tpu.memory_space<vmem>>
        %dma_start3A_289 = tpu.memref_squeeze %dma_start3A_288 : memref<1x128xi32, #tpu.memory_space<vmem>> -> memref<128xi32, #tpu.memory_space<vmem>>
        %dma_start3A_290 = arith.constant 0 : i32
        %dma_start3A_291 = arith.constant 0 : i32
        %dma_start3A_292 = tpu.memref_slice %arg2[%dma_start3A_290, %dma_start3A_291] : memref<14336x128xf32, #tpu.memory_space<hbm>> -> memref<14336x128xf32, #tpu.memory_space<hbm>>
        tpu.enqueue_indirect_dma source(%dma_start3A_292 : memref<14336x128xf32, #tpu.memory_space<hbm>>) target(%arg8 : memref<128x128xf32, #tpu.memory_space<vmem>>) offsets(%dma_start3A_289 : memref<128xi32, #tpu.memory_space<vmem>>) semaphore(%arg17 : memref<!tpu.dma_semaphore, #tpu.memory_space<semaphore_mem>>)
      } else {
      }
      %get3A_186 = arith.constant 1 : i32
      %get3A_187 = arith.index_cast %get3A_186 : i32 to index
      %get3A_188 = arith.constant 0 : index
      %get3A_189 = tpu.vector_load %arg7[%get3A_187, %get3A_188] {strides = array<i32>} : memref<3x128xi32, #tpu.memory_space<vmem>>, vector<16xi32>,
      %swap3A_190 = arith.constant 0 : i32
      %swap3A_191 = arith.index_cast %swap3A_190 : i32 to index
      %swap3A_192 = arith.constant 0 : index
      %swap3A_193 = tpu.vector_load %arg11[%swap3A_191, %swap3A_192] {strides = array<i32>} : memref<1x128xi32, #tpu.memory_space<vmem>>, vector<16xi32>,
      tpu.vector_store %arg11[%swap3A_191, %swap3A_192], %get3A_189 {strides = array<i32>} : memref<1x128xi32, #tpu.memory_space<vmem>>, vector<16xi32>,
      %get3A_194 = arith.constant 1 : i32
      %get3A_195 = arith.index_cast %get3A_194 : i32 to index
      %get3A_196 = arith.constant 16 : index
      %get3A_197 = tpu.vector_load %arg7[%get3A_195, %get3A_196] {strides = array<i32>} : memref<3x128xi32, #tpu.memory_space<vmem>>, vector<16xi32>,
      %swap3A_198 = arith.constant 0 : i32
      %swap3A_199 = arith.index_cast %swap3A_198 : i32 to index
      %swap3A_200 = arith.constant 16 : index
      %swap3A_201 = tpu.vector_load %arg11[%swap3A_199, %swap3A_200] {strides = array<i32>} : memref<1x128xi32, #tpu.memory_space<vmem>>, vector<16xi32>,
      tpu.vector_store %arg11[%swap3A_199, %swap3A_200], %get3A_197 {strides = array<i32>} : memref<1x128xi32, #tpu.memory_space<vmem>>, vector<16xi32>,
      %get3A_202 = arith.constant 1 : i32
      %get3A_203 = arith.index_cast %get3A_202 : i32 to index
      %get3A_204 = arith.constant 32 : index
      %get3A_205 = tpu.vector_load %arg7[%get3A_203, %get3A_204] {strides = array<i32>} : memref<3x128xi32, #tpu.memory_space<vmem>>, vector<16xi32>,
      %swap3A_206 = arith.constant 0 : i32
      %swap3A_207 = arith.index_cast %swap3A_206 : i32 to index
      %swap3A_208 = arith.constant 32 : index
      %swap3A_209 = tpu.vector_load %arg11[%swap3A_207, %swap3A_208] {strides = array<i32>} : memref<1x128xi32, #tpu.memory_space<vmem>>, vector<16xi32>,
      tpu.vector_store %arg11[%swap3A_207, %swap3A_208], %get3A_205 {strides = array<i32>} : memref<1x128xi32, #tpu.memory_space<vmem>>, vector<16xi32>,
      %get3A_210 = arith.constant 1 : i32
      %get3A_211 = arith.index_cast %get3A_210 : i32 to index
      %get3A_212 = arith.constant 48 : index
      %get3A_213 = tpu.vector_load %arg7[%get3A_211, %get3A_212] {strides = array<i32>} : memref<3x128xi32, #tpu.memory_space<vmem>>, vector<16xi32>,
      %swap3A_214 = arith.constant 0 : i32
      %swap3A_215 = arith.index_cast %swap3A_214 : i32 to index
      %swap3A_216 = arith.constant 48 : index
      %swap3A_217 = tpu.vector_load %arg11[%swap3A_215, %swap3A_216] {strides = array<i32>} : memref<1x128xi32, #tpu.memory_space<vmem>>, vector<16xi32>,
      tpu.vector_store %arg11[%swap3A_215, %swap3A_216], %get3A_213 {strides = array<i32>} : memref<1x128xi32, #tpu.memory_space<vmem>>, vector<16xi32>,
      %get3A_218 = arith.constant 1 : i32
      %get3A_219 = arith.index_cast %get3A_218 : i32 to index
      %get3A_220 = arith.constant 64 : index
      %get3A_221 = tpu.vector_load %arg7[%get3A_219, %get3A_220] {strides = array<i32>} : memref<3x128xi32, #tpu.memory_space<vmem>>, vector<16xi32>,
      %swap3A_222 = arith.constant 0 : i32
      %swap3A_223 = arith.index_cast %swap3A_222 : i32 to index
      %swap3A_224 = arith.constant 64 : index
      %swap3A_225 = tpu.vector_load %arg11[%swap3A_223, %swap3A_224] {strides = array<i32>} : memref<1x128xi32, #tpu.memory_space<vmem>>, vector<16xi32>,
      tpu.vector_store %arg11[%swap3A_223, %swap3A_224], %get3A_221 {strides = array<i32>} : memref<1x128xi32, #tpu.memory_space<vmem>>, vector<16xi32>,
      %get3A_226 = arith.constant 1 : i32
      %get3A_227 = arith.index_cast %get3A_226 : i32 to index
      %get3A_228 = arith.constant 80 : index
      %get3A_229 = tpu.vector_load %arg7[%get3A_227, %get3A_228] {strides = array<i32>} : memref<3x128xi32, #tpu.memory_space<vmem>>, vector<16xi32>,
      %swap3A_230 = arith.constant 0 : i32
      %swap3A_231 = arith.index_cast %swap3A_230 : i32 to index
      %swap3A_232 = arith.constant 80 : index
      %swap3A_233 = tpu.vector_load %arg11[%swap3A_231, %swap3A_232] {strides = array<i32>} : memref<1x128xi32, #tpu.memory_space<vmem>>, vector<16xi32>,
      tpu.vector_store %arg11[%swap3A_231, %swap3A_232], %get3A_229 {strides = array<i32>} : memref<1x128xi32, #tpu.memory_space<vmem>>, vector<16xi32>,
      %get3A_234 = arith.constant 1 : i32
      %get3A_235 = arith.index_cast %get3A_234 : i32 to index
      %get3A_236 = arith.constant 96 : index
      %get3A_237 = tpu.vector_load %arg7[%get3A_235, %get3A_236] {strides = array<i32>} : memref<3x128xi32, #tpu.memory_space<vmem>>, vector<16xi32>,
      %swap3A_238 = arith.constant 0 : i32
      %swap3A_239 = arith.index_cast %swap3A_238 : i32 to index
      %swap3A_240 = arith.constant 96 : index
      %swap3A_241 = tpu.vector_load %arg11[%swap3A_239, %swap3A_240] {strides = array<i32>} : memref<1x128xi32, #tpu.memory_space<vmem>>, vector<16xi32>,
      tpu.vector_store %arg11[%swap3A_239, %swap3A_240], %get3A_237 {strides = array<i32>} : memref<1x128xi32, #tpu.memory_space<vmem>>, vector<16xi32>,
      %get3A_242 = arith.constant 1 : i32
      %get3A_243 = arith.index_cast %get3A_242 : i32 to index
      %get3A_244 = arith.constant 112 : index
      %get3A_245 = tpu.vector_load %arg7[%get3A_243, %get3A_244] {strides = array<i32>} : memref<3x128xi32, #tpu.memory_space<vmem>>, vector<16xi32>,
      %swap3A_246 = arith.constant 0 : i32
      %swap3A_247 = arith.index_cast %swap3A_246 : i32 to index
      %swap3A_248 = arith.constant 112 : index
      %swap3A_249 = tpu.vector_load %arg11[%swap3A_247, %swap3A_248] {strides = array<i32>} : memref<1x128xi32, #tpu.memory_space<vmem>>, vector<16xi32>,
      tpu.vector_store %arg11[%swap3A_247, %swap3A_248], %get3A_245 {strides = array<i32>} : memref<1x128xi32, #tpu.memory_space<vmem>>, vector<16xi32>,
      %dma_wait3A_250 = arith.constant 0 : i32
      %dma_wait3A_251 = arith.constant 0 : i32
      %dma_wait3A_252 = tpu.memref_slice %arg7[%dma_wait3A_250, %dma_wait3A_251] : memref<3x128xi32, #tpu.memory_space<vmem>> -> memref<1x128xi32, #tpu.memory_space<vmem>>
      %dma_wait3A_253 = tpu.memref_squeeze %dma_wait3A_252 : memref<1x128xi32, #tpu.memory_space<vmem>> -> memref<128xi32, #tpu.memory_space<vmem>>
      %dma_wait3A_254 = arith.constant 0 : i32
      %dma_wait3A_255 = arith.constant 0 : i32
      %dma_wait3A_256 = tpu.memref_slice %arg2[%dma_wait3A_254, %dma_wait3A_255] : memref<14336x128xf32, #tpu.memory_space<hbm>> -> memref<14336x128xf32, #tpu.memory_space<hbm>>
      tpu.wait_indirect_dma semaphore(%arg18 : memref<!tpu.dma_semaphore, #tpu.memory_space<semaphore_mem>>) src(%dma_wait3A_256 : memref<14336x128xf32, #tpu.memory_space<hbm>>) dst(%arg9 : memref<128x128xf32, #tpu.memory_space<vmem>>)
      %dma_start3A_257 = arith.constant 0 : i32
      %dma_start3A_258 = arith.constant 0 : i32
      %dma_start3A_259 = tpu.memref_slice %arg11[%dma_start3A_257, %dma_start3A_258] : memref<1x128xi32, #tpu.memory_space<vmem>> -> memref<1x128xi32, #tpu.memory_space<vmem>>
      %dma_start3A_260 = tpu.memref_squeeze %dma_start3A_259 : memref<1x128xi32, #tpu.memory_space<vmem>> -> memref<128xi32, #tpu.memory_space<vmem>>
      %dma_start3A_261 = arith.constant 0 : i32
      %dma_start3A_262 = arith.constant 0 : i32
      %dma_start3A_263 = tpu.memref_slice %arg14[%dma_start3A_261, %dma_start3A_262] : memref<10240x128xf32, #tpu.memory_space<vmem_shared>> -> memref<10240x128xf32, #tpu.memory_space<vmem_shared>>
      tpu.enqueue_indirect_dma source(%arg9 : memref<128x128xf32, #tpu.memory_space<vmem>>) target(%dma_start3A_263 : memref<10240x128xf32, #tpu.memory_space<vmem_shared>>) offsets(%dma_start3A_260 : memref<128xi32, #tpu.memory_space<vmem>>) semaphore(%arg20 : memref<!tpu.dma_semaphore, #tpu.memory_space<semaphore_mem>>) {add = true}
      %run_scoped3A_264 = arith.constant 2 : i32
      "tpu.region"() ({
        %run_scoped3A_273 = tpu.sem_alloc : memref<!tpu.dma_semaphore, #tpu.memory_space<semaphore_mem>>
        %dma_start3A_274 = arith.constant 0 : i32
        %dma_start3A_275 = tpu.memref_slice %arg7[%run_scoped3A_264, %dma_start3A_274] : memref<3x128xi32, #tpu.memory_space<vmem>> -> memref<1x128xi32, #tpu.memory_space<vmem>>
        %dma_start3A_276 = tpu.memref_squeeze %dma_start3A_275 : memref<1x128xi32, #tpu.memory_space<vmem>> -> memref<128xi32, #tpu.memory_space<vmem>>
        %dma_start3A_277 = arith.constant 0 : i32
        %dma_start3A_278 = tpu.memref_slice %arg15[%dma_start3A_277] : memref<10240xf32, #tpu.memory_space<vmem_shared>> -> memref<10240xf32, #tpu.memory_space<vmem_shared>>
        tpu.enqueue_indirect_dma source(%arg12 : memref<128xf32, #tpu.memory_space<vmem>>) target(%dma_start3A_278 : memref<10240xf32, #tpu.memory_space<vmem_shared>>) offsets(%dma_start3A_276 : memref<128xi32, #tpu.memory_space<vmem>>) semaphore(%run_scoped3A_273 : memref<!tpu.dma_semaphore, #tpu.memory_space<semaphore_mem>>) {add = true}
        %dma_wait3A_279 = arith.constant 0 : i32
        %dma_wait3A_280 = tpu.memref_slice %arg7[%run_scoped3A_264, %dma_wait3A_279] : memref<3x128xi32, #tpu.memory_space<vmem>> -> memref<1x128xi32, #tpu.memory_space<vmem>>
        %dma_wait3A_281 = tpu.memref_squeeze %dma_wait3A_280 : memref<1x128xi32, #tpu.memory_space<vmem>> -> memref<128xi32, #tpu.memory_space<vmem>>
        %dma_wait3A_282 = arith.constant 0 : i32
        %dma_wait3A_283 = tpu.memref_slice %arg15[%dma_wait3A_282] : memref<10240xf32, #tpu.memory_space<vmem_shared>> -> memref<10240xf32, #tpu.memory_space<vmem_shared>>
        tpu.wait_indirect_dma semaphore(%run_scoped3A_273 : memref<!tpu.dma_semaphore, #tpu.memory_space<semaphore_mem>>) src(%arg12 : memref<128xf32, #tpu.memory_space<vmem>>) dst(%dma_wait3A_283 : memref<10240xf32, #tpu.memory_space<vmem_shared>>)
        tpu.yield
      }) : () -> ()
      %add3A_265 = arith.constant 2 : i32
      %add3A_266 = arith.addi %add3A_178, %add3A_265 : i32
      %lt3A_267 = arith.constant 160 : i32
      %lt3A_268 = arith.cmpi slt, %add3A_266, %lt3A_267 : i32
      %convert_element_type3A_269 = arith.extui %lt3A_268 : i1 to i32
      %cond3A_270 = arith.constant 0 : i32
      %cond3A_271 = arith.cmpi ne, %convert_element_type3A_269, %cond3A_270 : i32
      scf.if %cond3A_271 {
        %add3A_273 = arith.constant 2 : i32
        %add3A_274 = arith.addi %add3A_178, %add3A_273 : i32
        %dma_start3A_275 = arith.constant 0 : i32
        %dma_start3A_276 = arith.constant 0 : i32
        %dma_start3A_277 = tpu.memref_slice %arg3[%add3A, %add3A_274, %dma_start3A_275, %dma_start3A_276] : memref<32x160x3x128xi32, #tpu.memory_space<hbm>> -> memref<1x1x3x128xi32, #tpu.memory_space<hbm>>
        %dma_start3A_278 = tpu.memref_squeeze %dma_start3A_277 : memref<1x1x3x128xi32, #tpu.memory_space<hbm>> -> memref<3x128xi32, #tpu.memory_space<hbm>>
        %dma_start3A_279 = arith.constant 0 : i32
        %dma_start3A_280 = arith.constant 0 : i32
        %dma_start3A_281 = tpu.memref_slice %arg3[%add3A, %add3A_274, %dma_start3A_279, %dma_start3A_280] : memref<32x160x3x128xi32, #tpu.memory_space<hbm>> -> memref<1x1x3x128xi32, #tpu.memory_space<hbm>>
        %dma_start3A_282 = tpu.memref_squeeze %dma_start3A_281 : memref<1x1x3x128xi32, #tpu.memory_space<hbm>> -> memref<3x128xi32, #tpu.memory_space<hbm>>
        tpu.enqueue_dma source(%dma_start3A_282 : memref<3x128xi32, #tpu.memory_space<hbm>>) target(%arg7 : memref<3x128xi32, #tpu.memory_space<vmem>>) target_semaphore(%arg16 : memref<!tpu.dma_semaphore, #tpu.memory_space<semaphore_mem>>)
      } else {
      }
      %scan3A_272 = arith.constant 0 : i32
      scf.yield %scan3A_272 : i32
    }
    %scan3A_65 = arith.constant 80 : i32
    %dma_wait3A = arith.constant 0 : i32
    %dma_wait3A_66 = arith.constant 0 : i32
    %dma_wait3A_67 = tpu.memref_slice %arg10[%dma_wait3A, %dma_wait3A_66] : memref<1x128xi32, #tpu.memory_space<vmem>> -> memref<1x128xi32, #tpu.memory_space<vmem>>
    %dma_wait3A_68 = tpu.memref_squeeze %dma_wait3A_67 : memref<1x128xi32, #tpu.memory_space<vmem>> -> memref<128xi32, #tpu.memory_space<vmem>>
    %dma_wait3A_69 = arith.constant 0 : i32
    %dma_wait3A_70 = arith.constant 0 : i32
    %dma_wait3A_71 = tpu.memref_slice %arg14[%dma_wait3A_69, %dma_wait3A_70] : memref<10240x128xf32, #tpu.memory_space<vmem_shared>> -> memref<10240x128xf32, #tpu.memory_space<vmem_shared>>
    tpu.wait_indirect_dma semaphore(%arg19 : memref<!tpu.dma_semaphore, #tpu.memory_space<semaphore_mem>>) src(%arg8 : memref<128x128xf32, #tpu.memory_space<vmem>>) dst(%dma_wait3A_71 : memref<10240x128xf32, #tpu.memory_space<vmem_shared>>)
    %dma_wait3A_72 = arith.constant 0 : i32
    %dma_wait3A_73 = arith.constant 0 : i32
    %dma_wait3A_74 = tpu.memref_slice %arg11[%dma_wait3A_72, %dma_wait3A_73] : memref<1x128xi32, #tpu.memory_space<vmem>> -> memref<1x128xi32, #tpu.memory_space<vmem>>
    %dma_wait3A_75 = tpu.memref_squeeze %dma_wait3A_74 : memref<1x128xi32, #tpu.memory_space<vmem>> -> memref<128xi32, #tpu.memory_space<vmem>>
    %dma_wait3A_76 = arith.constant 0 : i32
    %dma_wait3A_77 = arith.constant 0 : i32
    %dma_wait3A_78 = tpu.memref_slice %arg14[%dma_wait3A_76, %dma_wait3A_77] : memref<10240x128xf32, #tpu.memory_space<vmem_shared>> -> memref<10240x128xf32, #tpu.memory_space<vmem_shared>>
    tpu.wait_indirect_dma semaphore(%arg20 : memref<!tpu.dma_semaphore, #tpu.memory_space<semaphore_mem>>) src(%arg9 : memref<128x128xf32, #tpu.memory_space<vmem>>) dst(%dma_wait3A_78 : memref<10240x128xf32, #tpu.memory_space<vmem_shared>>)
    %barrier3A_79 = arith.constant 0 : index
    tpu.barrier barrier_id(%barrier3A_79)
    "tpu.region"() ({
      %run_scoped3A_80 = tpu.sem_alloc : memref<!tpu.dma_semaphore, #tpu.memory_space<semaphore_mem>>
      %dma_start3A_81 = arith.constant 0 : i32
      %dma_start3A_82 = tpu.memref_slice %arg4[%arg0, %mul3A_33, %dma_start3A_81] : memref<2x10240x128xf32, #tpu.memory_space<hbm>> -> memref<1x640x128xf32, #tpu.memory_space<hbm>>
      %dma_start3A_83 = tpu.memref_squeeze %dma_start3A_82 : memref<1x640x128xf32, #tpu.memory_space<hbm>> -> memref<640x128xf32, #tpu.memory_space<hbm>>
      %dma_start3A_84 = arith.constant 0 : i32
      %dma_start3A_85 = tpu.memref_slice %arg14[%mul3A_33, %dma_start3A_84] : memref<10240x128xf32, #tpu.memory_space<vmem_shared>> -> memref<640x128xf32, #tpu.memory_space<vmem_shared>>
      tpu.enqueue_dma source(%dma_start3A_85 : memref<640x128xf32, #tpu.memory_space<vmem_shared>>) target(%dma_start3A_83 : memref<640x128xf32, #tpu.memory_space<hbm>>) target_semaphore(%run_scoped3A_80 : memref<!tpu.dma_semaphore, #tpu.memory_space<semaphore_mem>>)
      %dma_wait3A_86 = arith.constant 0 : i32
      %dma_wait3A_87 = tpu.memref_slice %arg4[%arg0, %mul3A_33, %dma_wait3A_86] : memref<2x10240x128xf32, #tpu.memory_space<hbm>> -> memref<1x640x128xf32, #tpu.memory_space<hbm>>
      %dma_wait3A_88 = tpu.memref_squeeze %dma_wait3A_87 : memref<1x640x128xf32, #tpu.memory_space<hbm>> -> memref<640x128xf32, #tpu.memory_space<hbm>>
      %dma_wait3A_89 = arith.constant 0 : i32
      %dma_wait3A_90 = tpu.memref_slice %arg14[%mul3A_33, %dma_wait3A_89] : memref<10240x128xf32, #tpu.memory_space<vmem_shared>> -> memref<640x128xf32, #tpu.memory_space<vmem_shared>>
      tpu.wait_dma2 semaphore(%run_scoped3A_80 : memref<!tpu.dma_semaphore, #tpu.memory_space<semaphore_mem>>) src(%dma_wait3A_90 : memref<640x128xf32, #tpu.memory_space<vmem_shared>>) dst(%dma_wait3A_88 : memref<640x128xf32, #tpu.memory_space<hbm>>)
      tpu.yield
    }) : () -> ()
    "tpu.region"() ({
      %run_scoped3A_80 = tpu.sem_alloc : memref<!tpu.dma_semaphore, #tpu.memory_space<semaphore_mem>>
      %dma_start3A_81 = tpu.memref_slice %arg5[%arg0, %mul3A_33] : memref<2x10240xf32, #tpu.memory_space<hbm>> -> memref<1x640xf32, #tpu.memory_space<hbm>>
      %dma_start3A_82 = tpu.memref_squeeze %dma_start3A_81 : memref<1x640xf32, #tpu.memory_space<hbm>> -> memref<640xf32, #tpu.memory_space<hbm>>
      %dma_start3A_83 = tpu.memref_slice %arg15[%mul3A_33] : memref<10240xf32, #tpu.memory_space<vmem_shared>> -> memref<640xf32, #tpu.memory_space<vmem_shared>>
      tpu.enqueue_dma source(%dma_start3A_83 : memref<640xf32, #tpu.memory_space<vmem_shared>>) target(%dma_start3A_82 : memref<640xf32, #tpu.memory_space<hbm>>) target_semaphore(%run_scoped3A_80 : memref<!tpu.dma_semaphore, #tpu.memory_space<semaphore_mem>>)
      %dma_wait3A_84 = tpu.memref_slice %arg5[%arg0, %mul3A_33] : memref<2x10240xf32, #tpu.memory_space<hbm>> -> memref<1x640xf32, #tpu.memory_space<hbm>>
      %dma_wait3A_85 = tpu.memref_squeeze %dma_wait3A_84 : memref<1x640xf32, #tpu.memory_space<hbm>> -> memref<640xf32, #tpu.memory_space<hbm>>
      %dma_wait3A_86 = tpu.memref_slice %arg15[%mul3A_33] : memref<10240xf32, #tpu.memory_space<vmem_shared>> -> memref<640xf32, #tpu.memory_space<vmem_shared>>
      tpu.wait_dma2 semaphore(%run_scoped3A_80 : memref<!tpu.dma_semaphore, #tpu.memory_space<semaphore_mem>>) src(%dma_wait3A_86 : memref<640xf32, #tpu.memory_space<vmem_shared>>) dst(%dma_wait3A_85 : memref<640xf32, #tpu.memory_space<hbm>>)
      tpu.yield
    }) : () -> ()
    return
  }
}

#map = affine_map<(d0, d1) -> (0, 0)>
#map1 = affine_map<(d0, d1) -> (0, 0, 0, 0)>
#map2 = affine_map<(d0, d1) -> (0, 0, 0)>
module attributes {stable_mosaic.version = 14 : i64} {
  func.func @_sc_edge_body(%arg0: i32, %arg1: i32, %arg2: memref<14336x128xf32, #tpu.memory_space<hbm>>, %arg3: memref<32x160x3x128xi32, #tpu.memory_space<hbm>>, %arg4: memref<2x10240x128xf32, #tpu.memory_space<hbm>>, %arg5: memref<2x10240xf32, #tpu.memory_space<hbm>>, %arg6: memref<3x128xi32, #tpu.memory_space<vmem>>, %arg7: memref<3x128xi32, #tpu.memory_space<vmem>>, %arg8: memref<128x128xf32, #tpu.memory_space<vmem>>, %arg9: memref<128x128xf32, #tpu.memory_space<vmem>>, %arg10: memref<1x128xi32, #tpu.memory_space<vmem>>, %arg11: memref<1x128xi32, #tpu.memory_space<vmem>>, %arg12: memref<128xf32, #tpu.memory_space<vmem>>, %arg13: memref<640xf32, #tpu.memory_space<vmem>>, %arg14: memref<10240x128xf32, #tpu.memory_space<vmem_shared>>, %arg15: memref<10240xf32, #tpu.memory_space<vmem_shared>>, %arg16: memref<!tpu.dma_semaphore, #tpu.memory_space<semaphore_mem>>, %arg17: memref<!tpu.dma_semaphore, #tpu.memory_space<semaphore_mem>>, %arg18: memref<!tpu.dma_semaphore, #tpu.memory_space<semaphore_mem>>, %arg19: memref<!tpu.dma_semaphore, #tpu.memory_space<semaphore_mem>>, %arg20: memref<!tpu.dma_semaphore, #tpu.memory_space<semaphore_mem>>) attributes {dimension_semantics = [#tpu.dimension_semantics<core_parallel>, #tpu.dimension_semantics<subcore_parallel>], iteration_bounds = array<i64: 2, 16>, scalar_prefetch = 0 : i64, scratch_operands = 15 : i64, tpu.core_type = #tpu.core_type<sc_vector_subcore>, window_params = [{transform_indices = #map}, {transform_indices = #map1}, {transform_indices = #map2}, {transform_indices = #map}]} {
    %mul3A = arith.constant 16 : i32
    %mul3A_0 = arith.muli %arg0, %mul3A : i32
    %add3A = arith.addi %mul3A_0, %arg1 : i32
    %broadcast_in_dim3A = arith.constant 0.000000e+00 : f32
    %broadcast_in_dim3A_1 = vector.broadcast %broadcast_in_dim3A : f32 to vector<16xf32>
    %broadcast_in_dim3A_2 = arith.constant 1.000000e+00 : f32
    %broadcast_in_dim3A_3 = vector.broadcast %broadcast_in_dim3A_2 : f32 to vector<16xf32>
    %scan3A = arith.constant 0 : i32
    %scan3A_4 = arith.constant 0 : i32
    %scan3A_5 = arith.constant 128 : i32
    %scan3A_6 = arith.addi %scan3A_4, %scan3A_5 : i32
    %scan3A_7 = arith.constant 1 : i32
    %scan3A_8 = scf.for %scan3A_80 = %scan3A_4 to %scan3A_6 step %scan3A_7 iter_args(%scan3A_81 = %scan3A) -> (i32)  : i32 {
      %swap3A_82 = arith.index_cast %scan3A_80 : i32 to index
      %swap3A_83 = arith.constant 0 : index
      %swap3A_84 = tpu.vector_load %arg8[%swap3A_82, %swap3A_83] {strides = array<i32>} : memref<128x128xf32, #tpu.memory_space<vmem>>, vector<16xf32>,
      tpu.vector_store %arg8[%swap3A_82, %swap3A_83], %broadcast_in_dim3A_1 {strides = array<i32>} : memref<128x128xf32, #tpu.memory_space<vmem>>, vector<16xf32>,
      %swap3A_85 = arith.index_cast %scan3A_80 : i32 to index
      %swap3A_86 = arith.constant 16 : index
      %swap3A_87 = tpu.vector_load %arg8[%swap3A_85, %swap3A_86] {strides = array<i32>} : memref<128x128xf32, #tpu.memory_space<vmem>>, vector<16xf32>,
      tpu.vector_store %arg8[%swap3A_85, %swap3A_86], %broadcast_in_dim3A_1 {strides = array<i32>} : memref<128x128xf32, #tpu.memory_space<vmem>>, vector<16xf32>,
      %swap3A_88 = arith.index_cast %scan3A_80 : i32 to index
      %swap3A_89 = arith.constant 32 : index
      %swap3A_90 = tpu.vector_load %arg8[%swap3A_88, %swap3A_89] {strides = array<i32>} : memref<128x128xf32, #tpu.memory_space<vmem>>, vector<16xf32>,
      tpu.vector_store %arg8[%swap3A_88, %swap3A_89], %broadcast_in_dim3A_1 {strides = array<i32>} : memref<128x128xf32, #tpu.memory_space<vmem>>, vector<16xf32>,
      %swap3A_91 = arith.index_cast %scan3A_80 : i32 to index
      %swap3A_92 = arith.constant 48 : index
      %swap3A_93 = tpu.vector_load %arg8[%swap3A_91, %swap3A_92] {strides = array<i32>} : memref<128x128xf32, #tpu.memory_space<vmem>>, vector<16xf32>,
      tpu.vector_store %arg8[%swap3A_91, %swap3A_92], %broadcast_in_dim3A_1 {strides = array<i32>} : memref<128x128xf32, #tpu.memory_space<vmem>>, vector<16xf32>,
      %swap3A_94 = arith.index_cast %scan3A_80 : i32 to index
      %swap3A_95 = arith.constant 64 : index
      %swap3A_96 = tpu.vector_load %arg8[%swap3A_94, %swap3A_95] {strides = array<i32>} : memref<128x128xf32, #tpu.memory_space<vmem>>, vector<16xf32>,
      tpu.vector_store %arg8[%swap3A_94, %swap3A_95], %broadcast_in_dim3A_1 {strides = array<i32>} : memref<128x128xf32, #tpu.memory_space<vmem>>, vector<16xf32>,
      %swap3A_97 = arith.index_cast %scan3A_80 : i32 to index
      %swap3A_98 = arith.constant 80 : index
      %swap3A_99 = tpu.vector_load %arg8[%swap3A_97, %swap3A_98] {strides = array<i32>} : memref<128x128xf32, #tpu.memory_space<vmem>>, vector<16xf32>,
      tpu.vector_store %arg8[%swap3A_97, %swap3A_98], %broadcast_in_dim3A_1 {strides = array<i32>} : memref<128x128xf32, #tpu.memory_space<vmem>>, vector<16xf32>,
      %swap3A_100 = arith.index_cast %scan3A_80 : i32 to index
      %swap3A_101 = arith.constant 96 : index
      %swap3A_102 = tpu.vector_load %arg8[%swap3A_100, %swap3A_101] {strides = array<i32>} : memref<128x128xf32, #tpu.memory_space<vmem>>, vector<16xf32>,
      tpu.vector_store %arg8[%swap3A_100, %swap3A_101], %broadcast_in_dim3A_1 {strides = array<i32>} : memref<128x128xf32, #tpu.memory_space<vmem>>, vector<16xf32>,
      %swap3A_103 = arith.index_cast %scan3A_80 : i32 to index
      %swap3A_104 = arith.constant 112 : index
      %swap3A_105 = tpu.vector_load %arg8[%swap3A_103, %swap3A_104] {strides = array<i32>} : memref<128x128xf32, #tpu.memory_space<vmem>>, vector<16xf32>,
      tpu.vector_store %arg8[%swap3A_103, %swap3A_104], %broadcast_in_dim3A_1 {strides = array<i32>} : memref<128x128xf32, #tpu.memory_space<vmem>>, vector<16xf32>,
      %scan3A_106 = arith.constant 0 : i32
      scf.yield %scan3A_106 : i32
    }
    %scan3A_9 = arith.constant 128 : i32
    %swap3A = arith.constant 0 : index
    %swap3A_10 = tpu.vector_load %arg12[%swap3A] {strides = array<i32>} : memref<128xf32, #tpu.memory_space<vmem>>, vector<16xf32>,
    tpu.vector_store %arg12[%swap3A], %broadcast_in_dim3A_3 {strides = array<i32>} : memref<128xf32, #tpu.memory_space<vmem>>, vector<16xf32>,
    %swap3A_11 = arith.constant 16 : index
    %swap3A_12 = tpu.vector_load %arg12[%swap3A_11] {strides = array<i32>} : memref<128xf32, #tpu.memory_space<vmem>>, vector<16xf32>,
    tpu.vector_store %arg12[%swap3A_11], %broadcast_in_dim3A_3 {strides = array<i32>} : memref<128xf32, #tpu.memory_space<vmem>>, vector<16xf32>,
    %swap3A_13 = arith.constant 32 : index
    %swap3A_14 = tpu.vector_load %arg12[%swap3A_13] {strides = array<i32>} : memref<128xf32, #tpu.memory_space<vmem>>, vector<16xf32>,
    tpu.vector_store %arg12[%swap3A_13], %broadcast_in_dim3A_3 {strides = array<i32>} : memref<128xf32, #tpu.memory_space<vmem>>, vector<16xf32>,
    %swap3A_15 = arith.constant 48 : index
    %swap3A_16 = tpu.vector_load %arg12[%swap3A_15] {strides = array<i32>} : memref<128xf32, #tpu.memory_space<vmem>>, vector<16xf32>,
    tpu.vector_store %arg12[%swap3A_15], %broadcast_in_dim3A_3 {strides = array<i32>} : memref<128xf32, #tpu.memory_space<vmem>>, vector<16xf32>,
    %swap3A_17 = arith.constant 64 : index
    %swap3A_18 = tpu.vector_load %arg12[%swap3A_17] {strides = array<i32>} : memref<128xf32, #tpu.memory_space<vmem>>, vector<16xf32>,
    tpu.vector_store %arg12[%swap3A_17], %broadcast_in_dim3A_3 {strides = array<i32>} : memref<128xf32, #tpu.memory_space<vmem>>, vector<16xf32>,
    %swap3A_19 = arith.constant 80 : index
    %swap3A_20 = tpu.vector_load %arg12[%swap3A_19] {strides = array<i32>} : memref<128xf32, #tpu.memory_space<vmem>>, vector<16xf32>,
    tpu.vector_store %arg12[%swap3A_19], %broadcast_in_dim3A_3 {strides = array<i32>} : memref<128xf32, #tpu.memory_space<vmem>>, vector<16xf32>,
    %swap3A_21 = arith.constant 96 : index
    %swap3A_22 = tpu.vector_load %arg12[%swap3A_21] {strides = array<i32>} : memref<128xf32, #tpu.memory_space<vmem>>, vector<16xf32>,
    tpu.vector_store %arg12[%swap3A_21], %broadcast_in_dim3A_3 {strides = array<i32>} : memref<128xf32, #tpu.memory_space<vmem>>, vector<16xf32>,
    %swap3A_23 = arith.constant 112 : index
    %swap3A_24 = tpu.vector_load %arg12[%swap3A_23] {strides = array<i32>} : memref<128xf32, #tpu.memory_space<vmem>>, vector<16xf32>,
    tpu.vector_store %arg12[%swap3A_23], %broadcast_in_dim3A_3 {strides = array<i32>} : memref<128xf32, #tpu.memory_space<vmem>>, vector<16xf32>,
    %scan3A_25 = arith.constant 0 : i32
    %scan3A_26 = arith.constant 0 : i32
    %scan3A_27 = arith.constant 40 : i32
    %scan3A_28 = arith.addi %scan3A_26, %scan3A_27 : i32
    %scan3A_29 = arith.constant 1 : i32
    %scan3A_30 = scf.for %scan3A_80 = %scan3A_26 to %scan3A_28 step %scan3A_29 iter_args(%scan3A_81 = %scan3A_25) -> (i32)  : i32 {
      %mul3A_82 = arith.constant 16 : i32
      %mul3A_83 = arith.muli %scan3A_80, %mul3A_82 : i32
      %swap3A_84 = arith.index_cast %mul3A_83 : i32 to index
      %swap3A_85 = tpu.vector_load %arg13[%swap3A_84] {strides = array<i32>} : memref<640xf32, #tpu.memory_space<vmem>>, vector<16xf32>,
      tpu.vector_store %arg13[%swap3A_84], %broadcast_in_dim3A_1 {strides = array<i32>} : memref<640xf32, #tpu.memory_space<vmem>>, vector<16xf32>,
      %scan3A_86 = arith.constant 0 : i32
      scf.yield %scan3A_86 : i32
    }
    %scan3A_31 = arith.constant 40 : i32
    %mul3A_32 = arith.constant 640 : i32
    %mul3A_33 = arith.muli %arg1, %mul3A_32 : i32
    %add3A_34 = arith.constant 0 : i32
    %add3A_35 = arith.addi %mul3A_33, %add3A_34 : i32
    "tpu.region"() ({
      %run_scoped3A_80 = tpu.sem_alloc : memref<!tpu.dma_semaphore, #tpu.memory_space<semaphore_mem>>
      %dma_start3A_81 = arith.constant 0 : i32
      %dma_start3A_82 = arith.constant 0 : i32
      %dma_start3A_83 = tpu.memref_slice %arg8[%dma_start3A_81, %dma_start3A_82] : memref<128x128xf32, #tpu.memory_space<vmem>> -> memref<128x128xf32, #tpu.memory_space<vmem>>
      %dma_start3A_84 = arith.constant 0 : i32
      %dma_start3A_85 = tpu.memref_slice %arg14[%add3A_35, %dma_start3A_84] : memref<10240x128xf32, #tpu.memory_space<vmem_shared>> -> memref<128x128xf32, #tpu.memory_space<vmem_shared>>
      %dma_start3A_86 = arith.constant 0 : i32
      %dma_start3A_87 = tpu.memref_slice %arg14[%add3A_35, %dma_start3A_86] : memref<10240x128xf32, #tpu.memory_space<vmem_shared>> -> memref<128x128xf32, #tpu.memory_space<vmem_shared>>
      %dma_start3A_88 = arith.constant 0 : i32
      %dma_start3A_89 = arith.constant 0 : i32
      %dma_start3A_90 = tpu.memref_slice %arg8[%dma_start3A_88, %dma_start3A_89] : memref<128x128xf32, #tpu.memory_space<vmem>> -> memref<128x128xf32, #tpu.memory_space<vmem>>
      tpu.enqueue_dma source(%dma_start3A_90 : memref<128x128xf32, #tpu.memory_space<vmem>>) target(%dma_start3A_87 : memref<128x128xf32, #tpu.memory_space<vmem_shared>>) target_semaphore(%run_scoped3A_80 : memref<!tpu.dma_semaphore, #tpu.memory_space<semaphore_mem>>)
      %dma_wait3A_91 = arith.constant 0 : i32
      %dma_wait3A_92 = arith.constant 0 : i32
      %dma_wait3A_93 = tpu.memref_slice %arg8[%dma_wait3A_91, %dma_wait3A_92] : memref<128x128xf32, #tpu.memory_space<vmem>> -> memref<128x128xf32, #tpu.memory_space<vmem>>
      %dma_wait3A_94 = arith.constant 0 : i32
      %dma_wait3A_95 = tpu.memref_slice %arg14[%add3A_35, %dma_wait3A_94] : memref<10240x128xf32, #tpu.memory_space<vmem_shared>> -> memref<128x128xf32, #tpu.memory_space<vmem_shared>>
      %dma_wait3A_96 = arith.constant 0 : i32
      %dma_wait3A_97 = tpu.memref_slice %arg14[%add3A_35, %dma_wait3A_96] : memref<10240x128xf32, #tpu.memory_space<vmem_shared>> -> memref<128x128xf32, #tpu.memory_space<vmem_shared>>
      %dma_wait3A_98 = arith.constant 0 : i32
      %dma_wait3A_99 = arith.constant 0 : i32
      %dma_wait3A_100 = tpu.memref_slice %arg8[%dma_wait3A_98, %dma_wait3A_99] : memref<128x128xf32, #tpu.memory_space<vmem>> -> memref<128x128xf32, #tpu.memory_space<vmem>>
      tpu.wait_dma2 semaphore(%run_scoped3A_80 : memref<!tpu.dma_semaphore, #tpu.memory_space<semaphore_mem>>) src(%dma_wait3A_100 : memref<128x128xf32, #tpu.memory_space<vmem>>) dst(%dma_wait3A_97 : memref<128x128xf32, #tpu.memory_space<vmem_shared>>)
      tpu.yield
    }) : () -> ()
    %add3A_36 = arith.constant 128 : i32
    %add3A_37 = arith.addi %mul3A_33, %add3A_36 : i32
    "tpu.region"() ({
      %run_scoped3A_80 = tpu.sem_alloc : memref<!tpu.dma_semaphore, #tpu.memory_space<semaphore_mem>>
      %dma_start3A_81 = arith.constant 0 : i32
      %dma_start3A_82 = arith.constant 0 : i32
      %dma_start3A_83 = tpu.memref_slice %arg8[%dma_start3A_81, %dma_start3A_82] : memref<128x128xf32, #tpu.memory_space<vmem>> -> memref<128x128xf32, #tpu.memory_space<vmem>>
      %dma_start3A_84 = arith.constant 0 : i32
      %dma_start3A_85 = tpu.memref_slice %arg14[%add3A_37, %dma_start3A_84] : memref<10240x128xf32, #tpu.memory_space<vmem_shared>> -> memref<128x128xf32, #tpu.memory_space<vmem_shared>>
      %dma_start3A_86 = arith.constant 0 : i32
      %dma_start3A_87 = tpu.memref_slice %arg14[%add3A_37, %dma_start3A_86] : memref<10240x128xf32, #tpu.memory_space<vmem_shared>> -> memref<128x128xf32, #tpu.memory_space<vmem_shared>>
      %dma_start3A_88 = arith.constant 0 : i32
      %dma_start3A_89 = arith.constant 0 : i32
      %dma_start3A_90 = tpu.memref_slice %arg8[%dma_start3A_88, %dma_start3A_89] : memref<128x128xf32, #tpu.memory_space<vmem>> -> memref<128x128xf32, #tpu.memory_space<vmem>>
      tpu.enqueue_dma source(%dma_start3A_90 : memref<128x128xf32, #tpu.memory_space<vmem>>) target(%dma_start3A_87 : memref<128x128xf32, #tpu.memory_space<vmem_shared>>) target_semaphore(%run_scoped3A_80 : memref<!tpu.dma_semaphore, #tpu.memory_space<semaphore_mem>>)
      %dma_wait3A_91 = arith.constant 0 : i32
      %dma_wait3A_92 = arith.constant 0 : i32
      %dma_wait3A_93 = tpu.memref_slice %arg8[%dma_wait3A_91, %dma_wait3A_92] : memref<128x128xf32, #tpu.memory_space<vmem>> -> memref<128x128xf32, #tpu.memory_space<vmem>>
      %dma_wait3A_94 = arith.constant 0 : i32
      %dma_wait3A_95 = tpu.memref_slice %arg14[%add3A_37, %dma_wait3A_94] : memref<10240x128xf32, #tpu.memory_space<vmem_shared>> -> memref<128x128xf32, #tpu.memory_space<vmem_shared>>
      %dma_wait3A_96 = arith.constant 0 : i32
      %dma_wait3A_97 = tpu.memref_slice %arg14[%add3A_37, %dma_wait3A_96] : memref<10240x128xf32, #tpu.memory_space<vmem_shared>> -> memref<128x128xf32, #tpu.memory_space<vmem_shared>>
      %dma_wait3A_98 = arith.constant 0 : i32
      %dma_wait3A_99 = arith.constant 0 : i32
      %dma_wait3A_100 = tpu.memref_slice %arg8[%dma_wait3A_98, %dma_wait3A_99] : memref<128x128xf32, #tpu.memory_space<vmem>> -> memref<128x128xf32, #tpu.memory_space<vmem>>
      tpu.wait_dma2 semaphore(%run_scoped3A_80 : memref<!tpu.dma_semaphore, #tpu.memory_space<semaphore_mem>>) src(%dma_wait3A_100 : memref<128x128xf32, #tpu.memory_space<vmem>>) dst(%dma_wait3A_97 : memref<128x128xf32, #tpu.memory_space<vmem_shared>>)
      tpu.yield
    }) : () -> ()
    %add3A_38 = arith.constant 256 : i32
    %add3A_39 = arith.addi %mul3A_33, %add3A_38 : i32
    "tpu.region"() ({
      %run_scoped3A_80 = tpu.sem_alloc : memref<!tpu.dma_semaphore, #tpu.memory_space<semaphore_mem>>
      %dma_start3A_81 = arith.constant 0 : i32
      %dma_start3A_82 = arith.constant 0 : i32
      %dma_start3A_83 = tpu.memref_slice %arg8[%dma_start3A_81, %dma_start3A_82] : memref<128x128xf32, #tpu.memory_space<vmem>> -> memref<128x128xf32, #tpu.memory_space<vmem>>
      %dma_start3A_84 = arith.constant 0 : i32
      %dma_start3A_85 = tpu.memref_slice %arg14[%add3A_39, %dma_start3A_84] : memref<10240x128xf32, #tpu.memory_space<vmem_shared>> -> memref<128x128xf32, #tpu.memory_space<vmem_shared>>
      %dma_start3A_86 = arith.constant 0 : i32
      %dma_start3A_87 = tpu.memref_slice %arg14[%add3A_39, %dma_start3A_86] : memref<10240x128xf32, #tpu.memory_space<vmem_shared>> -> memref<128x128xf32, #tpu.memory_space<vmem_shared>>
      %dma_start3A_88 = arith.constant 0 : i32
      %dma_start3A_89 = arith.constant 0 : i32
      %dma_start3A_90 = tpu.memref_slice %arg8[%dma_start3A_88, %dma_start3A_89] : memref<128x128xf32, #tpu.memory_space<vmem>> -> memref<128x128xf32, #tpu.memory_space<vmem>>
      tpu.enqueue_dma source(%dma_start3A_90 : memref<128x128xf32, #tpu.memory_space<vmem>>) target(%dma_start3A_87 : memref<128x128xf32, #tpu.memory_space<vmem_shared>>) target_semaphore(%run_scoped3A_80 : memref<!tpu.dma_semaphore, #tpu.memory_space<semaphore_mem>>)
      %dma_wait3A_91 = arith.constant 0 : i32
      %dma_wait3A_92 = arith.constant 0 : i32
      %dma_wait3A_93 = tpu.memref_slice %arg8[%dma_wait3A_91, %dma_wait3A_92] : memref<128x128xf32, #tpu.memory_space<vmem>> -> memref<128x128xf32, #tpu.memory_space<vmem>>
      %dma_wait3A_94 = arith.constant 0 : i32
      %dma_wait3A_95 = tpu.memref_slice %arg14[%add3A_39, %dma_wait3A_94] : memref<10240x128xf32, #tpu.memory_space<vmem_shared>> -> memref<128x128xf32, #tpu.memory_space<vmem_shared>>
      %dma_wait3A_96 = arith.constant 0 : i32
      %dma_wait3A_97 = tpu.memref_slice %arg14[%add3A_39, %dma_wait3A_96] : memref<10240x128xf32, #tpu.memory_space<vmem_shared>> -> memref<128x128xf32, #tpu.memory_space<vmem_shared>>
      %dma_wait3A_98 = arith.constant 0 : i32
      %dma_wait3A_99 = arith.constant 0 : i32
      %dma_wait3A_100 = tpu.memref_slice %arg8[%dma_wait3A_98, %dma_wait3A_99] : memref<128x128xf32, #tpu.memory_space<vmem>> -> memref<128x128xf32, #tpu.memory_space<vmem>>
      tpu.wait_dma2 semaphore(%run_scoped3A_80 : memref<!tpu.dma_semaphore, #tpu.memory_space<semaphore_mem>>) src(%dma_wait3A_100 : memref<128x128xf32, #tpu.memory_space<vmem>>) dst(%dma_wait3A_97 : memref<128x128xf32, #tpu.memory_space<vmem_shared>>)
      tpu.yield
    }) : () -> ()
    %add3A_40 = arith.constant 384 : i32
    %add3A_41 = arith.addi %mul3A_33, %add3A_40 : i32
    "tpu.region"() ({
      %run_scoped3A_80 = tpu.sem_alloc : memref<!tpu.dma_semaphore, #tpu.memory_space<semaphore_mem>>
      %dma_start3A_81 = arith.constant 0 : i32
      %dma_start3A_82 = arith.constant 0 : i32
      %dma_start3A_83 = tpu.memref_slice %arg8[%dma_start3A_81, %dma_start3A_82] : memref<128x128xf32, #tpu.memory_space<vmem>> -> memref<128x128xf32, #tpu.memory_space<vmem>>
      %dma_start3A_84 = arith.constant 0 : i32
      %dma_start3A_85 = tpu.memref_slice %arg14[%add3A_41, %dma_start3A_84] : memref<10240x128xf32, #tpu.memory_space<vmem_shared>> -> memref<128x128xf32, #tpu.memory_space<vmem_shared>>
      %dma_start3A_86 = arith.constant 0 : i32
      %dma_start3A_87 = tpu.memref_slice %arg14[%add3A_41, %dma_start3A_86] : memref<10240x128xf32, #tpu.memory_space<vmem_shared>> -> memref<128x128xf32, #tpu.memory_space<vmem_shared>>
      %dma_start3A_88 = arith.constant 0 : i32
      %dma_start3A_89 = arith.constant 0 : i32
      %dma_start3A_90 = tpu.memref_slice %arg8[%dma_start3A_88, %dma_start3A_89] : memref<128x128xf32, #tpu.memory_space<vmem>> -> memref<128x128xf32, #tpu.memory_space<vmem>>
      tpu.enqueue_dma source(%dma_start3A_90 : memref<128x128xf32, #tpu.memory_space<vmem>>) target(%dma_start3A_87 : memref<128x128xf32, #tpu.memory_space<vmem_shared>>) target_semaphore(%run_scoped3A_80 : memref<!tpu.dma_semaphore, #tpu.memory_space<semaphore_mem>>)
      %dma_wait3A_91 = arith.constant 0 : i32
      %dma_wait3A_92 = arith.constant 0 : i32
      %dma_wait3A_93 = tpu.memref_slice %arg8[%dma_wait3A_91, %dma_wait3A_92] : memref<128x128xf32, #tpu.memory_space<vmem>> -> memref<128x128xf32, #tpu.memory_space<vmem>>
      %dma_wait3A_94 = arith.constant 0 : i32
      %dma_wait3A_95 = tpu.memref_slice %arg14[%add3A_41, %dma_wait3A_94] : memref<10240x128xf32, #tpu.memory_space<vmem_shared>> -> memref<128x128xf32, #tpu.memory_space<vmem_shared>>
      %dma_wait3A_96 = arith.constant 0 : i32
      %dma_wait3A_97 = tpu.memref_slice %arg14[%add3A_41, %dma_wait3A_96] : memref<10240x128xf32, #tpu.memory_space<vmem_shared>> -> memref<128x128xf32, #tpu.memory_space<vmem_shared>>
      %dma_wait3A_98 = arith.constant 0 : i32
      %dma_wait3A_99 = arith.constant 0 : i32
      %dma_wait3A_100 = tpu.memref_slice %arg8[%dma_wait3A_98, %dma_wait3A_99] : memref<128x128xf32, #tpu.memory_space<vmem>> -> memref<128x128xf32, #tpu.memory_space<vmem>>
      tpu.wait_dma2 semaphore(%run_scoped3A_80 : memref<!tpu.dma_semaphore, #tpu.memory_space<semaphore_mem>>) src(%dma_wait3A_100 : memref<128x128xf32, #tpu.memory_space<vmem>>) dst(%dma_wait3A_97 : memref<128x128xf32, #tpu.memory_space<vmem_shared>>)
      tpu.yield
    }) : () -> ()
    %add3A_42 = arith.constant 512 : i32
    %add3A_43 = arith.addi %mul3A_33, %add3A_42 : i32
    "tpu.region"() ({
      %run_scoped3A_80 = tpu.sem_alloc : memref<!tpu.dma_semaphore, #tpu.memory_space<semaphore_mem>>
      %dma_start3A_81 = arith.constant 0 : i32
      %dma_start3A_82 = arith.constant 0 : i32
      %dma_start3A_83 = tpu.memref_slice %arg8[%dma_start3A_81, %dma_start3A_82] : memref<128x128xf32, #tpu.memory_space<vmem>> -> memref<128x128xf32, #tpu.memory_space<vmem>>
      %dma_start3A_84 = arith.constant 0 : i32
      %dma_start3A_85 = tpu.memref_slice %arg14[%add3A_43, %dma_start3A_84] : memref<10240x128xf32, #tpu.memory_space<vmem_shared>> -> memref<128x128xf32, #tpu.memory_space<vmem_shared>>
      %dma_start3A_86 = arith.constant 0 : i32
      %dma_start3A_87 = tpu.memref_slice %arg14[%add3A_43, %dma_start3A_86] : memref<10240x128xf32, #tpu.memory_space<vmem_shared>> -> memref<128x128xf32, #tpu.memory_space<vmem_shared>>
      %dma_start3A_88 = arith.constant 0 : i32
      %dma_start3A_89 = arith.constant 0 : i32
      %dma_start3A_90 = tpu.memref_slice %arg8[%dma_start3A_88, %dma_start3A_89] : memref<128x128xf32, #tpu.memory_space<vmem>> -> memref<128x128xf32, #tpu.memory_space<vmem>>
      tpu.enqueue_dma source(%dma_start3A_90 : memref<128x128xf32, #tpu.memory_space<vmem>>) target(%dma_start3A_87 : memref<128x128xf32, #tpu.memory_space<vmem_shared>>) target_semaphore(%run_scoped3A_80 : memref<!tpu.dma_semaphore, #tpu.memory_space<semaphore_mem>>)
      %dma_wait3A_91 = arith.constant 0 : i32
      %dma_wait3A_92 = arith.constant 0 : i32
      %dma_wait3A_93 = tpu.memref_slice %arg8[%dma_wait3A_91, %dma_wait3A_92] : memref<128x128xf32, #tpu.memory_space<vmem>> -> memref<128x128xf32, #tpu.memory_space<vmem>>
      %dma_wait3A_94 = arith.constant 0 : i32
      %dma_wait3A_95 = tpu.memref_slice %arg14[%add3A_43, %dma_wait3A_94] : memref<10240x128xf32, #tpu.memory_space<vmem_shared>> -> memref<128x128xf32, #tpu.memory_space<vmem_shared>>
      %dma_wait3A_96 = arith.constant 0 : i32
      %dma_wait3A_97 = tpu.memref_slice %arg14[%add3A_43, %dma_wait3A_96] : memref<10240x128xf32, #tpu.memory_space<vmem_shared>> -> memref<128x128xf32, #tpu.memory_space<vmem_shared>>
      %dma_wait3A_98 = arith.constant 0 : i32
      %dma_wait3A_99 = arith.constant 0 : i32
      %dma_wait3A_100 = tpu.memref_slice %arg8[%dma_wait3A_98, %dma_wait3A_99] : memref<128x128xf32, #tpu.memory_space<vmem>> -> memref<128x128xf32, #tpu.memory_space<vmem>>
      tpu.wait_dma2 semaphore(%run_scoped3A_80 : memref<!tpu.dma_semaphore, #tpu.memory_space<semaphore_mem>>) src(%dma_wait3A_100 : memref<128x128xf32, #tpu.memory_space<vmem>>) dst(%dma_wait3A_97 : memref<128x128xf32, #tpu.memory_space<vmem_shared>>)
      tpu.yield
    }) : () -> ()
    %barrier3A = arith.constant 0 : index
    tpu.barrier barrier_id(%barrier3A)
    %run_scoped3A = arith.constant 0 : i32
    "tpu.region"() ({
      %run_scoped3A_80 = tpu.sem_alloc : memref<!tpu.dma_semaphore, #tpu.memory_space<semaphore_mem>>
      %dma_start3A_81 = arith.constant 0 : i32
      %dma_start3A_82 = arith.constant 0 : i32
      %dma_start3A_83 = tpu.memref_slice %arg3[%add3A, %run_scoped3A, %dma_start3A_81, %dma_start3A_82] : memref<32x160x3x128xi32, #tpu.memory_space<hbm>> -> memref<1x1x3x128xi32, #tpu.memory_space<hbm>>
      %dma_start3A_84 = tpu.memref_squeeze %dma_start3A_83 : memref<1x1x3x128xi32, #tpu.memory_space<hbm>> -> memref<3x128xi32, #tpu.memory_space<hbm>>
      %dma_start3A_85 = arith.constant 0 : i32
      %dma_start3A_86 = arith.constant 0 : i32
      %dma_start3A_87 = tpu.memref_slice %arg3[%add3A, %run_scoped3A, %dma_start3A_85, %dma_start3A_86] : memref<32x160x3x128xi32, #tpu.memory_space<hbm>> -> memref<1x1x3x128xi32, #tpu.memory_space<hbm>>
      %dma_start3A_88 = tpu.memref_squeeze %dma_start3A_87 : memref<1x1x3x128xi32, #tpu.memory_space<hbm>> -> memref<3x128xi32, #tpu.memory_space<hbm>>
      tpu.enqueue_dma source(%dma_start3A_88 : memref<3x128xi32, #tpu.memory_space<hbm>>) target(%arg6 : memref<3x128xi32, #tpu.memory_space<vmem>>) target_semaphore(%run_scoped3A_80 : memref<!tpu.dma_semaphore, #tpu.memory_space<semaphore_mem>>)
      %dma_wait3A_89 = arith.constant 0 : i32
      %dma_wait3A_90 = arith.constant 0 : i32
      %dma_wait3A_91 = tpu.memref_slice %arg3[%add3A, %run_scoped3A, %dma_wait3A_89, %dma_wait3A_90] : memref<32x160x3x128xi32, #tpu.memory_space<hbm>> -> memref<1x1x3x128xi32, #tpu.memory_space<hbm>>
      %dma_wait3A_92 = tpu.memref_squeeze %dma_wait3A_91 : memref<1x1x3x128xi32, #tpu.memory_space<hbm>> -> memref<3x128xi32, #tpu.memory_space<hbm>>
      %dma_wait3A_93 = arith.constant 0 : i32
      %dma_wait3A_94 = arith.constant 0 : i32
      %dma_wait3A_95 = tpu.memref_slice %arg3[%add3A, %run_scoped3A, %dma_wait3A_93, %dma_wait3A_94] : memref<32x160x3x128xi32, #tpu.memory_space<hbm>> -> memref<1x1x3x128xi32, #tpu.memory_space<hbm>>
      %dma_wait3A_96 = tpu.memref_squeeze %dma_wait3A_95 : memref<1x1x3x128xi32, #tpu.memory_space<hbm>> -> memref<3x128xi32, #tpu.memory_space<hbm>>
      tpu.wait_dma2 semaphore(%run_scoped3A_80 : memref<!tpu.dma_semaphore, #tpu.memory_space<semaphore_mem>>) src(%dma_wait3A_96 : memref<3x128xi32, #tpu.memory_space<hbm>>) dst(%arg6 : memref<3x128xi32, #tpu.memory_space<vmem>>)
      tpu.yield
    }) : () -> ()
    %dma_start3A = arith.constant 0 : i32
    %dma_start3A_44 = arith.constant 0 : i32
    %dma_start3A_45 = tpu.memref_slice %arg6[%dma_start3A, %dma_start3A_44] : memref<3x128xi32, #tpu.memory_space<vmem>> -> memref<1x128xi32, #tpu.memory_space<vmem>>
    %dma_start3A_46 = tpu.memref_squeeze %dma_start3A_45 : memref<1x128xi32, #tpu.memory_space<vmem>> -> memref<128xi32, #tpu.memory_space<vmem>>
    %dma_start3A_47 = arith.constant 0 : i32
    %dma_start3A_48 = arith.constant 0 : i32
    %dma_start3A_49 = tpu.memref_slice %arg2[%dma_start3A_47, %dma_start3A_48] : memref<14336x128xf32, #tpu.memory_space<hbm>> -> memref<14336x128xf32, #tpu.memory_space<hbm>>
    tpu.enqueue_indirect_dma source(%dma_start3A_49 : memref<14336x128xf32, #tpu.memory_space<hbm>>) target(%arg8 : memref<128x128xf32, #tpu.memory_space<vmem>>) offsets(%dma_start3A_46 : memref<128xi32, #tpu.memory_space<vmem>>) semaphore(%arg17 : memref<!tpu.dma_semaphore, #tpu.memory_space<semaphore_mem>>)
    %dma_start3A_50 = arith.constant 1 : i32
    %dma_start3A_51 = arith.constant 0 : i32
    %dma_start3A_52 = arith.constant 0 : i32
    %dma_start3A_53 = tpu.memref_slice %arg3[%add3A, %dma_start3A_50, %dma_start3A_51, %dma_start3A_52] : memref<32x160x3x128xi32, #tpu.memory_space<hbm>> -> memref<1x1x3x128xi32, #tpu.memory_space<hbm>>
    %dma_start3A_54 = tpu.memref_squeeze %dma_start3A_53 : memref<1x1x3x128xi32, #tpu.memory_space<hbm>> -> memref<3x128xi32, #tpu.memory_space<hbm>>
    %dma_start3A_55 = arith.constant 0 : i32
    %dma_start3A_56 = arith.constant 0 : i32
    %dma_start3A_57 = tpu.memref_slice %arg3[%add3A, %dma_start3A_50, %dma_start3A_55, %dma_start3A_56] : memref<32x160x3x128xi32, #tpu.memory_space<hbm>> -> memref<1x1x3x128xi32, #tpu.memory_space<hbm>>
    %dma_start3A_58 = tpu.memref_squeeze %dma_start3A_57 : memref<1x1x3x128xi32, #tpu.memory_space<hbm>> -> memref<3x128xi32, #tpu.memory_space<hbm>>
    tpu.enqueue_dma source(%dma_start3A_58 : memref<3x128xi32, #tpu.memory_space<hbm>>) target(%arg7 : memref<3x128xi32, #tpu.memory_space<vmem>>) target_semaphore(%arg16 : memref<!tpu.dma_semaphore, #tpu.memory_space<semaphore_mem>>)
    %scan3A_59 = arith.constant 0 : i32
    %scan3A_60 = arith.constant 0 : i32
    %scan3A_61 = arith.constant 80 : i32
    %scan3A_62 = arith.addi %scan3A_60, %scan3A_61 : i32
    %scan3A_63 = arith.constant 1 : i32
    %scan3A_64 = scf.for %scan3A_80 = %scan3A_60 to %scan3A_62 step %scan3A_63 iter_args(%scan3A_81 = %scan3A_59) -> (i32)  : i32 {
      %mul3A_82 = arith.constant 2 : i32
      %mul3A_83 = arith.muli %mul3A_82, %scan3A_80 : i32
      %add3A_84 = arith.constant 0 : i32
      %add3A_85 = arith.addi %mul3A_83, %add3A_84 : i32
      %add3A_86 = arith.constant 1 : i32
      %add3A_87 = arith.addi %add3A_85, %add3A_86 : i32
      %lt3A = arith.constant 160 : i32
      %lt3A_88 = arith.cmpi slt, %add3A_87, %lt3A : i32
      %convert_element_type3A = arith.extui %lt3A_88 : i1 to i32
      %cond3A = arith.constant 0 : i32
      %cond3A_89 = arith.cmpi ne, %convert_element_type3A, %cond3A : i32
      scf.if %cond3A_89 {
        %dma_wait3A_271 = arith.constant 0 : i32
        %dma_wait3A_272 = arith.constant 0 : i32
        %dma_wait3A_273 = arith.constant 0 : i32
        %dma_wait3A_274 = tpu.memref_slice %arg3[%add3A, %dma_wait3A_271, %dma_wait3A_272, %dma_wait3A_273] : memref<32x160x3x128xi32, #tpu.memory_space<hbm>> -> memref<1x1x3x128xi32, #tpu.memory_space<hbm>>
        %dma_wait3A_275 = tpu.memref_squeeze %dma_wait3A_274 : memref<1x1x3x128xi32, #tpu.memory_space<hbm>> -> memref<3x128xi32, #tpu.memory_space<hbm>>
        %dma_wait3A_276 = arith.constant 0 : i32
        %dma_wait3A_277 = arith.constant 0 : i32
        %dma_wait3A_278 = tpu.memref_slice %arg3[%add3A, %dma_wait3A_271, %dma_wait3A_276, %dma_wait3A_277] : memref<32x160x3x128xi32, #tpu.memory_space<hbm>> -> memref<1x1x3x128xi32, #tpu.memory_space<hbm>>
        %dma_wait3A_279 = tpu.memref_squeeze %dma_wait3A_278 : memref<1x1x3x128xi32, #tpu.memory_space<hbm>> -> memref<3x128xi32, #tpu.memory_space<hbm>>
        tpu.wait_dma2 semaphore(%arg16 : memref<!tpu.dma_semaphore, #tpu.memory_space<semaphore_mem>>) src(%dma_wait3A_279 : memref<3x128xi32, #tpu.memory_space<hbm>>) dst(%arg7 : memref<3x128xi32, #tpu.memory_space<vmem>>)
        %ge3A = arith.constant 1 : i32
        %ge3A_280 = arith.cmpi sge, %add3A_85, %ge3A : i32
        %convert_element_type3A_281 = arith.extui %ge3A_280 : i1 to i32
        %cond3A_282 = arith.constant 0 : i32
        %cond3A_283 = arith.cmpi ne, %convert_element_type3A_281, %cond3A_282 : i32
        scf.if %cond3A_283 {
          %dma_wait3A_291 = arith.constant 0 : i32
          %dma_wait3A_292 = arith.constant 0 : i32
          %dma_wait3A_293 = tpu.memref_slice %arg11[%dma_wait3A_291, %dma_wait3A_292] : memref<1x128xi32, #tpu.memory_space<vmem>> -> memref<1x128xi32, #tpu.memory_space<vmem>>
          %dma_wait3A_294 = tpu.memref_squeeze %dma_wait3A_293 : memref<1x128xi32, #tpu.memory_space<vmem>> -> memref<128xi32, #tpu.memory_space<vmem>>
          %dma_wait3A_295 = arith.constant 0 : i32
          %dma_wait3A_296 = arith.constant 0 : i32
          %dma_wait3A_297 = tpu.memref_slice %arg14[%dma_wait3A_295, %dma_wait3A_296] : memref<10240x128xf32, #tpu.memory_space<vmem_shared>> -> memref<10240x128xf32, #tpu.memory_space<vmem_shared>>
          tpu.wait_indirect_dma semaphore(%arg20 : memref<!tpu.dma_semaphore, #tpu.memory_space<semaphore_mem>>) src(%arg9 : memref<128x128xf32, #tpu.memory_space<vmem>>) dst(%dma_wait3A_297 : memref<10240x128xf32, #tpu.memory_space<vmem_shared>>)
        } else {
        }
        %dma_start3A_284 = arith.constant 0 : i32
        %dma_start3A_285 = arith.constant 0 : i32
        %dma_start3A_286 = tpu.memref_slice %arg7[%dma_start3A_284, %dma_start3A_285] : memref<3x128xi32, #tpu.memory_space<vmem>> -> memref<1x128xi32, #tpu.memory_space<vmem>>
        %dma_start3A_287 = tpu.memref_squeeze %dma_start3A_286 : memref<1x128xi32, #tpu.memory_space<vmem>> -> memref<128xi32, #tpu.memory_space<vmem>>
        %dma_start3A_288 = arith.constant 0 : i32
        %dma_start3A_289 = arith.constant 0 : i32
        %dma_start3A_290 = tpu.memref_slice %arg2[%dma_start3A_288, %dma_start3A_289] : memref<14336x128xf32, #tpu.memory_space<hbm>> -> memref<14336x128xf32, #tpu.memory_space<hbm>>
        tpu.enqueue_indirect_dma source(%dma_start3A_290 : memref<14336x128xf32, #tpu.memory_space<hbm>>) target(%arg9 : memref<128x128xf32, #tpu.memory_space<vmem>>) offsets(%dma_start3A_287 : memref<128xi32, #tpu.memory_space<vmem>>) semaphore(%arg18 : memref<!tpu.dma_semaphore, #tpu.memory_space<semaphore_mem>>)
      } else {
      }
      %get3A = arith.constant 1 : i32
      %get3A_90 = arith.index_cast %get3A : i32 to index
      %get3A_91 = arith.constant 0 : index
      %get3A_92 = tpu.vector_load %arg6[%get3A_90, %get3A_91] {strides = array<i32>} : memref<3x128xi32, #tpu.memory_space<vmem>>, vector<16xi32>,
      %swap3A_93 = arith.constant 0 : i32
      %swap3A_94 = arith.index_cast %swap3A_93 : i32 to index
      %swap3A_95 = arith.constant 0 : index
      %swap3A_96 = tpu.vector_load %arg10[%swap3A_94, %swap3A_95] {strides = array<i32>} : memref<1x128xi32, #tpu.memory_space<vmem>>, vector<16xi32>,
      tpu.vector_store %arg10[%swap3A_94, %swap3A_95], %get3A_92 {strides = array<i32>} : memref<1x128xi32, #tpu.memory_space<vmem>>, vector<16xi32>,
      %get3A_97 = arith.constant 1 : i32
      %get3A_98 = arith.index_cast %get3A_97 : i32 to index
      %get3A_99 = arith.constant 16 : index
      %get3A_100 = tpu.vector_load %arg6[%get3A_98, %get3A_99] {strides = array<i32>} : memref<3x128xi32, #tpu.memory_space<vmem>>, vector<16xi32>,
      %swap3A_101 = arith.constant 0 : i32
      %swap3A_102 = arith.index_cast %swap3A_101 : i32 to index
      %swap3A_103 = arith.constant 16 : index
      %swap3A_104 = tpu.vector_load %arg10[%swap3A_102, %swap3A_103] {strides = array<i32>} : memref<1x128xi32, #tpu.memory_space<vmem>>, vector<16xi32>,
      tpu.vector_store %arg10[%swap3A_102, %swap3A_103], %get3A_100 {strides = array<i32>} : memref<1x128xi32, #tpu.memory_space<vmem>>, vector<16xi32>,
      %get3A_105 = arith.constant 1 : i32
      %get3A_106 = arith.index_cast %get3A_105 : i32 to index
      %get3A_107 = arith.constant 32 : index
      %get3A_108 = tpu.vector_load %arg6[%get3A_106, %get3A_107] {strides = array<i32>} : memref<3x128xi32, #tpu.memory_space<vmem>>, vector<16xi32>,
      %swap3A_109 = arith.constant 0 : i32
      %swap3A_110 = arith.index_cast %swap3A_109 : i32 to index
      %swap3A_111 = arith.constant 32 : index
      %swap3A_112 = tpu.vector_load %arg10[%swap3A_110, %swap3A_111] {strides = array<i32>} : memref<1x128xi32, #tpu.memory_space<vmem>>, vector<16xi32>,
      tpu.vector_store %arg10[%swap3A_110, %swap3A_111], %get3A_108 {strides = array<i32>} : memref<1x128xi32, #tpu.memory_space<vmem>>, vector<16xi32>,
      %get3A_113 = arith.constant 1 : i32
      %get3A_114 = arith.index_cast %get3A_113 : i32 to index
      %get3A_115 = arith.constant 48 : index
      %get3A_116 = tpu.vector_load %arg6[%get3A_114, %get3A_115] {strides = array<i32>} : memref<3x128xi32, #tpu.memory_space<vmem>>, vector<16xi32>,
      %swap3A_117 = arith.constant 0 : i32
      %swap3A_118 = arith.index_cast %swap3A_117 : i32 to index
      %swap3A_119 = arith.constant 48 : index
      %swap3A_120 = tpu.vector_load %arg10[%swap3A_118, %swap3A_119] {strides = array<i32>} : memref<1x128xi32, #tpu.memory_space<vmem>>, vector<16xi32>,
      tpu.vector_store %arg10[%swap3A_118, %swap3A_119], %get3A_116 {strides = array<i32>} : memref<1x128xi32, #tpu.memory_space<vmem>>, vector<16xi32>,
      %get3A_121 = arith.constant 1 : i32
      %get3A_122 = arith.index_cast %get3A_121 : i32 to index
      %get3A_123 = arith.constant 64 : index
      %get3A_124 = tpu.vector_load %arg6[%get3A_122, %get3A_123] {strides = array<i32>} : memref<3x128xi32, #tpu.memory_space<vmem>>, vector<16xi32>,
      %swap3A_125 = arith.constant 0 : i32
      %swap3A_126 = arith.index_cast %swap3A_125 : i32 to index
      %swap3A_127 = arith.constant 64 : index
      %swap3A_128 = tpu.vector_load %arg10[%swap3A_126, %swap3A_127] {strides = array<i32>} : memref<1x128xi32, #tpu.memory_space<vmem>>, vector<16xi32>,
      tpu.vector_store %arg10[%swap3A_126, %swap3A_127], %get3A_124 {strides = array<i32>} : memref<1x128xi32, #tpu.memory_space<vmem>>, vector<16xi32>,
      %get3A_129 = arith.constant 1 : i32
      %get3A_130 = arith.index_cast %get3A_129 : i32 to index
      %get3A_131 = arith.constant 80 : index
      %get3A_132 = tpu.vector_load %arg6[%get3A_130, %get3A_131] {strides = array<i32>} : memref<3x128xi32, #tpu.memory_space<vmem>>, vector<16xi32>,
      %swap3A_133 = arith.constant 0 : i32
      %swap3A_134 = arith.index_cast %swap3A_133 : i32 to index
      %swap3A_135 = arith.constant 80 : index
      %swap3A_136 = tpu.vector_load %arg10[%swap3A_134, %swap3A_135] {strides = array<i32>} : memref<1x128xi32, #tpu.memory_space<vmem>>, vector<16xi32>,
      tpu.vector_store %arg10[%swap3A_134, %swap3A_135], %get3A_132 {strides = array<i32>} : memref<1x128xi32, #tpu.memory_space<vmem>>, vector<16xi32>,
      %get3A_137 = arith.constant 1 : i32
      %get3A_138 = arith.index_cast %get3A_137 : i32 to index
      %get3A_139 = arith.constant 96 : index
      %get3A_140 = tpu.vector_load %arg6[%get3A_138, %get3A_139] {strides = array<i32>} : memref<3x128xi32, #tpu.memory_space<vmem>>, vector<16xi32>,
      %swap3A_141 = arith.constant 0 : i32
      %swap3A_142 = arith.index_cast %swap3A_141 : i32 to index
      %swap3A_143 = arith.constant 96 : index
      %swap3A_144 = tpu.vector_load %arg10[%swap3A_142, %swap3A_143] {strides = array<i32>} : memref<1x128xi32, #tpu.memory_space<vmem>>, vector<16xi32>,
      tpu.vector_store %arg10[%swap3A_142, %swap3A_143], %get3A_140 {strides = array<i32>} : memref<1x128xi32, #tpu.memory_space<vmem>>, vector<16xi32>,
      %get3A_145 = arith.constant 1 : i32
      %get3A_146 = arith.index_cast %get3A_145 : i32 to index
      %get3A_147 = arith.constant 112 : index
      %get3A_148 = tpu.vector_load %arg6[%get3A_146, %get3A_147] {strides = array<i32>} : memref<3x128xi32, #tpu.memory_space<vmem>>, vector<16xi32>,
      %swap3A_149 = arith.constant 0 : i32
      %swap3A_150 = arith.index_cast %swap3A_149 : i32 to index
      %swap3A_151 = arith.constant 112 : index
      %swap3A_152 = tpu.vector_load %arg10[%swap3A_150, %swap3A_151] {strides = array<i32>} : memref<1x128xi32, #tpu.memory_space<vmem>>, vector<16xi32>,
      tpu.vector_store %arg10[%swap3A_150, %swap3A_151], %get3A_148 {strides = array<i32>} : memref<1x128xi32, #tpu.memory_space<vmem>>, vector<16xi32>,
      %dma_wait3A_153 = arith.constant 0 : i32
      %dma_wait3A_154 = arith.constant 0 : i32
      %dma_wait3A_155 = tpu.memref_slice %arg6[%dma_wait3A_153, %dma_wait3A_154] : memref<3x128xi32, #tpu.memory_space<vmem>> -> memref<1x128xi32, #tpu.memory_space<vmem>>
      %dma_wait3A_156 = tpu.memref_squeeze %dma_wait3A_155 : memref<1x128xi32, #tpu.memory_space<vmem>> -> memref<128xi32, #tpu.memory_space<vmem>>
      %dma_wait3A_157 = arith.constant 0 : i32
      %dma_wait3A_158 = arith.constant 0 : i32
      %dma_wait3A_159 = tpu.memref_slice %arg2[%dma_wait3A_157, %dma_wait3A_158] : memref<14336x128xf32, #tpu.memory_space<hbm>> -> memref<14336x128xf32, #tpu.memory_space<hbm>>
      tpu.wait_indirect_dma semaphore(%arg17 : memref<!tpu.dma_semaphore, #tpu.memory_space<semaphore_mem>>) src(%dma_wait3A_159 : memref<14336x128xf32, #tpu.memory_space<hbm>>) dst(%arg8 : memref<128x128xf32, #tpu.memory_space<vmem>>)
      %dma_start3A_160 = arith.constant 0 : i32
      %dma_start3A_161 = arith.constant 0 : i32
      %dma_start3A_162 = tpu.memref_slice %arg10[%dma_start3A_160, %dma_start3A_161] : memref<1x128xi32, #tpu.memory_space<vmem>> -> memref<1x128xi32, #tpu.memory_space<vmem>>
      %dma_start3A_163 = tpu.memref_squeeze %dma_start3A_162 : memref<1x128xi32, #tpu.memory_space<vmem>> -> memref<128xi32, #tpu.memory_space<vmem>>
      %dma_start3A_164 = arith.constant 0 : i32
      %dma_start3A_165 = arith.constant 0 : i32
      %dma_start3A_166 = tpu.memref_slice %arg14[%dma_start3A_164, %dma_start3A_165] : memref<10240x128xf32, #tpu.memory_space<vmem_shared>> -> memref<10240x128xf32, #tpu.memory_space<vmem_shared>>
      tpu.enqueue_indirect_dma source(%arg8 : memref<128x128xf32, #tpu.memory_space<vmem>>) target(%dma_start3A_166 : memref<10240x128xf32, #tpu.memory_space<vmem_shared>>) offsets(%dma_start3A_163 : memref<128xi32, #tpu.memory_space<vmem>>) semaphore(%arg19 : memref<!tpu.dma_semaphore, #tpu.memory_space<semaphore_mem>>) {add = true}
      %add3A_167 = arith.constant 2 : i32
      %add3A_168 = arith.addi %add3A_85, %add3A_167 : i32
      %lt3A_169 = arith.constant 160 : i32
      %lt3A_170 = arith.cmpi slt, %add3A_168, %lt3A_169 : i32
      %convert_element_type3A_171 = arith.extui %lt3A_170 : i1 to i32
      %cond3A_172 = arith.constant 0 : i32
      %cond3A_173 = arith.cmpi ne, %convert_element_type3A_171, %cond3A_172 : i32
      scf.if %cond3A_173 {
        %add3A_271 = arith.constant 2 : i32
        %add3A_272 = arith.addi %add3A_85, %add3A_271 : i32
        %dma_start3A_273 = arith.constant 0 : i32
        %dma_start3A_274 = arith.constant 0 : i32
        %dma_start3A_275 = tpu.memref_slice %arg3[%add3A, %add3A_272, %dma_start3A_273, %dma_start3A_274] : memref<32x160x3x128xi32, #tpu.memory_space<hbm>> -> memref<1x1x3x128xi32, #tpu.memory_space<hbm>>
        %dma_start3A_276 = tpu.memref_squeeze %dma_start3A_275 : memref<1x1x3x128xi32, #tpu.memory_space<hbm>> -> memref<3x128xi32, #tpu.memory_space<hbm>>
        %dma_start3A_277 = arith.constant 0 : i32
        %dma_start3A_278 = arith.constant 0 : i32
        %dma_start3A_279 = tpu.memref_slice %arg3[%add3A, %add3A_272, %dma_start3A_277, %dma_start3A_278] : memref<32x160x3x128xi32, #tpu.memory_space<hbm>> -> memref<1x1x3x128xi32, #tpu.memory_space<hbm>>
        %dma_start3A_280 = tpu.memref_squeeze %dma_start3A_279 : memref<1x1x3x128xi32, #tpu.memory_space<hbm>> -> memref<3x128xi32, #tpu.memory_space<hbm>>
        tpu.enqueue_dma source(%dma_start3A_280 : memref<3x128xi32, #tpu.memory_space<hbm>>) target(%arg6 : memref<3x128xi32, #tpu.memory_space<vmem>>) target_semaphore(%arg16 : memref<!tpu.dma_semaphore, #tpu.memory_space<semaphore_mem>>)
      } else {
      }
      %mul3A_174 = arith.constant 2 : i32
      %mul3A_175 = arith.muli %mul3A_174, %scan3A_80 : i32
      %add3A_176 = arith.constant 1 : i32
      %add3A_177 = arith.addi %mul3A_175, %add3A_176 : i32
      %add3A_178 = arith.constant 1 : i32
      %add3A_179 = arith.addi %add3A_177, %add3A_178 : i32
      %lt3A_180 = arith.constant 160 : i32
      %lt3A_181 = arith.cmpi slt, %add3A_179, %lt3A_180 : i32
      %convert_element_type3A_182 = arith.extui %lt3A_181 : i1 to i32
      %cond3A_183 = arith.constant 0 : i32
      %cond3A_184 = arith.cmpi ne, %convert_element_type3A_182, %cond3A_183 : i32
      scf.if %cond3A_184 {
        %dma_wait3A_271 = arith.constant 0 : i32
        %dma_wait3A_272 = arith.constant 0 : i32
        %dma_wait3A_273 = arith.constant 0 : i32
        %dma_wait3A_274 = tpu.memref_slice %arg3[%add3A, %dma_wait3A_271, %dma_wait3A_272, %dma_wait3A_273] : memref<32x160x3x128xi32, #tpu.memory_space<hbm>> -> memref<1x1x3x128xi32, #tpu.memory_space<hbm>>
        %dma_wait3A_275 = tpu.memref_squeeze %dma_wait3A_274 : memref<1x1x3x128xi32, #tpu.memory_space<hbm>> -> memref<3x128xi32, #tpu.memory_space<hbm>>
        %dma_wait3A_276 = arith.constant 0 : i32
        %dma_wait3A_277 = arith.constant 0 : i32
        %dma_wait3A_278 = tpu.memref_slice %arg3[%add3A, %dma_wait3A_271, %dma_wait3A_276, %dma_wait3A_277] : memref<32x160x3x128xi32, #tpu.memory_space<hbm>> -> memref<1x1x3x128xi32, #tpu.memory_space<hbm>>
        %dma_wait3A_279 = tpu.memref_squeeze %dma_wait3A_278 : memref<1x1x3x128xi32, #tpu.memory_space<hbm>> -> memref<3x128xi32, #tpu.memory_space<hbm>>
        tpu.wait_dma2 semaphore(%arg16 : memref<!tpu.dma_semaphore, #tpu.memory_space<semaphore_mem>>) src(%dma_wait3A_279 : memref<3x128xi32, #tpu.memory_space<hbm>>) dst(%arg6 : memref<3x128xi32, #tpu.memory_space<vmem>>)
        %ge3A = arith.constant 1 : i32
        %ge3A_280 = arith.cmpi sge, %add3A_177, %ge3A : i32
        %convert_element_type3A_281 = arith.extui %ge3A_280 : i1 to i32
        %cond3A_282 = arith.constant 0 : i32
        %cond3A_283 = arith.cmpi ne, %convert_element_type3A_281, %cond3A_282 : i32
        scf.if %cond3A_283 {
          %dma_wait3A_291 = arith.constant 0 : i32
          %dma_wait3A_292 = arith.constant 0 : i32
          %dma_wait3A_293 = tpu.memref_slice %arg10[%dma_wait3A_291, %dma_wait3A_292] : memref<1x128xi32, #tpu.memory_space<vmem>> -> memref<1x128xi32, #tpu.memory_space<vmem>>
          %dma_wait3A_294 = tpu.memref_squeeze %dma_wait3A_293 : memref<1x128xi32, #tpu.memory_space<vmem>> -> memref<128xi32, #tpu.memory_space<vmem>>
          %dma_wait3A_295 = arith.constant 0 : i32
          %dma_wait3A_296 = arith.constant 0 : i32
          %dma_wait3A_297 = tpu.memref_slice %arg14[%dma_wait3A_295, %dma_wait3A_296] : memref<10240x128xf32, #tpu.memory_space<vmem_shared>> -> memref<10240x128xf32, #tpu.memory_space<vmem_shared>>
          tpu.wait_indirect_dma semaphore(%arg19 : memref<!tpu.dma_semaphore, #tpu.memory_space<semaphore_mem>>) src(%arg8 : memref<128x128xf32, #tpu.memory_space<vmem>>) dst(%dma_wait3A_297 : memref<10240x128xf32, #tpu.memory_space<vmem_shared>>)
        } else {
        }
        %dma_start3A_284 = arith.constant 0 : i32
        %dma_start3A_285 = arith.constant 0 : i32
        %dma_start3A_286 = tpu.memref_slice %arg6[%dma_start3A_284, %dma_start3A_285] : memref<3x128xi32, #tpu.memory_space<vmem>> -> memref<1x128xi32, #tpu.memory_space<vmem>>
        %dma_start3A_287 = tpu.memref_squeeze %dma_start3A_286 : memref<1x128xi32, #tpu.memory_space<vmem>> -> memref<128xi32, #tpu.memory_space<vmem>>
        %dma_start3A_288 = arith.constant 0 : i32
        %dma_start3A_289 = arith.constant 0 : i32
        %dma_start3A_290 = tpu.memref_slice %arg2[%dma_start3A_288, %dma_start3A_289] : memref<14336x128xf32, #tpu.memory_space<hbm>> -> memref<14336x128xf32, #tpu.memory_space<hbm>>
        tpu.enqueue_indirect_dma source(%dma_start3A_290 : memref<14336x128xf32, #tpu.memory_space<hbm>>) target(%arg8 : memref<128x128xf32, #tpu.memory_space<vmem>>) offsets(%dma_start3A_287 : memref<128xi32, #tpu.memory_space<vmem>>) semaphore(%arg17 : memref<!tpu.dma_semaphore, #tpu.memory_space<semaphore_mem>>)
      } else {
      }
      %get3A_185 = arith.constant 1 : i32
      %get3A_186 = arith.index_cast %get3A_185 : i32 to index
      %get3A_187 = arith.constant 0 : index
      %get3A_188 = tpu.vector_load %arg7[%get3A_186, %get3A_187] {strides = array<i32>} : memref<3x128xi32, #tpu.memory_space<vmem>>, vector<16xi32>,
      %swap3A_189 = arith.constant 0 : i32
      %swap3A_190 = arith.index_cast %swap3A_189 : i32 to index
      %swap3A_191 = arith.constant 0 : index
      %swap3A_192 = tpu.vector_load %arg11[%swap3A_190, %swap3A_191] {strides = array<i32>} : memref<1x128xi32, #tpu.memory_space<vmem>>, vector<16xi32>,
      tpu.vector_store %arg11[%swap3A_190, %swap3A_191], %get3A_188 {strides = array<i32>} : memref<1x128xi32, #tpu.memory_space<vmem>>, vector<16xi32>,
      %get3A_193 = arith.constant 1 : i32
      %get3A_194 = arith.index_cast %get3A_193 : i32 to index
      %get3A_195 = arith.constant 16 : index
      %get3A_196 = tpu.vector_load %arg7[%get3A_194, %get3A_195] {strides = array<i32>} : memref<3x128xi32, #tpu.memory_space<vmem>>, vector<16xi32>,
      %swap3A_197 = arith.constant 0 : i32
      %swap3A_198 = arith.index_cast %swap3A_197 : i32 to index
      %swap3A_199 = arith.constant 16 : index
      %swap3A_200 = tpu.vector_load %arg11[%swap3A_198, %swap3A_199] {strides = array<i32>} : memref<1x128xi32, #tpu.memory_space<vmem>>, vector<16xi32>,
      tpu.vector_store %arg11[%swap3A_198, %swap3A_199], %get3A_196 {strides = array<i32>} : memref<1x128xi32, #tpu.memory_space<vmem>>, vector<16xi32>,
      %get3A_201 = arith.constant 1 : i32
      %get3A_202 = arith.index_cast %get3A_201 : i32 to index
      %get3A_203 = arith.constant 32 : index
      %get3A_204 = tpu.vector_load %arg7[%get3A_202, %get3A_203] {strides = array<i32>} : memref<3x128xi32, #tpu.memory_space<vmem>>, vector<16xi32>,
      %swap3A_205 = arith.constant 0 : i32
      %swap3A_206 = arith.index_cast %swap3A_205 : i32 to index
      %swap3A_207 = arith.constant 32 : index
      %swap3A_208 = tpu.vector_load %arg11[%swap3A_206, %swap3A_207] {strides = array<i32>} : memref<1x128xi32, #tpu.memory_space<vmem>>, vector<16xi32>,
      tpu.vector_store %arg11[%swap3A_206, %swap3A_207], %get3A_204 {strides = array<i32>} : memref<1x128xi32, #tpu.memory_space<vmem>>, vector<16xi32>,
      %get3A_209 = arith.constant 1 : i32
      %get3A_210 = arith.index_cast %get3A_209 : i32 to index
      %get3A_211 = arith.constant 48 : index
      %get3A_212 = tpu.vector_load %arg7[%get3A_210, %get3A_211] {strides = array<i32>} : memref<3x128xi32, #tpu.memory_space<vmem>>, vector<16xi32>,
      %swap3A_213 = arith.constant 0 : i32
      %swap3A_214 = arith.index_cast %swap3A_213 : i32 to index
      %swap3A_215 = arith.constant 48 : index
      %swap3A_216 = tpu.vector_load %arg11[%swap3A_214, %swap3A_215] {strides = array<i32>} : memref<1x128xi32, #tpu.memory_space<vmem>>, vector<16xi32>,
      tpu.vector_store %arg11[%swap3A_214, %swap3A_215], %get3A_212 {strides = array<i32>} : memref<1x128xi32, #tpu.memory_space<vmem>>, vector<16xi32>,
      %get3A_217 = arith.constant 1 : i32
      %get3A_218 = arith.index_cast %get3A_217 : i32 to index
      %get3A_219 = arith.constant 64 : index
      %get3A_220 = tpu.vector_load %arg7[%get3A_218, %get3A_219] {strides = array<i32>} : memref<3x128xi32, #tpu.memory_space<vmem>>, vector<16xi32>,
      %swap3A_221 = arith.constant 0 : i32
      %swap3A_222 = arith.index_cast %swap3A_221 : i32 to index
      %swap3A_223 = arith.constant 64 : index
      %swap3A_224 = tpu.vector_load %arg11[%swap3A_222, %swap3A_223] {strides = array<i32>} : memref<1x128xi32, #tpu.memory_space<vmem>>, vector<16xi32>,
      tpu.vector_store %arg11[%swap3A_222, %swap3A_223], %get3A_220 {strides = array<i32>} : memref<1x128xi32, #tpu.memory_space<vmem>>, vector<16xi32>,
      %get3A_225 = arith.constant 1 : i32
      %get3A_226 = arith.index_cast %get3A_225 : i32 to index
      %get3A_227 = arith.constant 80 : index
      %get3A_228 = tpu.vector_load %arg7[%get3A_226, %get3A_227] {strides = array<i32>} : memref<3x128xi32, #tpu.memory_space<vmem>>, vector<16xi32>,
      %swap3A_229 = arith.constant 0 : i32
      %swap3A_230 = arith.index_cast %swap3A_229 : i32 to index
      %swap3A_231 = arith.constant 80 : index
      %swap3A_232 = tpu.vector_load %arg11[%swap3A_230, %swap3A_231] {strides = array<i32>} : memref<1x128xi32, #tpu.memory_space<vmem>>, vector<16xi32>,
      tpu.vector_store %arg11[%swap3A_230, %swap3A_231], %get3A_228 {strides = array<i32>} : memref<1x128xi32, #tpu.memory_space<vmem>>, vector<16xi32>,
      %get3A_233 = arith.constant 1 : i32
      %get3A_234 = arith.index_cast %get3A_233 : i32 to index
      %get3A_235 = arith.constant 96 : index
      %get3A_236 = tpu.vector_load %arg7[%get3A_234, %get3A_235] {strides = array<i32>} : memref<3x128xi32, #tpu.memory_space<vmem>>, vector<16xi32>,
      %swap3A_237 = arith.constant 0 : i32
      %swap3A_238 = arith.index_cast %swap3A_237 : i32 to index
      %swap3A_239 = arith.constant 96 : index
      %swap3A_240 = tpu.vector_load %arg11[%swap3A_238, %swap3A_239] {strides = array<i32>} : memref<1x128xi32, #tpu.memory_space<vmem>>, vector<16xi32>,
      tpu.vector_store %arg11[%swap3A_238, %swap3A_239], %get3A_236 {strides = array<i32>} : memref<1x128xi32, #tpu.memory_space<vmem>>, vector<16xi32>,
      %get3A_241 = arith.constant 1 : i32
      %get3A_242 = arith.index_cast %get3A_241 : i32 to index
      %get3A_243 = arith.constant 112 : index
      %get3A_244 = tpu.vector_load %arg7[%get3A_242, %get3A_243] {strides = array<i32>} : memref<3x128xi32, #tpu.memory_space<vmem>>, vector<16xi32>,
      %swap3A_245 = arith.constant 0 : i32
      %swap3A_246 = arith.index_cast %swap3A_245 : i32 to index
      %swap3A_247 = arith.constant 112 : index
      %swap3A_248 = tpu.vector_load %arg11[%swap3A_246, %swap3A_247] {strides = array<i32>} : memref<1x128xi32, #tpu.memory_space<vmem>>, vector<16xi32>,
      tpu.vector_store %arg11[%swap3A_246, %swap3A_247], %get3A_244 {strides = array<i32>} : memref<1x128xi32, #tpu.memory_space<vmem>>, vector<16xi32>,
      %dma_wait3A_249 = arith.constant 0 : i32
      %dma_wait3A_250 = arith.constant 0 : i32
      %dma_wait3A_251 = tpu.memref_slice %arg7[%dma_wait3A_249, %dma_wait3A_250] : memref<3x128xi32, #tpu.memory_space<vmem>> -> memref<1x128xi32, #tpu.memory_space<vmem>>
      %dma_wait3A_252 = tpu.memref_squeeze %dma_wait3A_251 : memref<1x128xi32, #tpu.memory_space<vmem>> -> memref<128xi32, #tpu.memory_space<vmem>>
      %dma_wait3A_253 = arith.constant 0 : i32
      %dma_wait3A_254 = arith.constant 0 : i32
      %dma_wait3A_255 = tpu.memref_slice %arg2[%dma_wait3A_253, %dma_wait3A_254] : memref<14336x128xf32, #tpu.memory_space<hbm>> -> memref<14336x128xf32, #tpu.memory_space<hbm>>
      tpu.wait_indirect_dma semaphore(%arg18 : memref<!tpu.dma_semaphore, #tpu.memory_space<semaphore_mem>>) src(%dma_wait3A_255 : memref<14336x128xf32, #tpu.memory_space<hbm>>) dst(%arg9 : memref<128x128xf32, #tpu.memory_space<vmem>>)
      %dma_start3A_256 = arith.constant 0 : i32
      %dma_start3A_257 = arith.constant 0 : i32
      %dma_start3A_258 = tpu.memref_slice %arg11[%dma_start3A_256, %dma_start3A_257] : memref<1x128xi32, #tpu.memory_space<vmem>> -> memref<1x128xi32, #tpu.memory_space<vmem>>
      %dma_start3A_259 = tpu.memref_squeeze %dma_start3A_258 : memref<1x128xi32, #tpu.memory_space<vmem>> -> memref<128xi32, #tpu.memory_space<vmem>>
      %dma_start3A_260 = arith.constant 0 : i32
      %dma_start3A_261 = arith.constant 0 : i32
      %dma_start3A_262 = tpu.memref_slice %arg14[%dma_start3A_260, %dma_start3A_261] : memref<10240x128xf32, #tpu.memory_space<vmem_shared>> -> memref<10240x128xf32, #tpu.memory_space<vmem_shared>>
      tpu.enqueue_indirect_dma source(%arg9 : memref<128x128xf32, #tpu.memory_space<vmem>>) target(%dma_start3A_262 : memref<10240x128xf32, #tpu.memory_space<vmem_shared>>) offsets(%dma_start3A_259 : memref<128xi32, #tpu.memory_space<vmem>>) semaphore(%arg20 : memref<!tpu.dma_semaphore, #tpu.memory_space<semaphore_mem>>) {add = true}
      %add3A_263 = arith.constant 2 : i32
      %add3A_264 = arith.addi %add3A_177, %add3A_263 : i32
      %lt3A_265 = arith.constant 160 : i32
      %lt3A_266 = arith.cmpi slt, %add3A_264, %lt3A_265 : i32
      %convert_element_type3A_267 = arith.extui %lt3A_266 : i1 to i32
      %cond3A_268 = arith.constant 0 : i32
      %cond3A_269 = arith.cmpi ne, %convert_element_type3A_267, %cond3A_268 : i32
      scf.if %cond3A_269 {
        %add3A_271 = arith.constant 2 : i32
        %add3A_272 = arith.addi %add3A_177, %add3A_271 : i32
        %dma_start3A_273 = arith.constant 0 : i32
        %dma_start3A_274 = arith.constant 0 : i32
        %dma_start3A_275 = tpu.memref_slice %arg3[%add3A, %add3A_272, %dma_start3A_273, %dma_start3A_274] : memref<32x160x3x128xi32, #tpu.memory_space<hbm>> -> memref<1x1x3x128xi32, #tpu.memory_space<hbm>>
        %dma_start3A_276 = tpu.memref_squeeze %dma_start3A_275 : memref<1x1x3x128xi32, #tpu.memory_space<hbm>> -> memref<3x128xi32, #tpu.memory_space<hbm>>
        %dma_start3A_277 = arith.constant 0 : i32
        %dma_start3A_278 = arith.constant 0 : i32
        %dma_start3A_279 = tpu.memref_slice %arg3[%add3A, %add3A_272, %dma_start3A_277, %dma_start3A_278] : memref<32x160x3x128xi32, #tpu.memory_space<hbm>> -> memref<1x1x3x128xi32, #tpu.memory_space<hbm>>
        %dma_start3A_280 = tpu.memref_squeeze %dma_start3A_279 : memref<1x1x3x128xi32, #tpu.memory_space<hbm>> -> memref<3x128xi32, #tpu.memory_space<hbm>>
        tpu.enqueue_dma source(%dma_start3A_280 : memref<3x128xi32, #tpu.memory_space<hbm>>) target(%arg7 : memref<3x128xi32, #tpu.memory_space<vmem>>) target_semaphore(%arg16 : memref<!tpu.dma_semaphore, #tpu.memory_space<semaphore_mem>>)
      } else {
      }
      %scan3A_270 = arith.constant 0 : i32
      scf.yield %scan3A_270 : i32
    }
    %scan3A_65 = arith.constant 80 : i32
    %dma_wait3A = arith.constant 0 : i32
    %dma_wait3A_66 = arith.constant 0 : i32
    %dma_wait3A_67 = tpu.memref_slice %arg10[%dma_wait3A, %dma_wait3A_66] : memref<1x128xi32, #tpu.memory_space<vmem>> -> memref<1x128xi32, #tpu.memory_space<vmem>>
    %dma_wait3A_68 = tpu.memref_squeeze %dma_wait3A_67 : memref<1x128xi32, #tpu.memory_space<vmem>> -> memref<128xi32, #tpu.memory_space<vmem>>
    %dma_wait3A_69 = arith.constant 0 : i32
    %dma_wait3A_70 = arith.constant 0 : i32
    %dma_wait3A_71 = tpu.memref_slice %arg14[%dma_wait3A_69, %dma_wait3A_70] : memref<10240x128xf32, #tpu.memory_space<vmem_shared>> -> memref<10240x128xf32, #tpu.memory_space<vmem_shared>>
    tpu.wait_indirect_dma semaphore(%arg19 : memref<!tpu.dma_semaphore, #tpu.memory_space<semaphore_mem>>) src(%arg8 : memref<128x128xf32, #tpu.memory_space<vmem>>) dst(%dma_wait3A_71 : memref<10240x128xf32, #tpu.memory_space<vmem_shared>>)
    %dma_wait3A_72 = arith.constant 0 : i32
    %dma_wait3A_73 = arith.constant 0 : i32
    %dma_wait3A_74 = tpu.memref_slice %arg11[%dma_wait3A_72, %dma_wait3A_73] : memref<1x128xi32, #tpu.memory_space<vmem>> -> memref<1x128xi32, #tpu.memory_space<vmem>>
    %dma_wait3A_75 = tpu.memref_squeeze %dma_wait3A_74 : memref<1x128xi32, #tpu.memory_space<vmem>> -> memref<128xi32, #tpu.memory_space<vmem>>
    %dma_wait3A_76 = arith.constant 0 : i32
    %dma_wait3A_77 = arith.constant 0 : i32
    %dma_wait3A_78 = tpu.memref_slice %arg14[%dma_wait3A_76, %dma_wait3A_77] : memref<10240x128xf32, #tpu.memory_space<vmem_shared>> -> memref<10240x128xf32, #tpu.memory_space<vmem_shared>>
    tpu.wait_indirect_dma semaphore(%arg20 : memref<!tpu.dma_semaphore, #tpu.memory_space<semaphore_mem>>) src(%arg9 : memref<128x128xf32, #tpu.memory_space<vmem>>) dst(%dma_wait3A_78 : memref<10240x128xf32, #tpu.memory_space<vmem_shared>>)
    %barrier3A_79 = arith.constant 0 : index
    tpu.barrier barrier_id(%barrier3A_79)
    "tpu.region"() ({
      %run_scoped3A_80 = tpu.sem_alloc : memref<!tpu.dma_semaphore, #tpu.memory_space<semaphore_mem>>
      %dma_start3A_81 = arith.constant 0 : i32
      %dma_start3A_82 = tpu.memref_slice %arg4[%arg0, %mul3A_33, %dma_start3A_81] : memref<2x10240x128xf32, #tpu.memory_space<hbm>> -> memref<1x640x128xf32, #tpu.memory_space<hbm>>
      %dma_start3A_83 = tpu.memref_squeeze %dma_start3A_82 : memref<1x640x128xf32, #tpu.memory_space<hbm>> -> memref<640x128xf32, #tpu.memory_space<hbm>>
      %dma_start3A_84 = arith.constant 0 : i32
      %dma_start3A_85 = tpu.memref_slice %arg14[%mul3A_33, %dma_start3A_84] : memref<10240x128xf32, #tpu.memory_space<vmem_shared>> -> memref<640x128xf32, #tpu.memory_space<vmem_shared>>
      tpu.enqueue_dma source(%dma_start3A_85 : memref<640x128xf32, #tpu.memory_space<vmem_shared>>) target(%dma_start3A_83 : memref<640x128xf32, #tpu.memory_space<hbm>>) target_semaphore(%run_scoped3A_80 : memref<!tpu.dma_semaphore, #tpu.memory_space<semaphore_mem>>)
      %dma_wait3A_86 = arith.constant 0 : i32
      %dma_wait3A_87 = tpu.memref_slice %arg4[%arg0, %mul3A_33, %dma_wait3A_86] : memref<2x10240x128xf32, #tpu.memory_space<hbm>> -> memref<1x640x128xf32, #tpu.memory_space<hbm>>
      %dma_wait3A_88 = tpu.memref_squeeze %dma_wait3A_87 : memref<1x640x128xf32, #tpu.memory_space<hbm>> -> memref<640x128xf32, #tpu.memory_space<hbm>>
      %dma_wait3A_89 = arith.constant 0 : i32
      %dma_wait3A_90 = tpu.memref_slice %arg14[%mul3A_33, %dma_wait3A_89] : memref<10240x128xf32, #tpu.memory_space<vmem_shared>> -> memref<640x128xf32, #tpu.memory_space<vmem_shared>>
      tpu.wait_dma2 semaphore(%run_scoped3A_80 : memref<!tpu.dma_semaphore, #tpu.memory_space<semaphore_mem>>) src(%dma_wait3A_90 : memref<640x128xf32, #tpu.memory_space<vmem_shared>>) dst(%dma_wait3A_88 : memref<640x128xf32, #tpu.memory_space<hbm>>)
      tpu.yield
    }) : () -> ()
    return
  }
}

module attributes {stable_mosaic.version = 14 : i64} {
  func.func @_tc_first_body(%arg0: i32, %arg1: memref<2048x128xf32, #tpu.memory_space<vmem>>, %arg2: memref<2048x1xi32, #tpu.memory_space<vmem>>, %arg3: memref<1024x32xf32, #tpu.memory_space<vmem>>, %arg4: memref<128x128xf32, #tpu.memory_space<vmem>>, %arg5: memref<32x128xf32, #tpu.memory_space<vmem>>, %arg6: memref<1x128xf32, #tpu.memory_space<vmem>>, %arg7: memref<128x128xf32, #tpu.memory_space<vmem>>, %arg8: memref<128x128xf32, #tpu.memory_space<vmem>>, %arg9: memref<1x128xf32, #tpu.memory_space<vmem>>, %arg10: memref<2048x32xf32, #tpu.memory_space<vmem>>, %arg11: memref<32x128xf32, #tpu.memory_space<vmem>>, %arg12: memref<2048x128xf32, #tpu.memory_space<vmem>>, %arg13: memref<2048x128xf32, #tpu.memory_space<vmem>>, %arg14: memref<1024x128xf32, #tpu.memory_space<vmem>>) attributes {dimension_semantics = [#tpu.dimension_semantics<arbitrary>], iteration_bounds = array<i64: 7>, scalar_prefetch = 0 : i64, scratch_operands = 1 : i64, tpu.core_type = #tpu.core_type<tc>, window_params = [{transform_indices = @transform_0, window_bounds = array<i64: 2048, 128>}, {transform_indices = @transform_1, window_bounds = array<i64: 2048, 1>}, {pipeline_mode = #tpu.pipeline_mode<synchronous>, transform_indices = @transform_2, window_bounds = array<i64: 1024, 32>}, {pipeline_mode = #tpu.pipeline_mode<synchronous>, transform_indices = @transform_3, window_bounds = array<i64: 128, 128>}, {pipeline_mode = #tpu.pipeline_mode<synchronous>, transform_indices = @transform_4, window_bounds = array<i64: 32, 128>}, {pipeline_mode = #tpu.pipeline_mode<synchronous>, transform_indices = @transform_5, window_bounds = array<i64: 1, 128>}, {pipeline_mode = #tpu.pipeline_mode<synchronous>, transform_indices = @transform_6, window_bounds = array<i64: 128, 128>}, {pipeline_mode = #tpu.pipeline_mode<synchronous>, transform_indices = @transform_7, window_bounds = array<i64: 128, 128>}, {pipeline_mode = #tpu.pipeline_mode<synchronous>, transform_indices = @transform_8, window_bounds = array<i64: 1, 128>}, {transform_indices = @transform_9, window_bounds = array<i64: 2048, 32>}, {pipeline_mode = #tpu.pipeline_mode<synchronous>, transform_indices = @transform_10, window_bounds = array<i64: 32, 128>}, {transform_indices = @transform_11, window_bounds = array<i64: 2048, 128>}, {transform_indices = @transform_12, window_bounds = array<i64: 2048, 128>}]} {
    %eq3A = arith.constant 0 : i32
    %eq3A_0 = arith.cmpi eq, %arg0, %eq3A : i32
    %convert_element_type3A = arith.extui %eq3A_0 : i1 to i32
    %cond3A = arith.constant 0 : i32
    %cond3A_1 = arith.cmpi ne, %convert_element_type3A, %cond3A : i32
    scf.if %cond3A_1 {
      %get3A = arith.constant 0 : index
      %get3A_10 = arith.constant 0 : index
      %get3A_11 = vector.load %arg3[%get3A, %get3A_10] : memref<1024x32xf32, #tpu.memory_space<vmem>>, vector<1024x32xf32>
      %get3A_12 = arith.constant 0 : index
      %get3A_13 = arith.constant 0 : index
      %get3A_14 = vector.load %arg5[%get3A_12, %get3A_13] : memref<32x128xf32, #tpu.memory_space<vmem>>, vector<32x128xf32>
      %dot_general3A = arith.constant dense<0.000000e+00> : vector<1024x128xf32>
      %dot_general3A_15 = tpu.matmul %get3A_11, %get3A_14, %dot_general3A {dimension_numbers = #tpu.dot_dimension_numbers<[1], [0], [0], [1], [0, 0, 1, 1], [], []>, transpose_lhs_hint = false} : vector<1024x32xf32>, vector<32x128xf32>, vector<1024x128xf32> -> vector<1024x128xf32>
      %swap3A = arith.constant 0 : index
      %swap3A_16 = arith.constant 0 : index
      %swap3A_17 = vector.load %arg14[%swap3A, %swap3A_16] : memref<1024x128xf32, #tpu.memory_space<vmem>>, vector<1024x128xf32>
      tpu.vector_store %arg14[%swap3A, %swap3A_16], %dot_general3A_15 {strides = array<i32>} : memref<1024x128xf32, #tpu.memory_space<vmem>>, vector<1024x128xf32>,
    } else {
    }
    %lt3A = arith.constant 5 : i32
    %lt3A_2 = arith.cmpi slt, %arg0, %lt3A : i32
    %convert_element_type3A_3 = arith.extui %lt3A_2 : i1 to i32
    %cond3A_4 = arith.constant 0 : i32
    %cond3A_5 = arith.cmpi ne, %convert_element_type3A_3, %cond3A_4 : i32
    scf.if %cond3A_5 {
      %get3A = arith.constant 0 : index
      %get3A_10 = arith.constant 0 : index
      %get3A_11 = vector.load %arg2[%get3A, %get3A_10] : memref<2048x1xi32, #tpu.memory_space<vmem>>, vector<2048x1xi32>
      %iota3A = tpu.iota {dimensions = array<i32: 1>} : vector<1x1024xi32>
      %eq3A_12 = vector.broadcast %get3A_11 : vector<2048x1xi32> to vector<2048x1024xi32>
      %eq3A_13 = vector.broadcast %iota3A : vector<1x1024xi32> to vector<2048x1024xi32>
      %eq3A_14 = arith.cmpi eq, %eq3A_12, %eq3A_13 : vector<2048x1024xi32>
      %jit3A = arith.constant 1.000000e+00 : f32
      %jit3A_15 = arith.constant 0.000000e+00 : f32
      %broadcast_in_dim3A = vector.broadcast %jit3A : f32 to vector<2048x1024xf32>
      %broadcast_in_dim3A_16 = vector.broadcast %jit3A_15 : f32 to vector<2048x1024xf32>
      %select_n3A = arith.select %eq3A_14, %broadcast_in_dim3A, %broadcast_in_dim3A_16 : vector<2048x1024xi1>, vector<2048x1024xf32>
      %get3A_17 = arith.constant 0 : index
      %get3A_18 = arith.constant 0 : index
      %get3A_19 = vector.load %arg1[%get3A_17, %get3A_18] : memref<2048x128xf32, #tpu.memory_space<vmem>>, vector<2048x128xf32>
      %get3A_20 = arith.constant 0 : index
      %get3A_21 = arith.constant 0 : index
      %get3A_22 = vector.load %arg4[%get3A_20, %get3A_21] : memref<128x128xf32, #tpu.memory_space<vmem>>, vector<128x128xf32>
      %dot_general3A = arith.constant dense<0.000000e+00> : vector<2048x128xf32>
      %dot_general3A_23 = tpu.matmul %get3A_19, %get3A_22, %dot_general3A {dimension_numbers = #tpu.dot_dimension_numbers<[1], [0], [0], [1], [0, 0, 1, 1], [], []>, transpose_lhs_hint = false} : vector<2048x128xf32>, vector<128x128xf32>, vector<2048x128xf32> -> vector<2048x128xf32>
      %get3A_24 = arith.constant 0 : index
      %get3A_25 = arith.constant 0 : index
      %get3A_26 = vector.load %arg14[%get3A_24, %get3A_25] : memref<1024x128xf32, #tpu.memory_space<vmem>>, vector<1024x128xf32>
      %dot_general3A_27 = arith.constant dense<0.000000e+00> : vector<2048x128xf32>
      %dot_general3A_28 = tpu.matmul %select_n3A, %get3A_26, %dot_general3A_27 {dimension_numbers = #tpu.dot_dimension_numbers<[1], [0], [0], [1], [0, 0, 1, 1], [], []>, transpose_lhs_hint = false} : vector<2048x1024xf32>, vector<1024x128xf32>, vector<2048x128xf32> -> vector<2048x128xf32>
      %add3A = arith.addf %dot_general3A_23, %dot_general3A_28 : vector<2048x128xf32>
      %get3A_29 = arith.constant 0 : index
      %get3A_30 = arith.constant 0 : index
      %get3A_31 = vector.load %arg6[%get3A_29, %get3A_30] : memref<1x128xf32, #tpu.memory_space<vmem>>, vector<1x128xf32>
      %add3A_32 = vector.broadcast %get3A_31 : vector<1x128xf32> to vector<2048x128xf32>
      %add3A_33 = arith.addf %add3A, %add3A_32 : vector<2048x128xf32>
      %max3A = arith.constant 0.000000e+00 : f32
      %max3A_34 = vector.broadcast %max3A : f32 to vector<2048x128xf32>
      %max3A_35 = arith.maximumf %add3A_33, %max3A_34 : vector<2048x128xf32>
      %get3A_36 = arith.constant 0 : index
      %get3A_37 = arith.constant 0 : index
      %get3A_38 = vector.load %arg7[%get3A_36, %get3A_37] : memref<128x128xf32, #tpu.memory_space<vmem>>, vector<128x128xf32>
      %dot_general3A_39 = arith.constant dense<0.000000e+00> : vector<2048x128xf32>
      %dot_general3A_40 = tpu.matmul %max3A_35, %get3A_38, %dot_general3A_39 {dimension_numbers = #tpu.dot_dimension_numbers<[1], [0], [0], [1], [0, 0, 1, 1], [], []>, transpose_lhs_hint = false} : vector<2048x128xf32>, vector<128x128xf32>, vector<2048x128xf32> -> vector<2048x128xf32>
      %swap3A = arith.constant 0 : index
      %swap3A_41 = arith.constant 0 : index
      %swap3A_42 = vector.load %arg12[%swap3A, %swap3A_41] : memref<2048x128xf32, #tpu.memory_space<vmem>>, vector<2048x128xf32>
      tpu.vector_store %arg12[%swap3A, %swap3A_41], %dot_general3A_40 {strides = array<i32>} : memref<2048x128xf32, #tpu.memory_space<vmem>>, vector<2048x128xf32>,
      %get3A_43 = arith.constant 0 : index
      %get3A_44 = arith.constant 0 : index
      %get3A_45 = vector.load %arg8[%get3A_43, %get3A_44] : memref<128x128xf32, #tpu.memory_space<vmem>>, vector<128x128xf32>
      %dot_general3A_46 = arith.constant dense<0.000000e+00> : vector<2048x128xf32>
      %dot_general3A_47 = tpu.matmul %max3A_35, %get3A_45, %dot_general3A_46 {dimension_numbers = #tpu.dot_dimension_numbers<[1], [0], [0], [1], [0, 0, 1, 1], [], []>, transpose_lhs_hint = false} : vector<2048x128xf32>, vector<128x128xf32>, vector<2048x128xf32> -> vector<2048x128xf32>
      %get3A_48 = arith.constant 0 : index
      %get3A_49 = arith.constant 0 : index
      %get3A_50 = vector.load %arg9[%get3A_48, %get3A_49] : memref<1x128xf32, #tpu.memory_space<vmem>>, vector<1x128xf32>
      %add3A_51 = vector.broadcast %get3A_50 : vector<1x128xf32> to vector<2048x128xf32>
      %add3A_52 = arith.addf %dot_general3A_47, %add3A_51 : vector<2048x128xf32>
      %swap3A_53 = arith.constant 0 : index
      %swap3A_54 = arith.constant 0 : index
      %swap3A_55 = vector.load %arg13[%swap3A_53, %swap3A_54] : memref<2048x128xf32, #tpu.memory_space<vmem>>, vector<2048x128xf32>
      tpu.vector_store %arg13[%swap3A_53, %swap3A_54], %add3A_52 {strides = array<i32>} : memref<2048x128xf32, #tpu.memory_space<vmem>>, vector<2048x128xf32>,
    } else {
    }
    %ge3A = arith.constant 5 : i32
    %ge3A_6 = arith.cmpi sge, %arg0, %ge3A : i32
    %convert_element_type3A_7 = arith.extui %ge3A_6 : i1 to i32
    %cond3A_8 = arith.constant 0 : i32
    %cond3A_9 = arith.cmpi ne, %convert_element_type3A_7, %cond3A_8 : i32
    scf.if %cond3A_9 {
      %get3A = arith.constant 0 : index
      %get3A_10 = arith.constant 0 : index
      %get3A_11 = vector.load %arg10[%get3A, %get3A_10] : memref<2048x32xf32, #tpu.memory_space<vmem>>, vector<2048x32xf32>
      %get3A_12 = arith.constant 0 : index
      %get3A_13 = arith.constant 0 : index
      %get3A_14 = vector.load %arg11[%get3A_12, %get3A_13] : memref<32x128xf32, #tpu.memory_space<vmem>>, vector<32x128xf32>
      %dot_general3A = arith.constant dense<0.000000e+00> : vector<2048x128xf32>
      %dot_general3A_15 = tpu.matmul %get3A_11, %get3A_14, %dot_general3A {dimension_numbers = #tpu.dot_dimension_numbers<[1], [0], [0], [1], [0, 0, 1, 1], [], []>, transpose_lhs_hint = false} : vector<2048x32xf32>, vector<32x128xf32>, vector<2048x128xf32> -> vector<2048x128xf32>
      %swap3A = arith.constant 0 : index
      %swap3A_16 = arith.constant 0 : index
      %swap3A_17 = vector.load %arg12[%swap3A, %swap3A_16] : memref<2048x128xf32, #tpu.memory_space<vmem>>, vector<2048x128xf32>
      tpu.vector_store %arg12[%swap3A, %swap3A_16], %dot_general3A_15 {strides = array<i32>} : memref<2048x128xf32, #tpu.memory_space<vmem>>, vector<2048x128xf32>,
    } else {
    }
    return
  }
  func.func @transform_0(%arg0: i32) -> (i32, i32) {
    %min3A = arith.constant 4 : i32
    %min3A_0 = arith.minsi %arg0, %min3A : i32
    %c0_i32 = arith.constant 0 : i32
    %c0_i32_1 = arith.constant 0 : i32
    return %min3A_0, %c0_i32 : i32, i32
  }
  func.func @transform_1(%arg0: i32) -> (i32, i32) {
    %min3A = arith.constant 4 : i32
    %min3A_0 = arith.minsi %arg0, %min3A : i32
    %c0_i32 = arith.constant 0 : i32
    %c0_i32_1 = arith.constant 0 : i32
    return %min3A_0, %c0_i32 : i32, i32
  }
  func.func @transform_2(%arg0: i32) -> (i32, i32) {
    %c0_i32 = arith.constant 0 : i32
    %c0_i32_0 = arith.constant 0 : i32
    %c0_i32_1 = arith.constant 0 : i32
    return %c0_i32, %c0_i32_0 : i32, i32
  }
  func.func @transform_3(%arg0: i32) -> (i32, i32) {
    %c0_i32 = arith.constant 0 : i32
    %c0_i32_0 = arith.constant 0 : i32
    %c0_i32_1 = arith.constant 0 : i32
    return %c0_i32, %c0_i32_0 : i32, i32
  }
  func.func @transform_4(%arg0: i32) -> (i32, i32) {
    %c0_i32 = arith.constant 0 : i32
    %c0_i32_0 = arith.constant 0 : i32
    %c0_i32_1 = arith.constant 0 : i32
    return %c0_i32, %c0_i32_0 : i32, i32
  }
  func.func @transform_5(%arg0: i32) -> (i32, i32) {
    %c0_i32 = arith.constant 0 : i32
    %c0_i32_0 = arith.constant 0 : i32
    %c0_i32_1 = arith.constant 0 : i32
    return %c0_i32, %c0_i32_0 : i32, i32
  }
  func.func @transform_6(%arg0: i32) -> (i32, i32) {
    %c0_i32 = arith.constant 0 : i32
    %c0_i32_0 = arith.constant 0 : i32
    %c0_i32_1 = arith.constant 0 : i32
    return %c0_i32, %c0_i32_0 : i32, i32
  }
  func.func @transform_7(%arg0: i32) -> (i32, i32) {
    %c0_i32 = arith.constant 0 : i32
    %c0_i32_0 = arith.constant 0 : i32
    %c0_i32_1 = arith.constant 0 : i32
    return %c0_i32, %c0_i32_0 : i32, i32
  }
  func.func @transform_8(%arg0: i32) -> (i32, i32) {
    %c0_i32 = arith.constant 0 : i32
    %c0_i32_0 = arith.constant 0 : i32
    %c0_i32_1 = arith.constant 0 : i32
    return %c0_i32, %c0_i32_0 : i32, i32
  }
  func.func @transform_9(%arg0: i32) -> (i32, i32) {
    %sub3A = arith.constant 5 : i32
    %sub3A_0 = arith.subi %arg0, %sub3A : i32
    %max3A = arith.constant 0 : i32
    %max3A_1 = arith.maxsi %sub3A_0, %max3A : i32
    %c0_i32 = arith.constant 0 : i32
    %c0_i32_2 = arith.constant 0 : i32
    return %max3A_1, %c0_i32 : i32, i32
  }
  func.func @transform_10(%arg0: i32) -> (i32, i32) {
    %c0_i32 = arith.constant 0 : i32
    %c0_i32_0 = arith.constant 0 : i32
    %c0_i32_1 = arith.constant 0 : i32
    return %c0_i32, %c0_i32_0 : i32, i32
  }
  func.func @transform_11(%arg0: i32) -> (i32, i32) {
    %c0_i32 = arith.constant 0 : i32
    %c0_i32_0 = arith.constant 0 : i32
    return %arg0, %c0_i32 : i32, i32
  }
  func.func @transform_12(%arg0: i32) -> (i32, i32) {
    %min3A = arith.constant 4 : i32
    %min3A_0 = arith.minsi %arg0, %min3A : i32
    %c0_i32 = arith.constant 0 : i32
    %c0_i32_1 = arith.constant 0 : i32
    return %min3A_0, %c0_i32 : i32, i32
  }
}

module attributes {stable_mosaic.version = 14 : i64} {
  func.func @_tc_mid_body(%arg0: i32, %arg1: memref<2048x128xf32, #tpu.memory_space<vmem>>, %arg2: memref<2x2048x128xf32, #tpu.memory_space<vmem>>, %arg3: memref<2048x1xf32, #tpu.memory_space<vmem>>, %arg4: memref<1x128xf32, #tpu.memory_space<vmem>>, %arg5: memref<1x128xf32, #tpu.memory_space<vmem>>, %arg6: memref<128x128xf32, #tpu.memory_space<vmem>>, %arg7: memref<128x128xf32, #tpu.memory_space<vmem>>, %arg8: memref<1x128xf32, #tpu.memory_space<vmem>>, %arg9: memref<2048x32xf32, #tpu.memory_space<vmem>>, %arg10: memref<32x128xf32, #tpu.memory_space<vmem>>, %arg11: memref<2048x128xf32, #tpu.memory_space<vmem>>, %arg12: memref<2048x128xf32, #tpu.memory_space<vmem>>) attributes {dimension_semantics = [#tpu.dimension_semantics<arbitrary>], iteration_bounds = array<i64: 7>, scalar_prefetch = 0 : i64, scratch_operands = 0 : i64, tpu.core_type = #tpu.core_type<tc>, window_params = [{transform_indices = @transform_0, window_bounds = array<i64: 2048, 128>}, {transform_indices = @transform_1, window_bounds = array<i64: 2, 2048, 128>}, {transform_indices = @transform_2, window_bounds = array<i64: 2048, 1>}, {pipeline_mode = #tpu.pipeline_mode<synchronous>, transform_indices = @transform_3, window_bounds = array<i64: 1, 128>}, {pipeline_mode = #tpu.pipeline_mode<synchronous>, transform_indices = @transform_4, window_bounds = array<i64: 1, 128>}, {pipeline_mode = #tpu.pipeline_mode<synchronous>, transform_indices = @transform_5, window_bounds = array<i64: 128, 128>}, {pipeline_mode = #tpu.pipeline_mode<synchronous>, transform_indices = @transform_6, window_bounds = array<i64: 128, 128>}, {pipeline_mode = #tpu.pipeline_mode<synchronous>, transform_indices = @transform_7, window_bounds = array<i64: 1, 128>}, {transform_indices = @transform_8, window_bounds = array<i64: 2048, 32>}, {pipeline_mode = #tpu.pipeline_mode<synchronous>, transform_indices = @transform_9, window_bounds = array<i64: 32, 128>}, {transform_indices = @transform_10, window_bounds = array<i64: 2048, 128>}, {transform_indices = @transform_11, window_bounds = array<i64: 2048, 128>}]} {
    %lt3A = arith.constant 5 : i32
    %lt3A_0 = arith.cmpi slt, %arg0, %lt3A : i32
    %convert_element_type3A = arith.extui %lt3A_0 : i1 to i32
    %cond3A = arith.constant 0 : i32
    %cond3A_1 = arith.cmpi ne, %convert_element_type3A, %cond3A : i32
    scf.if %cond3A_1 {
      %get3A = arith.constant 0 : index
      %get3A_6 = arith.constant 0 : index
      %get3A_7 = arith.constant 0 : index
      %get3A_8 = vector.load %arg2[%get3A, %get3A_6, %get3A_7] : memref<2x2048x128xf32, #tpu.memory_space<vmem>>, vector<1x2048x128xf32>
      %get3A_9 = vector.shape_cast %get3A_8 : vector<1x2048x128xf32> to vector<2048x128xf32>
      %get3A_10 = arith.constant 1 : index
      %get3A_11 = arith.constant 0 : index
      %get3A_12 = arith.constant 0 : index
      %get3A_13 = vector.load %arg2[%get3A_10, %get3A_11, %get3A_12] : memref<2x2048x128xf32, #tpu.memory_space<vmem>>, vector<1x2048x128xf32>
      %get3A_14 = vector.shape_cast %get3A_13 : vector<1x2048x128xf32> to vector<2048x128xf32>
      %add3A = arith.addf %get3A_9, %get3A_14 : vector<2048x128xf32>
      %get3A_15 = arith.constant 0 : index
      %get3A_16 = arith.constant 0 : index
      %get3A_17 = vector.load %arg3[%get3A_15, %get3A_16] : memref<2048x1xf32, #tpu.memory_space<vmem>>, vector<2048x1xf32>
      %max3A = arith.constant 1.000000e+00 : f32
      %max3A_18 = vector.broadcast %max3A : f32 to vector<2048x1xf32>
      %max3A_19 = arith.maximumf %get3A_17, %max3A_18 : vector<2048x1xf32>
      %div3A = vector.broadcast %max3A_19 : vector<2048x1xf32> to vector<2048x128xf32>
      %div3A_20 = arith.divf %add3A, %div3A : vector<2048x128xf32>
      %get3A_21 = arith.constant 0 : index
      %get3A_22 = arith.constant 0 : index
      %get3A_23 = vector.load %arg1[%get3A_21, %get3A_22] : memref<2048x128xf32, #tpu.memory_space<vmem>>, vector<2048x128xf32>
      %add3A_24 = arith.addf %get3A_23, %div3A_20 : vector<2048x128xf32>
      %get3A_25 = arith.constant 0 : index
      %get3A_26 = arith.constant 0 : index
      %get3A_27 = vector.load %arg4[%get3A_25, %get3A_26] : memref<1x128xf32, #tpu.memory_space<vmem>>, vector<1x128xf32>
      %get3A_28 = arith.constant 0 : index
      %get3A_29 = arith.constant 0 : index
      %get3A_30 = vector.load %arg5[%get3A_28, %get3A_29] : memref<1x128xf32, #tpu.memory_space<vmem>>, vector<1x128xf32>
      %max3A_31 = arith.constant 0.000000e+00 : f32
      %max3A_32 = vector.broadcast %max3A_31 : f32 to vector<2048x128xf32>
      %max3A_33 = arith.maximumf %add3A_24, %max3A_32 : vector<2048x128xf32>
      %reduce_sum3A = arith.constant dense<0.000000e+00> : vector<2048xf32>
      %reduce_sum3A_34 = vector.multi_reduction <add>, %max3A_33, %reduce_sum3A [1] : vector<2048x128xf32> to vector<2048xf32>
      %broadcast_in_dim3A = vector.shape_cast %reduce_sum3A_34 : vector<2048xf32> to vector<2048x1xf32>
      %div3A_35 = arith.constant 1.280000e+02 : f32
      %div3A_36 = vector.broadcast %div3A_35 : f32 to vector<2048x1xf32>
      %div3A_37 = arith.divf %broadcast_in_dim3A, %div3A_36 : vector<2048x1xf32>
      %sub3A = vector.broadcast %div3A_37 : vector<2048x1xf32> to vector<2048x128xf32>
      %sub3A_38 = arith.subf %max3A_33, %sub3A : vector<2048x128xf32>
      %sub3A_39 = vector.broadcast %div3A_37 : vector<2048x1xf32> to vector<2048x128xf32>
      %sub3A_40 = arith.subf %max3A_33, %sub3A_39 : vector<2048x128xf32>
      %mul3A = arith.mulf %sub3A_38, %sub3A_40 : vector<2048x128xf32>
      %reduce_sum3A_41 = arith.constant dense<0.000000e+00> : vector<2048xf32>
      %reduce_sum3A_42 = vector.multi_reduction <add>, %mul3A, %reduce_sum3A_41 [1] : vector<2048x128xf32> to vector<2048xf32>
      %broadcast_in_dim3A_43 = vector.shape_cast %reduce_sum3A_42 : vector<2048xf32> to vector<2048x1xf32>
      %div3A_44 = arith.constant 1.280000e+02 : f32
      %div3A_45 = vector.broadcast %div3A_44 : f32 to vector<2048x1xf32>
      %div3A_46 = arith.divf %broadcast_in_dim3A_43, %div3A_45 : vector<2048x1xf32>
      %sub3A_47 = vector.broadcast %div3A_37 : vector<2048x1xf32> to vector<2048x128xf32>
      %sub3A_48 = arith.subf %max3A_33, %sub3A_47 : vector<2048x128xf32>
      %add3A_49 = arith.constant 9.99999974E-6 : f32
      %add3A_50 = vector.broadcast %add3A_49 : f32 to vector<2048x1xf32>
      %add3A_51 = arith.addf %div3A_46, %add3A_50 : vector<2048x1xf32>
      %rsqrt3A = math.rsqrt %add3A_51 : vector<2048x1xf32>
      %mul3A_52 = vector.broadcast %rsqrt3A : vector<2048x1xf32> to vector<2048x128xf32>
      %mul3A_53 = arith.mulf %sub3A_48, %mul3A_52 : vector<2048x128xf32>
      %mul3A_54 = vector.broadcast %get3A_27 : vector<1x128xf32> to vector<2048x128xf32>
      %mul3A_55 = arith.mulf %mul3A_53, %mul3A_54 : vector<2048x128xf32>
      %add3A_56 = vector.broadcast %get3A_30 : vector<1x128xf32> to vector<2048x128xf32>
      %add3A_57 = arith.addf %mul3A_55, %add3A_56 : vector<2048x128xf32>
      %get3A_58 = arith.constant 0 : index
      %get3A_59 = arith.constant 0 : index
      %get3A_60 = vector.load %arg6[%get3A_58, %get3A_59] : memref<128x128xf32, #tpu.memory_space<vmem>>, vector<128x128xf32>
      %dot_general3A = arith.constant dense<0.000000e+00> : vector<2048x128xf32>
      %dot_general3A_61 = tpu.matmul %add3A_57, %get3A_60, %dot_general3A {dimension_numbers = #tpu.dot_dimension_numbers<[1], [0], [0], [1], [0, 0, 1, 1], [], []>, transpose_lhs_hint = false} : vector<2048x128xf32>, vector<128x128xf32>, vector<2048x128xf32> -> vector<2048x128xf32>
      %swap3A = arith.constant 0 : index
      %swap3A_62 = arith.constant 0 : index
      %swap3A_63 = vector.load %arg11[%swap3A, %swap3A_62] : memref<2048x128xf32, #tpu.memory_space<vmem>>, vector<2048x128xf32>
      tpu.vector_store %arg11[%swap3A, %swap3A_62], %dot_general3A_61 {strides = array<i32>} : memref<2048x128xf32, #tpu.memory_space<vmem>>, vector<2048x128xf32>,
      %get3A_64 = arith.constant 0 : index
      %get3A_65 = arith.constant 0 : index
      %get3A_66 = vector.load %arg7[%get3A_64, %get3A_65] : memref<128x128xf32, #tpu.memory_space<vmem>>, vector<128x128xf32>
      %dot_general3A_67 = arith.constant dense<0.000000e+00> : vector<2048x128xf32>
      %dot_general3A_68 = tpu.matmul %add3A_57, %get3A_66, %dot_general3A_67 {dimension_numbers = #tpu.dot_dimension_numbers<[1], [0], [0], [1], [0, 0, 1, 1], [], []>, transpose_lhs_hint = false} : vector<2048x128xf32>, vector<128x128xf32>, vector<2048x128xf32> -> vector<2048x128xf32>
      %get3A_69 = arith.constant 0 : index
      %get3A_70 = arith.constant 0 : index
      %get3A_71 = vector.load %arg8[%get3A_69, %get3A_70] : memref<1x128xf32, #tpu.memory_space<vmem>>, vector<1x128xf32>
      %add3A_72 = vector.broadcast %get3A_71 : vector<1x128xf32> to vector<2048x128xf32>
      %add3A_73 = arith.addf %dot_general3A_68, %add3A_72 : vector<2048x128xf32>
      %swap3A_74 = arith.constant 0 : index
      %swap3A_75 = arith.constant 0 : index
      %swap3A_76 = vector.load %arg12[%swap3A_74, %swap3A_75] : memref<2048x128xf32, #tpu.memory_space<vmem>>, vector<2048x128xf32>
      tpu.vector_store %arg12[%swap3A_74, %swap3A_75], %add3A_73 {strides = array<i32>} : memref<2048x128xf32, #tpu.memory_space<vmem>>, vector<2048x128xf32>,
    } else {
    }
    %ge3A = arith.constant 5 : i32
    %ge3A_2 = arith.cmpi sge, %arg0, %ge3A : i32
    %convert_element_type3A_3 = arith.extui %ge3A_2 : i1 to i32
    %cond3A_4 = arith.constant 0 : i32
    %cond3A_5 = arith.cmpi ne, %convert_element_type3A_3, %cond3A_4 : i32
    scf.if %cond3A_5 {
      %get3A = arith.constant 0 : index
      %get3A_6 = arith.constant 0 : index
      %get3A_7 = vector.load %arg9[%get3A, %get3A_6] : memref<2048x32xf32, #tpu.memory_space<vmem>>, vector<2048x32xf32>
      %get3A_8 = arith.constant 0 : index
      %get3A_9 = arith.constant 0 : index
      %get3A_10 = vector.load %arg10[%get3A_8, %get3A_9] : memref<32x128xf32, #tpu.memory_space<vmem>>, vector<32x128xf32>
      %dot_general3A = arith.constant dense<0.000000e+00> : vector<2048x128xf32>
      %dot_general3A_11 = tpu.matmul %get3A_7, %get3A_10, %dot_general3A {dimension_numbers = #tpu.dot_dimension_numbers<[1], [0], [0], [1], [0, 0, 1, 1], [], []>, transpose_lhs_hint = false} : vector<2048x32xf32>, vector<32x128xf32>, vector<2048x128xf32> -> vector<2048x128xf32>
      %swap3A = arith.constant 0 : index
      %swap3A_12 = arith.constant 0 : index
      %swap3A_13 = vector.load %arg11[%swap3A, %swap3A_12] : memref<2048x128xf32, #tpu.memory_space<vmem>>, vector<2048x128xf32>
      tpu.vector_store %arg11[%swap3A, %swap3A_12], %dot_general3A_11 {strides = array<i32>} : memref<2048x128xf32, #tpu.memory_space<vmem>>, vector<2048x128xf32>,
    } else {
    }
    return
  }
  func.func @transform_0(%arg0: i32) -> (i32, i32) {
    %min3A = arith.constant 4 : i32
    %min3A_0 = arith.minsi %arg0, %min3A : i32
    %c0_i32 = arith.constant 0 : i32
    %c0_i32_1 = arith.constant 0 : i32
    return %min3A_0, %c0_i32 : i32, i32
  }
  func.func @transform_1(%arg0: i32) -> (i32, i32, i32) {
    %min3A = arith.constant 4 : i32
    %min3A_0 = arith.minsi %arg0, %min3A : i32
    %c0_i32 = arith.constant 0 : i32
    %c0_i32_1 = arith.constant 0 : i32
    %c0_i32_2 = arith.constant 0 : i32
    return %c0_i32, %min3A_0, %c0_i32_1 : i32, i32, i32
  }
  func.func @transform_2(%arg0: i32) -> (i32, i32) {
    %min3A = arith.constant 4 : i32
    %min3A_0 = arith.minsi %arg0, %min3A : i32
    %c0_i32 = arith.constant 0 : i32
    %c0_i32_1 = arith.constant 0 : i32
    return %min3A_0, %c0_i32 : i32, i32
  }
  func.func @transform_3(%arg0: i32) -> (i32, i32) {
    %c0_i32 = arith.constant 0 : i32
    %c0_i32_0 = arith.constant 0 : i32
    %c0_i32_1 = arith.constant 0 : i32
    return %c0_i32, %c0_i32_0 : i32, i32
  }
  func.func @transform_4(%arg0: i32) -> (i32, i32) {
    %c0_i32 = arith.constant 0 : i32
    %c0_i32_0 = arith.constant 0 : i32
    %c0_i32_1 = arith.constant 0 : i32
    return %c0_i32, %c0_i32_0 : i32, i32
  }
  func.func @transform_5(%arg0: i32) -> (i32, i32) {
    %c0_i32 = arith.constant 0 : i32
    %c0_i32_0 = arith.constant 0 : i32
    %c0_i32_1 = arith.constant 0 : i32
    return %c0_i32, %c0_i32_0 : i32, i32
  }
  func.func @transform_6(%arg0: i32) -> (i32, i32) {
    %c0_i32 = arith.constant 0 : i32
    %c0_i32_0 = arith.constant 0 : i32
    %c0_i32_1 = arith.constant 0 : i32
    return %c0_i32, %c0_i32_0 : i32, i32
  }
  func.func @transform_7(%arg0: i32) -> (i32, i32) {
    %c0_i32 = arith.constant 0 : i32
    %c0_i32_0 = arith.constant 0 : i32
    %c0_i32_1 = arith.constant 0 : i32
    return %c0_i32, %c0_i32_0 : i32, i32
  }
  func.func @transform_8(%arg0: i32) -> (i32, i32) {
    %sub3A = arith.constant 5 : i32
    %sub3A_0 = arith.subi %arg0, %sub3A : i32
    %max3A = arith.constant 0 : i32
    %max3A_1 = arith.maxsi %sub3A_0, %max3A : i32
    %c0_i32 = arith.constant 0 : i32
    %c0_i32_2 = arith.constant 0 : i32
    return %max3A_1, %c0_i32 : i32, i32
  }
  func.func @transform_9(%arg0: i32) -> (i32, i32) {
    %c0_i32 = arith.constant 0 : i32
    %c0_i32_0 = arith.constant 0 : i32
    %c0_i32_1 = arith.constant 0 : i32
    return %c0_i32, %c0_i32_0 : i32, i32
  }
  func.func @transform_10(%arg0: i32) -> (i32, i32) {
    %c0_i32 = arith.constant 0 : i32
    %c0_i32_0 = arith.constant 0 : i32
    return %arg0, %c0_i32 : i32, i32
  }
  func.func @transform_11(%arg0: i32) -> (i32, i32) {
    %min3A = arith.constant 4 : i32
    %min3A_0 = arith.minsi %arg0, %min3A : i32
    %c0_i32 = arith.constant 0 : i32
    %c0_i32_1 = arith.constant 0 : i32
    return %min3A_0, %c0_i32 : i32, i32
  }
}

module attributes {stable_mosaic.version = 14 : i64} {
  func.func @_tc_post_body(%arg0: i32, %arg1: memref<2048x128xf32, #tpu.memory_space<vmem>>, %arg2: memref<2x2048x128xf32, #tpu.memory_space<vmem>>, %arg3: memref<2048x1xf32, #tpu.memory_space<vmem>>, %arg4: memref<1x128xf32, #tpu.memory_space<vmem>>, %arg5: memref<1x128xf32, #tpu.memory_space<vmem>>, %arg6: memref<2048x128xf32, #tpu.memory_space<vmem>>) attributes {dimension_semantics = [#tpu.dimension_semantics<arbitrary>], iteration_bounds = array<i64: 5>, scalar_prefetch = 0 : i64, scratch_operands = 0 : i64, tpu.core_type = #tpu.core_type<tc>, window_params = [{transform_indices = @transform_0, window_bounds = array<i64: 2048, 128>}, {transform_indices = @transform_1, window_bounds = array<i64: 2, 2048, 128>}, {transform_indices = @transform_2, window_bounds = array<i64: 2048, 1>}, {pipeline_mode = #tpu.pipeline_mode<synchronous>, transform_indices = @transform_3, window_bounds = array<i64: 1, 128>}, {pipeline_mode = #tpu.pipeline_mode<synchronous>, transform_indices = @transform_4, window_bounds = array<i64: 1, 128>}, {transform_indices = @transform_5, window_bounds = array<i64: 2048, 128>}]} {
    %get3A = arith.constant 0 : index
    %get3A_0 = arith.constant 0 : index
    %get3A_1 = arith.constant 0 : index
    %get3A_2 = vector.load %arg2[%get3A, %get3A_0, %get3A_1] : memref<2x2048x128xf32, #tpu.memory_space<vmem>>, vector<1x2048x128xf32>
    %get3A_3 = vector.shape_cast %get3A_2 : vector<1x2048x128xf32> to vector<2048x128xf32>
    %get3A_4 = arith.constant 1 : index
    %get3A_5 = arith.constant 0 : index
    %get3A_6 = arith.constant 0 : index
    %get3A_7 = vector.load %arg2[%get3A_4, %get3A_5, %get3A_6] : memref<2x2048x128xf32, #tpu.memory_space<vmem>>, vector<1x2048x128xf32>
    %get3A_8 = vector.shape_cast %get3A_7 : vector<1x2048x128xf32> to vector<2048x128xf32>
    %add3A = arith.addf %get3A_3, %get3A_8 : vector<2048x128xf32>
    %get3A_9 = arith.constant 0 : index
    %get3A_10 = arith.constant 0 : index
    %get3A_11 = vector.load %arg3[%get3A_9, %get3A_10] : memref<2048x1xf32, #tpu.memory_space<vmem>>, vector<2048x1xf32>
    %max3A = arith.constant 1.000000e+00 : f32
    %max3A_12 = vector.broadcast %max3A : f32 to vector<2048x1xf32>
    %max3A_13 = arith.maximumf %get3A_11, %max3A_12 : vector<2048x1xf32>
    %div3A = vector.broadcast %max3A_13 : vector<2048x1xf32> to vector<2048x128xf32>
    %div3A_14 = arith.divf %add3A, %div3A : vector<2048x128xf32>
    %get3A_15 = arith.constant 0 : index
    %get3A_16 = arith.constant 0 : index
    %get3A_17 = vector.load %arg1[%get3A_15, %get3A_16] : memref<2048x128xf32, #tpu.memory_space<vmem>>, vector<2048x128xf32>
    %add3A_18 = arith.addf %get3A_17, %div3A_14 : vector<2048x128xf32>
    %get3A_19 = arith.constant 0 : index
    %get3A_20 = arith.constant 0 : index
    %get3A_21 = vector.load %arg4[%get3A_19, %get3A_20] : memref<1x128xf32, #tpu.memory_space<vmem>>, vector<1x128xf32>
    %get3A_22 = arith.constant 0 : index
    %get3A_23 = arith.constant 0 : index
    %get3A_24 = vector.load %arg5[%get3A_22, %get3A_23] : memref<1x128xf32, #tpu.memory_space<vmem>>, vector<1x128xf32>
    %max3A_25 = arith.constant 0.000000e+00 : f32
    %max3A_26 = vector.broadcast %max3A_25 : f32 to vector<2048x128xf32>
    %max3A_27 = arith.maximumf %add3A_18, %max3A_26 : vector<2048x128xf32>
    %reduce_sum3A = arith.constant dense<0.000000e+00> : vector<2048xf32>
    %reduce_sum3A_28 = vector.multi_reduction <add>, %max3A_27, %reduce_sum3A [1] : vector<2048x128xf32> to vector<2048xf32>
    %broadcast_in_dim3A = vector.shape_cast %reduce_sum3A_28 : vector<2048xf32> to vector<2048x1xf32>
    %div3A_29 = arith.constant 1.280000e+02 : f32
    %div3A_30 = vector.broadcast %div3A_29 : f32 to vector<2048x1xf32>
    %div3A_31 = arith.divf %broadcast_in_dim3A, %div3A_30 : vector<2048x1xf32>
    %sub3A = vector.broadcast %div3A_31 : vector<2048x1xf32> to vector<2048x128xf32>
    %sub3A_32 = arith.subf %max3A_27, %sub3A : vector<2048x128xf32>
    %sub3A_33 = vector.broadcast %div3A_31 : vector<2048x1xf32> to vector<2048x128xf32>
    %sub3A_34 = arith.subf %max3A_27, %sub3A_33 : vector<2048x128xf32>
    %mul3A = arith.mulf %sub3A_32, %sub3A_34 : vector<2048x128xf32>
    %reduce_sum3A_35 = arith.constant dense<0.000000e+00> : vector<2048xf32>
    %reduce_sum3A_36 = vector.multi_reduction <add>, %mul3A, %reduce_sum3A_35 [1] : vector<2048x128xf32> to vector<2048xf32>
    %broadcast_in_dim3A_37 = vector.shape_cast %reduce_sum3A_36 : vector<2048xf32> to vector<2048x1xf32>
    %div3A_38 = arith.constant 1.280000e+02 : f32
    %div3A_39 = vector.broadcast %div3A_38 : f32 to vector<2048x1xf32>
    %div3A_40 = arith.divf %broadcast_in_dim3A_37, %div3A_39 : vector<2048x1xf32>
    %sub3A_41 = vector.broadcast %div3A_31 : vector<2048x1xf32> to vector<2048x128xf32>
    %sub3A_42 = arith.subf %max3A_27, %sub3A_41 : vector<2048x128xf32>
    %add3A_43 = arith.constant 9.99999974E-6 : f32
    %add3A_44 = vector.broadcast %add3A_43 : f32 to vector<2048x1xf32>
    %add3A_45 = arith.addf %div3A_40, %add3A_44 : vector<2048x1xf32>
    %rsqrt3A = math.rsqrt %add3A_45 : vector<2048x1xf32>
    %mul3A_46 = vector.broadcast %rsqrt3A : vector<2048x1xf32> to vector<2048x128xf32>
    %mul3A_47 = arith.mulf %sub3A_42, %mul3A_46 : vector<2048x128xf32>
    %mul3A_48 = vector.broadcast %get3A_21 : vector<1x128xf32> to vector<2048x128xf32>
    %mul3A_49 = arith.mulf %mul3A_47, %mul3A_48 : vector<2048x128xf32>
    %add3A_50 = vector.broadcast %get3A_24 : vector<1x128xf32> to vector<2048x128xf32>
    %add3A_51 = arith.addf %mul3A_49, %add3A_50 : vector<2048x128xf32>
    %swap3A = arith.constant 0 : index
    %swap3A_52 = arith.constant 0 : index
    %swap3A_53 = vector.load %arg6[%swap3A, %swap3A_52] : memref<2048x128xf32, #tpu.memory_space<vmem>>, vector<2048x128xf32>
    tpu.vector_store %arg6[%swap3A, %swap3A_52], %add3A_51 {strides = array<i32>} : memref<2048x128xf32, #tpu.memory_space<vmem>>, vector<2048x128xf32>,
    return
  }
  func.func @transform_0(%arg0: i32) -> (i32, i32) {
    %c0_i32 = arith.constant 0 : i32
    %c0_i32_0 = arith.constant 0 : i32
    return %arg0, %c0_i32 : i32, i32
  }
  func.func @transform_1(%arg0: i32) -> (i32, i32, i32) {
    %c0_i32 = arith.constant 0 : i32
    %c0_i32_0 = arith.constant 0 : i32
    %c0_i32_1 = arith.constant 0 : i32
    return %c0_i32, %arg0, %c0_i32_0 : i32, i32, i32
  }
  func.func @transform_2(%arg0: i32) -> (i32, i32) {
    %c0_i32 = arith.constant 0 : i32
    %c0_i32_0 = arith.constant 0 : i32
    return %arg0, %c0_i32 : i32, i32
  }
  func.func @transform_3(%arg0: i32) -> (i32, i32) {
    %c0_i32 = arith.constant 0 : i32
    %c0_i32_0 = arith.constant 0 : i32
    %c0_i32_1 = arith.constant 0 : i32
    return %c0_i32, %c0_i32_0 : i32, i32
  }
  func.func @transform_4(%arg0: i32) -> (i32, i32) {
    %c0_i32 = arith.constant 0 : i32
    %c0_i32_0 = arith.constant 0 : i32
    %c0_i32_1 = arith.constant 0 : i32
    return %c0_i32, %c0_i32_0 : i32, i32
  }
  func.func @transform_5(%arg0: i32) -> (i32, i32) {
    %c0_i32 = arith.constant 0 : i32
    %c0_i32_0 = arith.constant 0 : i32
    return %arg0, %c0_i32 : i32, i32
  }
}

</mosaic_0001>

<sc_bundles>
// kernel: kernel.10.cloned.1.call-start
scs
__scs_entry_jumppad:
0x0: {  	(pc) =	sbr.rel $0x88, $3  }
0x1: {  	(tag) =	ssettag $0x0;
	lr =	simm.s32 $0x1  }
0x2: {  	[smem:$0x3F8C] =	sst lr;
	_ =	strace $0xD0000000  }
0x3: {  	_ = 	snop  }
0x4: {  	_ = 	snop  }
0x5: {  	_ = 	snop  }
0x6: {  	_ = 	snop  }
0x7: {  	_ = 	snop  }
__scs_overlays_trampoline_lowered:
0x8: {  	[smem:$0x3F9B] =	sst s0  }
0x9: {  	[smem:$0x3F9C] =	sst s1  }
0xa: {  	[smem:$0x3F9D] =	sst s2  }
0xb: {  	[smem:$0x3F9E] =	sst s3  }
0xc: {  	[smem:$0x3F9F] =	sst s4  }
0xd: {  	[smem:$0x3FA0] =	sst s5  }
0xe: {  	[smem:$0x3FA1] =	sst s6  }
0xf: {  	[smem:$0x3FA2] =	sst s7  }
0x10: {  	[smem:$0x3FA3] =	sst s8  }
0x11: {  	[smem:$0x3FA4] =	sst s9;
	s0 =	simm.s32 @!p0 $0x0  }
0x12: {  	s1 =	sld [smem:$0x3F8A];
	s0 =	simm.s32 @p0 $0x1  }
0x13: {  	[smem:$0x3FA5] =	sst s0;
	s0 =	simm.s32 @!p1 $0x0  }
0x14: {  	s2 =	sld [smem:$0x3F89];
	s0 =	simm.s32 @p1 $0x1  }
0x15: {  	[smem:$0x3FA6] =	sst s0;
	s0 =	simm.s32 @!p2 $0x0  }
0x16: {  	s3 =	sld [smem:$0x3FDB];
	s0 =	simm.s32 @p2 $0x1  }
0x17: {  	s4 =	simm.s32 $0x1BF5;
	[smem:$0x3FA8] =	sst s0  }
0x18: {  	s0 =	sld [smem:$0x3F8B];
	_ =	swait.ge [sflag:s4], $0x0  }
0x19: {  	s7 =	sld [smem:$0x3F8C]  }
0x1a: {  	s8 =	sadd.s32 $0xFFFFE003, lr  }
0x1b: {  	s9 =	sadd.s32 $0xFFFFFEF7, lr;
	s5 =	simm.s32 $0xFFFFFFFF;
	p2 =	slt.u32 s8, $0xFFFFF086  }
0x1c: {  	p1 =	slt.u32 s9, $0xF7A;
	s5 =	simm.s32 @!p2 $0x0  }
0x1d: {  	s5 =	simm.s32 @p1 $0x1;
	p0 =	seq.s32 s7, s2  }
0x1e: {  	s7 =	smul.u32 @!p0 $0xF7A, s2;
	p2 =	seq.s32 @!p0 s5, $0x0  }
0x1f: {  	s9 =	smul.u32 $0xF7A, s1;
	s8 =	simm.s32 @!p0 $0x1BF5;
	p2 =	por !p2, p0  }
0x20: {  	[sflag:s8] =	ssyncset.s32 @!p0 $0xFFFFF086;
	s6 =	sadd.s32 @!p0 s3, s7;
	s7 =	simm.s32 @!p0 $0x108  }
0x21: {  	s3 =	sadd.s32 s3, s9;
	s6 =	sadd.s32 @!p0 $0x88, s6;
	s7 =	simm.s32 @p2 $0x1082  }
0x22: {  	[simem:s7], [sflag:s8] =	dma.local @!p0 [hbm:s6], $0xF7A  }
0x23: {  	s9 =	sor.u32 $0xD0000000, s2;
	s6 =	simm.s32 $0x108;
	_ =	swait.ge @!p0 [sflag:s8], $0x0  }
0x24: {  	s3 =	sadd.s32 $0x88, s3;
	s6 =	simm.s32 @!p1 $0x1082;
	[sflag:s4] =	ssyncset.s32 $0xFFFFF086  }
0x25: {  	[simem:s6], [sflag:s4] =	dma.local [hbm:s3], $0xF7A  }
0x26: {  	[smem:$0x3F8C] =	sst s1;
	(tag) =	ssettag s2;
	_ =	strace s9  }
0x27: {  	s1 =	sld [smem:$0x3F9C]  }
0x28: {  	s2 =	sld [smem:$0x3F9D]  }
0x29: {  	s4 =	sld [smem:$0x3F9F]  }
0x2a: {  	p0 =	seq.s32 s5, $0x0;
	s5 =	sld [smem:$0x3FA0]  }
0x2b: {  	s6 =	sld [smem:$0x3FA1]  }
0x2c: {  	s7 =	sld [smem:$0x3FA2]  }
0x2d: {  	s3 =	simm.s32 $0x108;
	s8 =	sld [smem:$0x3FA3]  }
0x2e: {  	s3 =	simm.s32 @!p0 $0x1082;
	s9 =	sld [smem:$0x3FA4]  }
0x2f: {  	lr =	sadd.s32 s0, s3;
	s0 =	sld [smem:$0x3F9B]  }
0x30: {  	s3 =	sld [smem:$0x3F9E]  }
0x31: {  	[smem:$0x3FA7] =	sst s10  }
0x32: {  	s10 =	sld [smem:$0x3FA5];
	_ =	sdelay $0x3  }
0x33: {  	p0 =	seq.s32 s10, $0x1;
	s10 =	sld [smem:$0x3FA7];
	_ =	sdelay $0x3  }
0x34: {  	[smem:$0x3FA7] =	sst s10  }
0x35: {  	s10 =	sld [smem:$0x3FA6];
	_ =	sdelay $0x3  }
0x36: {  	p1 =	seq.s32 s10, $0x1;
	s10 =	sld [smem:$0x3FA7];
	_ =	sdelay $0x3  }
0x37: {  	[smem:$0x3FA7] =	sst s10  }
0x38: {  	s10 =	sld [smem:$0x3FA8]  }
0x39: {  	_ = 	snop;
	(pc) =	sbr.ind lr, $3  }
0x3a: {  	_ = 	snop  }
0x3b: {  	_ = 	snop  }
0x3c: {  	p2 =	seq.s32 s10, $0x1;
	s10 =	sld [smem:$0x3FA7]  }
0x3d: {  	_ =	shalt  }
0x3e: {  	_ =	shalt  }
0x3f: {  	_ =	shalt  }
0x40: {  	_ =	shalt  }
0x41: {  	_ =	shalt  }
0x42: {  	_ =	shalt  }
0x43: {  	_ =	shalt  }
0x44: {  	_ =	shalt  }
0x45: {  	_ =	shalt  }
0x46: {  	_ =	shalt  }
0x47: {  	_ =	shalt  }
0x48: {  	_ =	shalt  }
0x49: {  	_ =	shalt  }
0x4a: {  	_ =	shalt  }
0x4b: {  	_ =	shalt  }
0x4c: {  	_ =	shalt  }
0x4d: {  	_ =	shalt  }
0x4e: {  	_ =	shalt  }
0x4f: {  	_ =	shalt  }
0x50: {  	_ =	shalt  }
0x51: {  	_ =	shalt  }
0x52: {  	_ =	shalt  }
0x53: {  	_ =	shalt  }
0x54: {  	_ =	shalt  }
0x55: {  	_ =	shalt  }
0x56: {  	_ =	shalt  }
0x57: {  	_ =	shalt  }
0x58: {  	_ =	shalt  }
0x59: {  	_ =	shalt  }
0x5a: {  	_ =	shalt  }
0x5b: {  	_ =	shalt  }
0x5c: {  	_ =	shalt  }
0x5d: {  	_ =	shalt  }
0x5e: {  	_ =	shalt  }
0x5f: {  	_ =	shalt  }
0x60: {  	_ =	shalt  }
0x61: {  	_ =	shalt  }
0x62: {  	_ =	shalt  }
0x63: {  	_ =	shalt  }
0x64: {  	_ =	shalt  }
0x65: {  	_ =	shalt  }
0x66: {  	_ =	shalt  }
0x67: {  	_ =	shalt  }
0x68: {  	_ =	shalt  }
0x69: {  	_ =	shalt  }
0x6a: {  	_ =	shalt  }
0x6b: {  	_ =	shalt  }
0x6c: {  	_ =	shalt  }
0x6d: {  	_ =	shalt  }
0x6e: {  	_ =	shalt  }
0x6f: {  	_ =	shalt  }
0x70: {  	_ =	shalt  }
0x71: {  	_ =	shalt  }
0x72: {  	_ =	shalt  }
0x73: {  	_ =	shalt  }
0x74: {  	_ =	shalt  }
0x75: {  	_ =	shalt  }
0x76: {  	_ =	shalt  }
0x77: {  	_ =	shalt  }
0x78: {  	_ =	shalt  }
0x79: {  	_ =	shalt  }
0x7a: {  	_ =	shalt  }
0x7b: {  	_ =	shalt  }
0x7c: {  	_ =	shalt  }
0x7d: {  	_ =	shalt  }
0x7e: {  	_ =	shalt  }
0x7f: {  	_ =	shalt  }
0x80: {  	_ =	shalt  }
0x81: {  	_ =	shalt  }
0x82: {  	_ =	shalt  }
0x83: {  	_ =	shalt  }
0x84: {  	_ =	shalt  }
0x85: {  	_ =	shalt  }
0x86: {  	_ =	shalt  }
0x87: {  	_ =	shalt  }
.Lfunc_end0:
.L_simem_size_0:
called_computation.1_lowered:
.L_overlay_start_0:
0x88: {  	s2 =	sld [smem:$0x3FD9]  }
0x89: {  	s3 =	sld [smem:$0x3FFE];
	_ =	sdelay $0x1  }
0x8a: {  	s1 =	srdreg.scid  }
0x8b: {  	s0 =	sand.u32 $0x1, s1  }
0x8c: {  	s16 =	sshll.u32 s0, $0xA;
	s2 =	sadd.s32 s3, s2  }
0x8d: {  	s2 =	sadd.s32 s2, s16  }
0x8e: {  	[smem:$0x3FB3] =	sst s2  }
0x8f: {  	_ = 	snop  }
0x90: {  	(tm) =	ssettm $0x1  }
0x91: {  	s17 =	sld [smem:$0x3FFB];
	_ =	sdelay $0x3  }
0x92: {  	_ =	strace s17  }
0x93: {  	s2 =	sld [smem:$0x3FFC];
	_ =	sdelay $0x3  }
0x94: {  	_ =	strace s2  }
0x95: {  	s2 =	sld [smem:$0x3FFD];
	_ =	sdelay $0x3  }
0x96: {  	_ =	strace s2  }
0x97: {  	_ =	strace $0x8FFFFFFF  }
0x98: {  	s18 =	sld [smem:$0x3FDB];
	_ =	sdelay $0x1  }
0x99: {  	s19 =	simm.s32 $_scs_section_size  }
0x9a: {  	s4 =	simm.s32 $_size__tile_overlayer_lowered;
	s5 =	simm.s32 $_tile_overlayer_lowered  }
0x9b: {  	s22 =	simm.s32 $0x1BFF;
	s21 =	sshll.u32 s5, $0x1;
	s2 =	sadd.s32 s19, s18  }
0x9c: {  	s6 =	simm.s32 $0x0;
	s20 =	sshll.u32 s4, $0x1;
	s4 =	sadd.s32 s21, s2  }
0x9d: {  	[timem:s6], [sflag:s22] =	dma.local [hbm:s4], s20  }
0x9e: {  	_ =	swait.ge [sflag:s22], s20  }
0x9f: {  	s3 =	ssub.s32 $0x0, s20;
	[sflag:s22] =	ssyncset.done $0x0  }
0xa0: {  	[sflag:s22] =	ssyncadd.s32 s3;
	_ =	sdelay $0x1  }
0xa1: {  	s23 =	simm.s32 $0x1B8B  }
0xa2: {  	_ =	swait.ge [sflag:s23], $0x1  }
0xa3: {  	[sflag:s23] =	ssyncset.done $0x0  }
0xa4: {  	s25 =	simm.s32 $0x1B8E;
	s24 =	sld [smem:$0x3FFE];
	[sflag:s23] =	ssyncadd.s32 $0xFFFFFFFF  }
0xa5: {  	s26 =	simm.s32 $execute0_lowered;
	[smem:$0x3FD2] =	sst s25  }
0xa6: {  	s4 =	sshll.u32 s26, $0x1;
	_ =	strace $0x80000049;
	[dreg:$0x1] =	wrdreg $0xFFFFFFFF  }
0xa7: {  	s28 =	simm.s32 $_size_execute0_lowered;
	s2 =	sadd.s32 s2, s4;
	[dreg:$0x0] =	wrdreg $0x0  }
0xa8: {  	s4 =	sshll.u32 s28, $0x1;
	[dreg:$0x2] =	wrdreg s2  }
0xa9: {  	[dreg:$0x3] =	wrdreg s4  }
0xaa: {  	[dreg:$0x4] =	wrdreg $0xC0  }
0xab: {  	_ =	task [dreg:s6], $0x5FFFF  }
0xac: {  	[dreg:$0x1] =	wrdreg $0xFFFFFFFF  }
0xad: {  	[dreg:$0x0] =	wrdreg $0x60  }
0xae: {  	[dreg:$0x2] =	wrdreg s24  }
0xaf: {  	[dreg:$0x3] =	wrdreg $0x88000  }
0xb0: {  	[dreg:$0x4] =	wrdreg $0x9  }
0xb1: {  	_ =	task.clear_ibuf [dreg:s6], $0x5FFFF;
	_ =	strace $0x90000049  }
0xb2: {  	s29 =	simm.s32 $0x9;
	_ =	strace $0x8000004B  }
0xb3: {  	_ =	swait.ge [sflag:s29], $0x1  }
0xb4: {  	[sflag:s29] =	ssyncadd.s32 $0xFFFFFFFF  }
0xb5: {  	_ =	strace $0x9000004B  }
0xb6: {  	_ =	sfence  }
0xb7: {  	s30 =	sld [smem:$0x0];
	_ =	sdelay $0x2  }
0xb8: {  	s31 =	sshll.u32 s1, $0xD;
	s1 =	sshrl.u32 s1, $0x2  }
0xb9: {  	s3 =	sand.u32 $0x4000, s31;
	s1 =	sadd.s32 s1, s30  }
0xba: {  	s0 =	sor.u32 s3, s0;
	s1 =	sshll.u32 s1, $0x11  }
0xbb: {  	s0 =	sor.u32 s1, s0  }
0xbc: {  	s0 =	sadd.s32 $0x8F2B, s0  }
0xbd: {  	[sflag:s0] =	ssyncadd.remote.s32 $0x1  }
0xbe: {  	_ =	sfence.sel $0xFFFF  }
0xbf: {  	[dreg:$0x0] =	wrdreg $0xFFFFFFFF;
	(pc) =	sbr.abs _section_cstart, $3  }
0xc0: {  	[dreg:$0x1] =	wrdreg $0xFFFFFFFF  }
0xc1: {  	_ =	task.clear_ibuf [dreg:s6], $0x2FFFF;
	_ =	strace $0x9FFFFFFF  }
0xc2: {  	(tm) =	ssettm $0x7FFFFFFF  }
0xc3: {  	_ =	shalt  }
tec
execute0_lowered:
.L_overlay_start_1:
0x0: {  	(tag) =	ssettag $0x1  }
0x1: {  	s5 =	rddreg [dreg:$0x0]  }
0x2: {  	s1 =	rddreg [dreg:$0x1]  }
0x3: {  	s3 =	simm.s32 $0x0;
	s2 =	srdreg.scid;
	s0 =	stileid.u32  }
0x4: {  	s18 =	simm.s32 $0x80;
	s19 =	simm.s32 $0x200;
	s20 =	simm.s32 $0x1  }
0x5: {  	s21 =	simm.s32 $0x4400;
	s28 =	simm.s32 $0x5;
	s29 =	simm.s32 $0x0  }
0x6: {  	[smem:$0x7FF] =	sst s3;
	s6 =	sand.u32 $0x1, s2;
	s8 =	smul.u32 $0x14000, s0  }
0x7: {  	s4 =	sadd.s32 $0x53E00, s5;
	s15 =	sadd.s32 $0x3E00, s5;
	s23 =	smul.u32 $0x50000, s0  }
0x8: {  	s7 =	smul.u32 $0x140000, s6;
	s9 =	sshll.u32 s6, $0x4;
	s6 =	ssub.s32 $0x2, s6  }
0x9: {  	_ =	strace $0x8000004A;
	s22 =	sor.u32 s0, s9;
	s25 =	sshrl.u32 s6, $0x1  }
0xa: {  	s13 =	sadd.s32 s8, s7;
	s7 =	smul.u32 $0x14000, s22;
	s8 =	sshrl.u32 s23, $0x2  }
0xb: {  	s14 =	ssub.s32 s6, s25;
	s22 =	simm.s32 $0x2;
	s23 =	simm.s32 $0x8400  }
0xc: {  	s25 =	simm.s32 $0x8480;
	s24 =	sshrl.u32 s13, $0x3;
	s16 =	sor.u32 $0x600, s13  }
0xd: {  	s17 =	sor.u32 $0x400, s13;
	s13 =	smax.u32 s14, $0x1;
	s12 =	sadd.s32 s24, s5  }
0xe: {  	s5 =	sadd.s32 s8, s1;
	s26 =	sshrl.u32 s7, $0x3;
	s30 =	sshrl.u32 s16, $0x3  }
.Ltmp0:
0xf: {  	s31 =	sshrl.u32 s17, $0x3;
	s16 =	simm.s32 $0x400;
	(pc) =	sbr.rel .LBB2_1-.Ltmp0, $4  }
0x10: {  	s17 =	simm.s32 $0x6;
	s24 =	simm.s32 $0x3;
	s6 =	sadd.s32 $0x4000, s5  }
0x11: {  	s7 =	sadd.s32 $0x8000, s5;
	s8 =	sadd.s32 s15, s26;
	s9 =	sadd.s32 $0xC000, s5  }
0x12: {  	s10 =	sadd.s32 $0x10000, s5;
	s12 =	sadd.s32 $0x8BE00, s12;
	s14 =	sadd.s32 s30, s15  }
0x13: {  	v0 =	vimm.f32 $0.0e+00;
	v1 =	vimm.f32 $1.000000000e+00;
	s15 =	sadd.s32 s31, s15;
	s26 =	simm.s32 $0x4;
	s11 =	sadd.s32 $0x40, s8  }
.LBB2_6:
0x14: {  	_ =	swait.ge [sflag:s26], $0x4000  }
0x15: {  	[sflag:s26] =	ssyncset.done $0x0  }
0x16: {  	[sflag:s26] =	ssyncadd.s32 $0xFFFFC000  }
0x17: {  	s0 =	stileid.u32;
	_ =	swait.ge [sflag:s28], $0x4000  }
0x18: {  	s2 =	sshrl.u32 s5, $0x3;
	s29 =	sadd.s32 $0x1, s29;
	[sflag:s28] =	ssyncset.done $0x0  }
0x19: {  	s0 =	sshll.u32 s0, $0x6;
	p0 =	sne.s32 s29, s13;
	[sflag:s28] =	ssyncadd.s32 $0xFFFFC000  }
.Ltmp1:
0x1a: {  	s0 =	sor.u32 $0x1C06, s0;
	[bflag:$0x0] =	sbarrier.arrive $0xFFFF;
	(pc) =	sbr.rel @!p0 .LBB2_7-.Ltmp1, $4  }
0x1b: {  	[hbm:s12], [sflag:s0] =	dma.local [spmem:s2], $0x2800  }
0x1c: {  	_ =	swait.ge [sflag:s17], $0x2800  }
0x1d: {  	[sflag:s17] =	ssyncset.done $0x0  }
0x1e: {  	[sflag:s17] =	ssyncadd.s32 $0xFFFFD800  }
.LBB2_1:
0x1f: {  	s30 =	simm.s32 $0x0;
	s31 =	simm.s32 $0x200  }
.LBB2_2:
0x20: {  	p0 =	sne.s32 s31, $0xFE00;
	[tilespmem:s30+$0x470] =	vst v0  }
0x21: {  	[tilespmem:s30+$0x400] =	vst v0  }
0x22: {  	[tilespmem:s30+$0x410] =	vst v0  }
.Ltmp2:
0x23: {  	[tilespmem:s30+$0x420] =	vst v0;
	(pc) =	sbr.rel @p0 .LBB2_2-.Ltmp2, $4  }
0x24: {  	[tilespmem:s30+$0x430] =	vst v0  }
0x25: {  	[tilespmem:s30+$0x440] =	vst v0  }
0x26: {  	[tilespmem:s30+$0x450] =	vst v0  }
0x27: {  	[tilespmem:s30+$0x460] =	vst v0;
	s30 =	sshra.s32 s31, $0x2;
	s31 =	sadd.s32 $0x200, s31  }
0x28: {  	[tilespmem:s30+$0x470] =	vst v0  }
0x29: {  	[tilespmem:s30+$0x400] =	vst v0  }
0x2a: {  	[tilespmem:s30+$0x410] =	vst v0  }
0x2b: {  	[tilespmem:s30+$0x420] =	vst v0  }
0x2c: {  	[tilespmem:s30+$0x430] =	vst v0  }
0x2d: {  	[tilespmem:s30+$0x440] =	vst v0  }
0x2e: {  	[tilespmem:s30+$0x450] =	vst v0  }
0x2f: {  	[tilespmem:s30+$0x460] =	vst v0  }
0x30: {  	[tilespmem:$0x8500] =	vst v1  }
0x31: {  	[tilespmem:$0x8510] =	vst v1  }
0x32: {  	[tilespmem:$0x8520] =	vst v1  }
0x33: {  	[tilespmem:$0x8530] =	vst v1  }
0x34: {  	[tilespmem:$0x8540] =	vst v1  }
0x35: {  	[tilespmem:$0x8550] =	vst v1  }
0x36: {  	[tilespmem:$0x8560] =	vst v1  }
0x37: {  	[tilespmem:$0x8570] =	vst v1  }
0x38: {  	[tilespmem:$0x8580] =	vst v0  }
0x39: {  	[tilespmem:$0x8590] =	vst v0  }
0x3a: {  	[tilespmem:$0x85A0] =	vst v0  }
0x3b: {  	[tilespmem:$0x85B0] =	vst v0  }
0x3c: {  	[tilespmem:$0x85C0] =	vst v0  }
0x3d: {  	[tilespmem:$0x85D0] =	vst v0  }
0x3e: {  	[tilespmem:$0x85E0] =	vst v0  }
0x3f: {  	[tilespmem:$0x85F0] =	vst v0  }
0x40: {  	[tilespmem:$0x8600] =	vst v0  }
0x41: {  	[tilespmem:$0x8610] =	vst v0  }
0x42: {  	[tilespmem:$0x8620] =	vst v0  }
0x43: {  	[tilespmem:$0x8630] =	vst v0  }
0x44: {  	[tilespmem:$0x8640] =	vst v0  }
0x45: {  	[tilespmem:$0x8650] =	vst v0  }
0x46: {  	[tilespmem:$0x8660] =	vst v0  }
0x47: {  	[tilespmem:$0x8670] =	vst v0  }
0x48: {  	[tilespmem:$0x8680] =	vst v0  }
0x49: {  	[tilespmem:$0x8690] =	vst v0  }
0x4a: {  	[tilespmem:$0x86A0] =	vst v0  }
0x4b: {  	[tilespmem:$0x86B0] =	vst v0  }
0x4c: {  	[tilespmem:$0x86C0] =	vst v0  }
0x4d: {  	[tilespmem:$0x86D0] =	vst v0  }
0x4e: {  	[tilespmem:$0x86E0] =	vst v0  }
0x4f: {  	[tilespmem:$0x86F0] =	vst v0  }
0x50: {  	[tilespmem:$0x8700] =	vst v0  }
0x51: {  	[tilespmem:$0x8710] =	vst v0  }
0x52: {  	[tilespmem:$0x8720] =	vst v0  }
0x53: {  	[tilespmem:$0x8730] =	vst v0  }
0x54: {  	[tilespmem:$0x8740] =	vst v0  }
0x55: {  	[tilespmem:$0x8750] =	vst v0  }
0x56: {  	[tilespmem:$0x8760] =	vst v0  }
0x57: {  	[tilespmem:$0x8770] =	vst v0  }
0x58: {  	[tilespmem:$0x8780] =	vst v0  }
0x59: {  	[tilespmem:$0x8790] =	vst v0  }
0x5a: {  	[tilespmem:$0x87A0] =	vst v0  }
0x5b: {  	[tilespmem:$0x87B0] =	vst v0  }
0x5c: {  	[tilespmem:$0x87C0] =	vst v0  }
0x5d: {  	[tilespmem:$0x87D0] =	vst v0  }
0x5e: {  	[tilespmem:$0x87E0] =	vst v0  }
0x5f: {  	[tilespmem:$0x87F0] =	vst v0  }
0x60: {  	[spmem:s5] =	stream.linear.scatter [tilespmem:s16], [sflag:$0x6], $0x4000, $0x38;
	[tilespmem:$0x1C800] =	vst v63  }
0x61: {  	_ =	swait.ge [sflag:s17], $0x4000  }
0x62: {  	[sflag:s17] =	ssyncset.done $0x0  }
0x63: {  	[sflag:s17] =	ssyncadd.s32 $0xFFFFC000  }
0x64: {  	[spmem:s6] =	stream.linear.scatter [tilespmem:s16], [sflag:$0x6], $0x4000, $0x38;
	[tilespmem:$0x1C800] =	vst v63  }
0x65: {  	_ =	swait.ge [sflag:s17], $0x4000  }
0x66: {  	[sflag:s17] =	ssyncset.done $0x0  }
0x67: {  	[sflag:s17] =	ssyncadd.s32 $0xFFFFC000  }
0x68: {  	[spmem:s7] =	stream.linear.scatter [tilespmem:s16], [sflag:$0x6], $0x4000, $0x38;
	[tilespmem:$0x1C800] =	vst v63  }
0x69: {  	_ =	swait.ge [sflag:s17], $0x4000  }
0x6a: {  	[sflag:s17] =	ssyncset.done $0x0  }
0x6b: {  	[sflag:s17] =	ssyncadd.s32 $0xFFFFC000  }
0x6c: {  	[spmem:s9] =	stream.linear.scatter [tilespmem:s16], [sflag:$0x6], $0x4000, $0x38;
	[tilespmem:$0x1C800] =	vst v63  }
0x6d: {  	_ =	swait.ge [sflag:s17], $0x4000  }
0x6e: {  	[sflag:s17] =	ssyncset.done $0x0  }
0x6f: {  	[sflag:s17] =	ssyncadd.s32 $0xFFFFC000  }
0x70: {  	[spmem:s10] =	stream.linear.scatter [tilespmem:s16], [sflag:$0x6], $0x4000, $0x38;
	[tilespmem:$0x1C800] =	vst v63  }
0x71: {  	_ =	swait.ge [sflag:s17], $0x4000  }
0x72: {  	[sflag:s17] =	ssyncset.done $0x0  }
0x73: {  	[sflag:s17] =	ssyncadd.s32 $0xFFFFC000  }
0x74: {  	s30 =	simm.s32 $0x0;
	[bflag:$0x0] =	sbarrier.arrive $0xFFFF  }
0x75: {  	[tilespmem:s30], [sflag:$0x6] =	stream.linear.gather [hbm4b:s8+s30], $0x180, $0x38;
	[tilespmem:$0x1C800] =	vst v63  }
0x76: {  	_ =	swait.ge [sflag:s17], $0x180  }
0x77: {  	[sflag:s17] =	ssyncset.done $0x0  }
0x78: {  	[sflag:s17] =	ssyncadd.s32 $0xFFFFFE80  }
0x79: {  	[tilespmem:s16], [sflag:$0x2] =	stream.indirect.gather [hbm4b:s4+s18], $0x80, s30, s18, $0xb8;
	[tilespmem:$0x1C800] =	vst v63  }
0x7a: {  	_ = 	snop  }
0x7b: {  	[tilespmem:s19], [sflag:$0x1] =	stream.linear.gather [hbm4b:s11+s30], $0x180, $0x38;
	[tilespmem:$0x1C800] =	vst v63  }
.LBB2_4:
0x7c: {  	_ =	swait.ge [sflag:s20], $0x180  }
0x7d: {  	p0 =	seq.s32 s30, $0x0;
	[sflag:s20] =	ssyncset.done $0x0  }
0x7e: {  	s31 =	simm.s32 @!p0 $0x5;
	[sflag:s20] =	ssyncadd.s32 $0xFFFFFE80  }
0x7f: {  	_ =	swait.ge @!p0 [sflag:s31], $0x4000  }
0x80: {  	[sflag:s31] =	ssyncset.done @!p0 $0x0  }
0x81: {  	[sflag:s31] =	ssyncadd.s32 @!p0 $0xFFFFC000  }
0x82: {  	[tilespmem:s21], [sflag:$0x3] =	stream.indirect.gather [hbm4b:s4+s18], $0x80, s19, s18, $0xb8;
	[tilespmem:$0x1C800] =	vst v63  }
0x83: {  	v2 =	vld [tilespmem:$0x80]  }
0x84: {  	v3 =	vld [tilespmem:$0x90]  }
0x85: {  	v4 =	vld [tilespmem:$0xA0]  }
0x86: {  	v5 =	vld [tilespmem:$0xB0]  }
0x87: {  	v6 =	vld [tilespmem:$0xC0]  }
0x88: {  	v59 =	vld [tilespmem:$0xF0];
	[tilespmem:$0x8400] =	vst v2  }
0x89: {  	v2 =	vld [tilespmem:$0xD0];
	[tilespmem:$0x8410] =	vst v3  }
0x8a: {  	v3 =	vld [tilespmem:$0xE0];
	[tilespmem:$0x8420] =	vst v4  }
0x8b: {  	[tilespmem:$0x8430] =	vst v5  }
0x8c: {  	[tilespmem:$0x8440] =	vst v6  }
0x8d: {  	[tilespmem:$0x8470] =	vst v59  }
0x8e: {  	[tilespmem:$0x8450] =	vst v2  }
0x8f: {  	[tilespmem:$0x8460] =	vst v3  }
0x90: {  	_ =	swait.ge [sflag:s22], $0x4000  }
0x91: {  	[sflag:s22] =	ssyncset.done $0x0  }
0x92: {  	p0 =	seq.s32 s30, $0x2780;
	[sflag:s22] =	ssyncadd.s32 $0xFFFFC000  }
0x93: {  	[spmem:s1] =	stream.indirect.scatter.add.f32 [tilespmem:s16], [sflag:$0x4], $0x80, s23, s18, $0xb8;
	[tilespmem:$0x1C800] =	vst v63  }
0x94: {  	s31 =	sadd.s32 @!p0 s30, s15;
	s0 =	simm.s32 @!p0 $0x0  }
0x95: {  	[tilespmem:s0], [sflag:$0x1] =	stream.linear.gather @!p0 [hbm4b:s31+s0], $0x180, $0x38;
	[tilespmem:$0x1C800] =	vst v63  }
0x96: {  	s31 =	simm.s32 @!p0 $0x1  }
0x97: {  	_ =	swait.ge @!p0 [sflag:s31], $0x180  }
0x98: {  	[sflag:s31] =	ssyncset.done @!p0 $0x0  }
0x99: {  	[sflag:s31] =	ssyncadd.s32 @!p0 $0xFFFFFE80;
	s31 =	simm.s32 @!p0 $0x4  }
0x9a: {  	_ =	swait.ge @!p0 [sflag:s31], $0x4000  }
0x9b: {  	[sflag:s31] =	ssyncset.done @!p0 $0x0  }
0x9c: {  	s2 =	simm.s32 @!p0 $0x400;
	[sflag:s31] =	ssyncadd.s32 @!p0 $0xFFFFC000;
	s31 =	simm.s32 @!p0 $0x80  }
0x9d: {  	[tilespmem:s2], [sflag:$0x2] =	stream.indirect.gather @!p0 [hbm4b:s4+s31], $0x80, s0, s31, $0xb8;
	[tilespmem:$0x1C800] =	vst v63  }
0x9e: {  	v2 =	vld [tilespmem:$0x280]  }
0x9f: {  	v3 =	vld [tilespmem:$0x290]  }
0xa0: {  	v60 =	vld [tilespmem:$0x2A0]  }
0xa1: {  	v61 =	vld [tilespmem:$0x2B0]  }
0xa2: {  	v62 =	vld [tilespmem:$0x2C0]  }
0xa3: {  	v63 =	vld [tilespmem:$0x2F0];
	[tilespmem:$0x8480] =	vst v2  }
0xa4: {  	v2 =	vld [tilespmem:$0x2D0];
	[tilespmem:$0x8490] =	vst v3  }
0xa5: {  	v3 =	vld [tilespmem:$0x2E0];
	[tilespmem:$0x84A0] =	vst v60  }
0xa6: {  	[tilespmem:$0x84B0] =	vst v61  }
0xa7: {  	[tilespmem:$0x84C0] =	vst v62  }
0xa8: {  	[tilespmem:$0x84F0] =	vst v63  }
0xa9: {  	[tilespmem:$0x84D0] =	vst v2  }
.Ltmp3:
0xaa: {  	[tilespmem:$0x84E0] =	vst v3;
	(pc) =	sbr.rel @p0 .LBB2_6-.Ltmp3, $4  }
0xab: {  	_ =	swait.ge [sflag:s24], $0x4000  }
0xac: {  	[sflag:s24] =	ssyncset.done $0x0  }
0xad: {  	[sflag:s24] =	ssyncadd.s32 $0xFFFFC000  }
0xae: {  	[spmem:s1] =	stream.indirect.scatter.add.f32 [tilespmem:s21], [sflag:$0x5], $0x80, s25, s18, $0xb8;
	[tilespmem:$0x1C800] =	vst v63  }
.Ltmp4:
0xaf: {  	(pc) =	sbr.rel .LBB2_4-.Ltmp4, $3  }
0xb0: {  	_ =	sdelay $0x1  }
0xb1: {  	s0 =	sadd.s32 s30, s14;
	s30 =	sadd.s32 $0x80, s30  }
0xb2: {  	[tilespmem:s19], [sflag:$0x1] =	stream.linear.gather [hbm4b:s0+s3], $0x180, $0x38;
	[tilespmem:$0x1C800] =	vst v63  }
.LBB2_7:
0xb3: {  	_ =	sfence.sel $0x180000  }
0xb4: {  	[bflag:$0x0] =	sbarrier.arrive $0xFFFF  }
0xb5: {  	_ =	strace $0x9000004A  }
0xb6: {  	s0 =	stileid.u32;
	[bflag:$0x2] =	sbarrier.arrive $0xFFFF  }
0xb7: {  	p0 =	sne.s32 s0, $0x0;
	s0 =	rddreg [dreg:$0x2]  }
0xb8: {  	s0 =	sadd.s32 @!p0 $0x100000, s0  }
0xb9: {  	[sflag:s0] =	ssyncadd.tile.s32 @!p0 $0x1;
	_ =	shalt  }
.Lfunc_end2:
_tile_overlayer_lowered:
.L_overlay_start_2:
0xba: {  	(tag) =	ssettag $0x2  }
0xbb: {  	s0 =	rddreg [dreg:$0x0];
	s2 =	stileid.u32  }
0xbc: {  	s1 =	rddreg [dreg:$0x1];
	p0 =	sne.s32 s2, $0x0  }
0xbd: {  	s3 =	rddreg [dreg:$0x2];
	[bflag:$0x3] =	sbarrier.arrive $0xFFFF;
	s2 =	simm.s32 @!p0 $0x1C06  }
0xbe: {  	[timem:s3], [sflag:s2] =	dma.local @!p0 [hbm:s0], s1  }
0xbf: {  	s0 =	simm.s32 @!p0 $0x6  }
0xc0: {  	_ =	swait.ge @!p0 [sflag:s0], s1  }
0xc1: {  	s1 =	ssub.s32 @!p0 $0x0, s1;
	[sflag:s0] =	ssyncset.done @!p0 $0x0  }
0xc2: {  	[sflag:s0] =	ssyncadd.s32 @!p0 s1  }
0xc3: {  	[bflag:$0x3] =	sbarrier.arrive $0xFFFF  }
0xc4: {  	_ =	shalt  }

// kernel: kernel.7.cloned.1.call-start
scs
__scs_entry_jumppad:
0x0: {  	(pc) =	sbr.rel $0x88, $3  }
0x1: {  	(tag) =	ssettag $0x0;
	lr =	simm.s32 $0x1  }
0x2: {  	[smem:$0x3F8C] =	sst lr;
	_ =	strace $0xD0000000  }
0x3: {  	_ = 	snop  }
0x4: {  	_ = 	snop  }
0x5: {  	_ = 	snop  }
0x6: {  	_ = 	snop  }
0x7: {  	_ = 	snop  }
__scs_overlays_trampoline_lowered:
0x8: {  	[smem:$0x3F9B] =	sst s0  }
0x9: {  	[smem:$0x3F9C] =	sst s1  }
0xa: {  	[smem:$0x3F9D] =	sst s2  }
0xb: {  	[smem:$0x3F9E] =	sst s3  }
0xc: {  	[smem:$0x3F9F] =	sst s4  }
0xd: {  	[smem:$0x3FA0] =	sst s5  }
0xe: {  	[smem:$0x3FA1] =	sst s6  }
0xf: {  	[smem:$0x3FA2] =	sst s7  }
0x10: {  	[smem:$0x3FA3] =	sst s8  }
0x11: {  	[smem:$0x3FA4] =	sst s9;
	s0 =	simm.s32 @!p0 $0x0  }
0x12: {  	s1 =	sld [smem:$0x3F8A];
	s0 =	simm.s32 @p0 $0x1  }
0x13: {  	[smem:$0x3FA5] =	sst s0;
	s0 =	simm.s32 @!p1 $0x0  }
0x14: {  	s2 =	sld [smem:$0x3F89];
	s0 =	simm.s32 @p1 $0x1  }
0x15: {  	[smem:$0x3FA6] =	sst s0;
	s0 =	simm.s32 @!p2 $0x0  }
0x16: {  	s3 =	sld [smem:$0x3FDB];
	s0 =	simm.s32 @p2 $0x1  }
0x17: {  	s4 =	simm.s32 $0x1BF5;
	[smem:$0x3FA8] =	sst s0  }
0x18: {  	s0 =	sld [smem:$0x3F8B];
	_ =	swait.ge [sflag:s4], $0x0  }
0x19: {  	s7 =	sld [smem:$0x3F8C]  }
0x1a: {  	s8 =	sadd.s32 $0xFFFFE003, lr  }
0x1b: {  	s9 =	sadd.s32 $0xFFFFFEF7, lr;
	s5 =	simm.s32 $0xFFFFFFFF;
	p2 =	slt.u32 s8, $0xFFFFF086  }
0x1c: {  	p1 =	slt.u32 s9, $0xF7A;
	s5 =	simm.s32 @!p2 $0x0  }
0x1d: {  	s5 =	simm.s32 @p1 $0x1;
	p0 =	seq.s32 s7, s2  }
0x1e: {  	s7 =	smul.u32 @!p0 $0xF7A, s2;
	p2 =	seq.s32 @!p0 s5, $0x0  }
0x1f: {  	s9 =	smul.u32 $0xF7A, s1;
	s8 =	simm.s32 @!p0 $0x1BF5;
	p2 =	por !p2, p0  }
0x20: {  	[sflag:s8] =	ssyncset.s32 @!p0 $0xFFFFF086;
	s6 =	sadd.s32 @!p0 s3, s7;
	s7 =	simm.s32 @!p0 $0x108  }
0x21: {  	s3 =	sadd.s32 s3, s9;
	s6 =	sadd.s32 @!p0 $0x88, s6;
	s7 =	simm.s32 @p2 $0x1082  }
0x22: {  	[simem:s7], [sflag:s8] =	dma.local @!p0 [hbm:s6], $0xF7A  }
0x23: {  	s9 =	sor.u32 $0xD0000000, s2;
	s6 =	simm.s32 $0x108;
	_ =	swait.ge @!p0 [sflag:s8], $0x0  }
0x24: {  	s3 =	sadd.s32 $0x88, s3;
	s6 =	simm.s32 @!p1 $0x1082;
	[sflag:s4] =	ssyncset.s32 $0xFFFFF086  }
0x25: {  	[simem:s6], [sflag:s4] =	dma.local [hbm:s3], $0xF7A  }
0x26: {  	[smem:$0x3F8C] =	sst s1;
	(tag) =	ssettag s2;
	_ =	strace s9  }
0x27: {  	s1 =	sld [smem:$0x3F9C]  }
0x28: {  	s2 =	sld [smem:$0x3F9D]  }
0x29: {  	s4 =	sld [smem:$0x3F9F]  }
0x2a: {  	p0 =	seq.s32 s5, $0x0;
	s5 =	sld [smem:$0x3FA0]  }
0x2b: {  	s6 =	sld [smem:$0x3FA1]  }
0x2c: {  	s7 =	sld [smem:$0x3FA2]  }
0x2d: {  	s3 =	simm.s32 $0x108;
	s8 =	sld [smem:$0x3FA3]  }
0x2e: {  	s3 =	simm.s32 @!p0 $0x1082;
	s9 =	sld [smem:$0x3FA4]  }
0x2f: {  	lr =	sadd.s32 s0, s3;
	s0 =	sld [smem:$0x3F9B]  }
0x30: {  	s3 =	sld [smem:$0x3F9E]  }
0x31: {  	[smem:$0x3FA7] =	sst s10  }
0x32: {  	s10 =	sld [smem:$0x3FA5];
	_ =	sdelay $0x3  }
0x33: {  	p0 =	seq.s32 s10, $0x1;
	s10 =	sld [smem:$0x3FA7];
	_ =	sdelay $0x3  }
0x34: {  	[smem:$0x3FA7] =	sst s10  }
0x35: {  	s10 =	sld [smem:$0x3FA6];
	_ =	sdelay $0x3  }
0x36: {  	p1 =	seq.s32 s10, $0x1;
	s10 =	sld [smem:$0x3FA7];
	_ =	sdelay $0x3  }
0x37: {  	[smem:$0x3FA7] =	sst s10  }
0x38: {  	s10 =	sld [smem:$0x3FA8]  }
0x39: {  	_ = 	snop;
	(pc) =	sbr.ind lr, $3  }
0x3a: {  	_ = 	snop  }
0x3b: {  	_ = 	snop  }
0x3c: {  	p2 =	seq.s32 s10, $0x1;
	s10 =	sld [smem:$0x3FA7]  }
0x3d: {  	_ =	shalt  }
0x3e: {  	_ =	shalt  }
0x3f: {  	_ =	shalt  }
0x40: {  	_ =	shalt  }
0x41: {  	_ =	shalt  }
0x42: {  	_ =	shalt  }
0x43: {  	_ =	shalt  }
0x44: {  	_ =	shalt  }
0x45: {  	_ =	shalt  }
0x46: {  	_ =	shalt  }
0x47: {  	_ =	shalt  }
0x48: {  	_ =	shalt  }
0x49: {  	_ =	shalt  }
0x4a: {  	_ =	shalt  }
0x4b: {  	_ =	shalt  }
0x4c: {  	_ =	shalt  }
0x4d: {  	_ =	shalt  }
0x4e: {  	_ =	shalt  }
0x4f: {  	_ =	shalt  }
0x50: {  	_ =	shalt  }
0x51: {  	_ =	shalt  }
0x52: {  	_ =	shalt  }
0x53: {  	_ =	shalt  }
0x54: {  	_ =	shalt  }
0x55: {  	_ =	shalt  }
0x56: {  	_ =	shalt  }
0x57: {  	_ =	shalt  }
0x58: {  	_ =	shalt  }
0x59: {  	_ =	shalt  }
0x5a: {  	_ =	shalt  }
0x5b: {  	_ =	shalt  }
0x5c: {  	_ =	shalt  }
0x5d: {  	_ =	shalt  }
0x5e: {  	_ =	shalt  }
0x5f: {  	_ =	shalt  }
0x60: {  	_ =	shalt  }
0x61: {  	_ =	shalt  }
0x62: {  	_ =	shalt  }
0x63: {  	_ =	shalt  }
0x64: {  	_ =	shalt  }
0x65: {  	_ =	shalt  }
0x66: {  	_ =	shalt  }
0x67: {  	_ =	shalt  }
0x68: {  	_ =	shalt  }
0x69: {  	_ =	shalt  }
0x6a: {  	_ =	shalt  }
0x6b: {  	_ =	shalt  }
0x6c: {  	_ =	shalt  }
0x6d: {  	_ =	shalt  }
0x6e: {  	_ =	shalt  }
0x6f: {  	_ =	shalt  }
0x70: {  	_ =	shalt  }
0x71: {  	_ =	shalt  }
0x72: {  	_ =	shalt  }
0x73: {  	_ =	shalt  }
0x74: {  	_ =	shalt  }
0x75: {  	_ =	shalt  }
0x76: {  	_ =	shalt  }
0x77: {  	_ =	shalt  }
0x78: {  	_ =	shalt  }
0x79: {  	_ =	shalt  }
0x7a: {  	_ =	shalt  }
0x7b: {  	_ =	shalt  }
0x7c: {  	_ =	shalt  }
0x7d: {  	_ =	shalt  }
0x7e: {  	_ =	shalt  }
0x7f: {  	_ =	shalt  }
0x80: {  	_ =	shalt  }
0x81: {  	_ =	shalt  }
0x82: {  	_ =	shalt  }
0x83: {  	_ =	shalt  }
0x84: {  	_ =	shalt  }
0x85: {  	_ =	shalt  }
0x86: {  	_ =	shalt  }
0x87: {  	_ =	shalt  }
.Lfunc_end0:
.L_simem_size_0:
called_computation_lowered:
.L_overlay_start_0:
0x88: {  	s2 =	sld [smem:$0x3FD9]  }
0x89: {  	s3 =	sld [smem:$0x3FFE];
	_ =	sdelay $0x1  }
0x8a: {  	s1 =	srdreg.scid  }
0x8b: {  	s0 =	sand.u32 $0x1, s1  }
0x8c: {  	s17 =	sshll.u32 s0, $0xA;
	s2 =	sadd.s32 s3, s2  }
0x8d: {  	s2 =	sadd.s32 s2, s17  }
0x8e: {  	[smem:$0x3FB3] =	sst s2  }
0x8f: {  	_ = 	snop  }
0x90: {  	s2 =	sld [smem:$0x3FD0];
	(tm) =	ssettm $0x1  }
0x91: {  	s18 =	sld [smem:$0x3FFB];
	_ =	sdelay $0x3  }
0x92: {  	_ =	strace s18  }
0x93: {  	s3 =	sld [smem:$0x3FFC];
	_ =	sdelay $0x3  }
0x94: {  	_ =	strace s3  }
0x95: {  	s3 =	sld [smem:$0x3FFD];
	_ =	sdelay $0x3  }
0x96: {  	_ =	strace s3  }
0x97: {  	_ =	strace $0x8FFFFFFF  }
0x98: {  	s19 =	sld [smem:$0x3FDB];
	_ =	sdelay $0x1  }
0x99: {  	s4 =	simm.s32 $_scs_section_size  }
0x9a: {  	s5 =	simm.s32 $_size__tile_overlayer_lowered;
	s6 =	simm.s32 $_tile_overlayer_lowered  }
0x9b: {  	s22 =	simm.s32 $0x1BFF;
	s21 =	sshll.u32 s6, $0x1;
	s3 =	sadd.s32 s4, s19  }
0x9c: {  	s7 =	simm.s32 $0x0;
	s20 =	sshll.u32 s5, $0x1;
	s5 =	sadd.s32 s21, s3  }
0x9d: {  	[timem:s7], [sflag:s22] =	dma.local [hbm:s5], s20  }
0x9e: {  	_ =	swait.ge [sflag:s22], s20  }
0x9f: {  	s4 =	ssub.s32 $0x0, s20;
	[sflag:s22] =	ssyncset.done $0x0  }
0xa0: {  	[sflag:s22] =	ssyncadd.s32 s4;
	_ =	sdelay $0x1  }
0xa1: {  	s23 =	simm.s32 $0x1B8B  }
0xa2: {  	_ =	swait.ge [sflag:s23], $0x1  }
0xa3: {  	[sflag:s23] =	ssyncset.done $0x0  }
0xa4: {  	s25 =	simm.s32 $0x1B8E;
	s24 =	sld [smem:$0x3FFE];
	[sflag:s23] =	ssyncadd.s32 $0xFFFFFFFF  }
0xa5: {  	s26 =	simm.s32 $execute0_lowered;
	[smem:$0x3FD2] =	sst s25  }
0xa6: {  	s5 =	sshll.u32 s26, $0x1;
	_ =	strace $0x80000046;
	[dreg:$0x1] =	wrdreg $0xFFFFFFFF  }
0xa7: {  	s28 =	simm.s32 $_size_execute0_lowered;
	s3 =	sadd.s32 s3, s5;
	[dreg:$0x0] =	wrdreg $0x0  }
0xa8: {  	s5 =	sshll.u32 s28, $0x1;
	[dreg:$0x2] =	wrdreg s3  }
0xa9: {  	[dreg:$0x3] =	wrdreg s5  }
0xaa: {  	[dreg:$0x4] =	wrdreg $0xC0  }
0xab: {  	_ =	task [dreg:s7], $0x5FFFF  }
0xac: {  	[dreg:$0x1] =	wrdreg $0xFFFFFFFF  }
0xad: {  	[dreg:$0x0] =	wrdreg $0x60  }
0xae: {  	[dreg:$0x2] =	wrdreg s24  }
0xaf: {  	[dreg:$0x3] =	wrdreg s2  }
0xb0: {  	[dreg:$0x4] =	wrdreg $0x88000  }
0xb1: {  	[dreg:$0x5] =	wrdreg $0x1C8000  }
0xb2: {  	[dreg:$0x6] =	wrdreg $0x9  }
0xb3: {  	_ =	task.clear_ibuf [dreg:s7], $0x7FFFF;
	_ =	strace $0x90000046  }
0xb4: {  	s29 =	simm.s32 $0x9;
	_ =	strace $0x80000048  }
0xb5: {  	_ =	swait.ge [sflag:s29], $0x1  }
0xb6: {  	[sflag:s29] =	ssyncadd.s32 $0xFFFFFFFF  }
0xb7: {  	_ =	strace $0x90000048  }
0xb8: {  	_ =	sfence  }
0xb9: {  	s30 =	sld [smem:$0x0];
	_ =	sdelay $0x2  }
0xba: {  	s31 =	sshll.u32 s1, $0xD;
	s1 =	sshrl.u32 s1, $0x2  }
0xbb: {  	s3 =	sand.u32 $0x4000, s31;
	s1 =	sadd.s32 s1, s30  }
0xbc: {  	s0 =	sor.u32 s3, s0;
	s1 =	sshll.u32 s1, $0x11  }
0xbd: {  	s0 =	sor.u32 s1, s0  }
0xbe: {  	s0 =	sadd.s32 $0x8F2B, s0  }
0xbf: {  	[sflag:s0] =	ssyncadd.remote.s32 $0x1  }
0xc0: {  	_ =	sfence.sel $0xFFFF  }
0xc1: {  	[dreg:$0x0] =	wrdreg $0xFFFFFFFF;
	(pc) =	sbr.abs _section_cstart, $3  }
0xc2: {  	[dreg:$0x1] =	wrdreg $0xFFFFFFFF  }
0xc3: {  	_ =	task.clear_ibuf [dreg:s7], $0x2FFFF;
	_ =	strace $0x9FFFFFFF  }
0xc4: {  	(tm) =	ssettm $0x7FFFFFFF  }
0xc5: {  	_ =	shalt  }
tec
execute0_lowered:
.L_overlay_start_1:
0x0: {  	(tag) =	ssettag $0x1  }
0x1: {  	s0 =	rddreg [dreg:$0x0]  }
0x2: {  	s1 =	rddreg [dreg:$0x1]  }
0x3: {  	s2 =	rddreg [dreg:$0x2];
	s4 =	srdreg.scid  }
0x4: {  	s3 =	rddreg [dreg:$0x3];
	s12 =	stileid.u32  }
0x5: {  	s28 =	simm.s32 $0x8400;
	s29 =	simm.s32 $0x100;
	s8 =	smul.u32 $0x14000, s12  }
0x6: {  	s30 =	simm.s32 $0x8500;
	s31 =	simm.s32 $0x3;
	s10 =	smul.u32 $0x50000, s12  }
0x7: {  	s7 =	sand.u32 $0x1, s4;
	s4 =	simm.s32 $0x0;
	s16 =	smul.u32 $0xA00, s12  }
0x8: {  	s5 =	sadd.s32 $0x53E00, s0;
	s18 =	sadd.s32 $0x3E00, s0;
	s21 =	smul.u32 $0x500, s12  }
0x9: {  	s6 =	smul.u32 $0x140000, s7;
	[smem:$0x7FF] =	sst s4;
	s9 =	ssub.s32 $0x2, s7  }
0xa: {  	s15 =	sshll.u32 s7, $0x4;
	s7 =	sshll.u32 s7, $0x7;
	_ =	strace $0x80000047  }
0xb: {  	s14 =	sshrl.u32 s9, $0x1;
	s10 =	sshrl.u32 s10, $0x2;
	s11 =	sor.u32 s12, s15  }
0xc: {  	s7 =	sor.u32 s7, s21;
	s21 =	simm.s32 $0x4;
	s8 =	sadd.s32 s8, s6  }
0xd: {  	s9 =	ssub.s32 s9, s14;
	s11 =	smul.u32 $0x14000, s11;
	s24 =	sshrl.u32 s7, $0x3  }
0xe: {  	s7 =	simm.s32 $0x5;
	s6 =	sshrl.u32 s8, $0x3;
	s15 =	sadd.s32 s1, s24  }
0xf: {  	s25 =	sor.u32 $0x600, s8;
	s26 =	sor.u32 $0x400, s8;
	s24 =	simm.s32 $0x1  }
0x10: {  	s8 =	simm.s32 $0x0;
	s0 =	sadd.s32 s6, s0;
	s6 =	sadd.s32 s10, s2  }
0x11: {  	s10 =	sshrl.u32 s16, $0x2;
	s22 =	sshrl.u32 s11, $0x3;
	s16 =	smax.u32 s9, $0x1  }
0x12: {  	s1 =	sshrl.u32 s26, $0x3;
	s26 =	simm.s32 $0x2;
	s13 =	sadd.s32 $0x4000, s6  }
0x13: {  	s17 =	sadd.s32 $0x8000, s6;
	s19 =	sadd.s32 $0xC000, s6;
	[dreg:$0x5] =	wrdreg s13  }
0x14: {  	s20 =	sadd.s32 $0x10000, s6;
	s11 =	sadd.s32 s10, s3;
	[dreg:$0x6] =	wrdreg s17  }
0x15: {  	s12 =	sadd.s32 s18, s22;
	s0 =	sadd.s32 $0x8BE00, s0;
	[dreg:$0x7] =	wrdreg s19  }
.Ltmp0:
0x16: {  	s22 =	simm.s32 $0x80;
	[dreg:$0x8] =	wrdreg s20;
	(pc) =	sbr.rel .LBB2_1-.Ltmp0, $4  }
0x17: {  	s23 =	sadd.s32 $0x40, s12;
	[dreg:$0xa] =	wrdreg s0;
	s0 =	sshrl.u32 s25, $0x3  }
0x18: {  	s19 =	simm.s32 $0x400;
	s20 =	simm.s32 $0x6;
	s25 =	simm.s32 $0x4400  }
0x19: {  	[dreg:$0x9] =	wrdreg s23;
	s17 =	sadd.s32 s0, s18;
	s18 =	sadd.s32 s1, s18  }
0x1a: {  	v0 =	vimm.f32 $0.0e+00;
	v1 =	vimm.f32 $1.000000000e+00;
	s23 =	simm.s32 $0x200;
	s0 =	simm.s32 $0x8480;
	s1 =	simm.s32 $0x300  }
.LBB2_6:
0x1b: {  	_ =	swait.ge [sflag:s21], $0x4000  }
0x1c: {  	[sflag:s21] =	ssyncset.done $0x0  }
0x1d: {  	[sflag:s21] =	ssyncadd.s32 $0xFFFFC000  }
0x1e: {  	_ =	swait.ge [sflag:s7], $0x4000  }
0x1f: {  	[sflag:s7] =	ssyncset.done $0x0  }
0x20: {  	s9 =	stileid.u32;
	[sflag:s7] =	ssyncadd.s32 $0xFFFFC000  }
0x21: {  	s9 =	sshll.u32 s9, $0x6;
	[bflag:$0x0] =	sbarrier.arrive $0xFFFF  }
0x22: {  	s10 =	sshrl.u32 s6, $0x3;
	s9 =	sor.u32 $0x1C06, s9;
	s13 =	rddreg [dreg:$0xa]  }
0x23: {  	[hbm:s13], [sflag:s9] =	dma.local [spmem:s10], $0x2800  }
0x24: {  	s14 =	simm.s32 $0x10;
	s8 =	sadd.s32 $0x1, s8;
	_ =	swait.ge [sflag:s20], $0x2800  }
0x25: {  	p0 =	sne.s32 s8, s16;
	s10 =	sshrl.u32 s11, $0x3;
	[sflag:s20] =	ssyncset.done $0x0  }
.Ltmp1:
0x26: {  	s13 =	simm.s32 $0x20;
	[sflag:s20] =	ssyncadd.s32 $0xFFFFD800;
	(pc) =	sbr.rel @!p0 .LBB2_7-.Ltmp1, $4  }
0x27: {  	[hbm:s15@s13], [sflag:s9] =	dma.strided [spmem:s10@s14], $0x50, s24, $0x10   }
0x28: {  	_ =	swait.ge [sflag:s20], $0x50  }
0x29: {  	[sflag:s20] =	ssyncset.done $0x0  }
0x2a: {  	[sflag:s20] =	ssyncadd.s32 $0xFFFFFFB0  }
.LBB2_1:
0x2b: {  	s9 =	simm.s32 $0x0;
	s10 =	simm.s32 $0x200  }
.LBB2_2:
0x2c: {  	p0 =	sne.s32 s10, $0xFE00;
	[tilespmem:s9+$0x470] =	vst v0  }
0x2d: {  	[tilespmem:s9+$0x400] =	vst v0  }
0x2e: {  	[tilespmem:s9+$0x410] =	vst v0  }
.Ltmp2:
0x2f: {  	[tilespmem:s9+$0x420] =	vst v0;
	(pc) =	sbr.rel @p0 .LBB2_2-.Ltmp2, $4  }
0x30: {  	[tilespmem:s9+$0x430] =	vst v0  }
0x31: {  	[tilespmem:s9+$0x440] =	vst v0  }
0x32: {  	[tilespmem:s9+$0x450] =	vst v0  }
0x33: {  	[tilespmem:s9+$0x460] =	vst v0;
	s9 =	sshra.s32 s10, $0x2;
	s10 =	sadd.s32 $0x200, s10  }
0x34: {  	[tilespmem:s9+$0x470] =	vst v0  }
0x35: {  	[tilespmem:s9+$0x400] =	vst v0  }
0x36: {  	[tilespmem:s9+$0x410] =	vst v0  }
0x37: {  	[tilespmem:s9+$0x420] =	vst v0  }
0x38: {  	[tilespmem:s9+$0x430] =	vst v0  }
0x39: {  	[tilespmem:s9+$0x440] =	vst v0  }
0x3a: {  	[tilespmem:s9+$0x450] =	vst v0  }
0x3b: {  	[tilespmem:s9+$0x460] =	vst v0  }
0x3c: {  	[tilespmem:$0x8500] =	vst v1  }
0x3d: {  	[tilespmem:$0x8510] =	vst v1  }
0x3e: {  	[tilespmem:$0x8520] =	vst v1  }
0x3f: {  	[tilespmem:$0x8530] =	vst v1  }
0x40: {  	[tilespmem:$0x8540] =	vst v1  }
0x41: {  	[tilespmem:$0x8550] =	vst v1  }
0x42: {  	[tilespmem:$0x8560] =	vst v1  }
0x43: {  	[tilespmem:$0x8570] =	vst v1  }
0x44: {  	[tilespmem:$0x8580] =	vst v0  }
0x45: {  	[tilespmem:$0x8590] =	vst v0  }
0x46: {  	[tilespmem:$0x85A0] =	vst v0  }
0x47: {  	[tilespmem:$0x85B0] =	vst v0  }
0x48: {  	[tilespmem:$0x85C0] =	vst v0  }
0x49: {  	[tilespmem:$0x85D0] =	vst v0  }
0x4a: {  	[tilespmem:$0x85E0] =	vst v0  }
0x4b: {  	[tilespmem:$0x85F0] =	vst v0  }
0x4c: {  	[tilespmem:$0x8600] =	vst v0  }
0x4d: {  	[tilespmem:$0x8610] =	vst v0  }
0x4e: {  	[tilespmem:$0x8620] =	vst v0  }
0x4f: {  	[tilespmem:$0x8630] =	vst v0  }
0x50: {  	[tilespmem:$0x8640] =	vst v0  }
0x51: {  	[tilespmem:$0x8650] =	vst v0  }
0x52: {  	[tilespmem:$0x8660] =	vst v0  }
0x53: {  	[tilespmem:$0x8670] =	vst v0  }
0x54: {  	[tilespmem:$0x8680] =	vst v0  }
0x55: {  	[tilespmem:$0x8690] =	vst v0  }
0x56: {  	[tilespmem:$0x86A0] =	vst v0  }
0x57: {  	[tilespmem:$0x86B0] =	vst v0  }
0x58: {  	[tilespmem:$0x86C0] =	vst v0  }
0x59: {  	[tilespmem:$0x86D0] =	vst v0  }
0x5a: {  	[tilespmem:$0x86E0] =	vst v0  }
0x5b: {  	[tilespmem:$0x86F0] =	vst v0  }
0x5c: {  	[tilespmem:$0x8700] =	vst v0  }
0x5d: {  	[tilespmem:$0x8710] =	vst v0  }
0x5e: {  	[tilespmem:$0x8720] =	vst v0  }
0x5f: {  	[tilespmem:$0x8730] =	vst v0  }
0x60: {  	[tilespmem:$0x8740] =	vst v0  }
0x61: {  	[tilespmem:$0x8750] =	vst v0  }
0x62: {  	[tilespmem:$0x8760] =	vst v0  }
0x63: {  	[tilespmem:$0x8770] =	vst v0  }
0x64: {  	[tilespmem:$0x8780] =	vst v0  }
0x65: {  	[tilespmem:$0x8790] =	vst v0  }
0x66: {  	[tilespmem:$0x87A0] =	vst v0  }
0x67: {  	[tilespmem:$0x87B0] =	vst v0  }
0x68: {  	[tilespmem:$0x87C0] =	vst v0  }
0x69: {  	[tilespmem:$0x87D0] =	vst v0  }
0x6a: {  	[tilespmem:$0x87E0] =	vst v0  }
0x6b: {  	[tilespmem:$0x87F0] =	vst v0  }
0x6c: {  	[spmem:s6] =	stream.linear.scatter [tilespmem:s19], [sflag:$0x6], $0x4000, $0x38;
	[tilespmem:$0x1CA80] =	vst v63  }
0x6d: {  	_ =	swait.ge [sflag:s20], $0x4000  }
0x6e: {  	[sflag:s20] =	ssyncset.done $0x0  }
0x6f: {  	s13 =	rddreg [dreg:$0x5];
	[sflag:s20] =	ssyncadd.s32 $0xFFFFC000  }
0x70: {  	[spmem:s13] =	stream.linear.scatter [tilespmem:s19], [sflag:$0x6], $0x4000, $0x38;
	[tilespmem:$0x1CA80] =	vst v63  }
0x71: {  	_ =	swait.ge [sflag:s20], $0x4000  }
0x72: {  	[sflag:s20] =	ssyncset.done $0x0  }
0x73: {  	s14 =	rddreg [dreg:$0x6];
	[sflag:s20] =	ssyncadd.s32 $0xFFFFC000  }
0x74: {  	[spmem:s14] =	stream.linear.scatter [tilespmem:s19], [sflag:$0x6], $0x4000, $0x38;
	[tilespmem:$0x1CA80] =	vst v63  }
0x75: {  	_ =	swait.ge [sflag:s20], $0x4000  }
0x76: {  	[sflag:s20] =	ssyncset.done $0x0  }
0x77: {  	s10 =	rddreg [dreg:$0x7];
	[sflag:s20] =	ssyncadd.s32 $0xFFFFC000  }
0x78: {  	[spmem:s10] =	stream.linear.scatter [tilespmem:s19], [sflag:$0x6], $0x4000, $0x38;
	[tilespmem:$0x1CA80] =	vst v63  }
0x79: {  	_ =	swait.ge [sflag:s20], $0x4000  }
0x7a: {  	[sflag:s20] =	ssyncset.done $0x0  }
0x7b: {  	s13 =	rddreg [dreg:$0x8];
	[sflag:s20] =	ssyncadd.s32 $0xFFFFC000  }
0x7c: {  	[spmem:s13] =	stream.linear.scatter [tilespmem:s19], [sflag:$0x6], $0x4000, $0x38;
	[tilespmem:$0x1CA80] =	vst v63  }
0x7d: {  	_ =	swait.ge [sflag:s20], $0x4000  }
0x7e: {  	[sflag:s20] =	ssyncset.done $0x0  }
0x7f: {  	s14 =	simm.s32 $0x8580;
	[sflag:s20] =	ssyncadd.s32 $0xFFFFC000  }
0x80: {  	[spmem:s11] =	stream.linear.scatter [tilespmem:s14], [sflag:$0x6], $0x280, $0x38;
	[tilespmem:$0x1CA80] =	vst v63  }
0x81: {  	_ =	swait.ge [sflag:s20], $0x280  }
0x82: {  	[sflag:s20] =	ssyncset.done $0x0  }
0x83: {  	[sflag:s20] =	ssyncadd.s32 $0xFFFFFD80  }
0x84: {  	s9 =	simm.s32 $0x0;
	[bflag:$0x0] =	sbarrier.arrive $0xFFFF  }
0x85: {  	[tilespmem:s9], [sflag:$0x6] =	stream.linear.gather [hbm4b:s12+s9], $0x180, $0x38;
	[tilespmem:$0x1CA80] =	vst v63  }
0x86: {  	_ =	swait.ge [sflag:s20], $0x180  }
0x87: {  	[sflag:s20] =	ssyncset.done $0x0  }
0x88: {  	[sflag:s20] =	ssyncadd.s32 $0xFFFFFE80  }
0x89: {  	[tilespmem:s19], [sflag:$0x2] =	stream.indirect.gather [hbm4b:s5+s22], $0x80, s9, s22, $0xb8;
	[tilespmem:$0x1CA80] =	vst v63  }
0x8a: {  	s10 =	rddreg [dreg:$0x9]  }
0x8b: {  	[tilespmem:s23], [sflag:$0x1] =	stream.linear.gather [hbm4b:s10+s9], $0x180, $0x38;
	[tilespmem:$0x1CA80] =	vst v63  }
.LBB2_4:
0x8c: {  	_ =	swait.ge [sflag:s24], $0x180  }
0x8d: {  	p0 =	seq.s32 s9, $0x0;
	[sflag:s24] =	ssyncset.done $0x0  }
0x8e: {  	s10 =	simm.s32 @!p0 $0x5;
	[sflag:s24] =	ssyncadd.s32 $0xFFFFFE80  }
0x8f: {  	_ =	swait.ge @!p0 [sflag:s10], $0x4000  }
0x90: {  	[sflag:s10] =	ssyncset.done @!p0 $0x0  }
0x91: {  	[sflag:s10] =	ssyncadd.s32 @!p0 $0xFFFFC000  }
0x92: {  	[tilespmem:s25], [sflag:$0x3] =	stream.indirect.gather [hbm4b:s5+s22], $0x80, s23, s22, $0xb8;
	[tilespmem:$0x1CA80] =	vst v63  }
0x93: {  	v2 =	vld [tilespmem:$0x80]  }
0x94: {  	v3 =	vld [tilespmem:$0x90]  }
0x95: {  	v4 =	vld [tilespmem:$0xA0]  }
0x96: {  	v5 =	vld [tilespmem:$0xB0]  }
0x97: {  	v6 =	vld [tilespmem:$0xC0]  }
0x98: {  	v59 =	vld [tilespmem:$0xF0];
	[tilespmem:$0x8400] =	vst v2  }
0x99: {  	v2 =	vld [tilespmem:$0xD0];
	[tilespmem:$0x8410] =	vst v3  }
0x9a: {  	v3 =	vld [tilespmem:$0xE0];
	[tilespmem:$0x8420] =	vst v4  }
0x9b: {  	[tilespmem:$0x8430] =	vst v5  }
0x9c: {  	[tilespmem:$0x8440] =	vst v6  }
0x9d: {  	[tilespmem:$0x8470] =	vst v59  }
0x9e: {  	[tilespmem:$0x8450] =	vst v2  }
0x9f: {  	[tilespmem:$0x8460] =	vst v3  }
0xa0: {  	_ =	swait.ge [sflag:s26], $0x4000  }
0xa1: {  	[sflag:s26] =	ssyncset.done $0x0  }
0xa2: {  	[sflag:s26] =	ssyncadd.s32 $0xFFFFC000  }
0xa3: {  	[spmem:s2] =	stream.indirect.scatter.add.f32 [tilespmem:s19], [sflag:$0x4], $0x80, s28, s22, $0xb8;
	[tilespmem:$0x1CA80] =	vst v63  }
0xa4: {  	_ = 	snop  }
0xa5: {  	[spmem:s3] =	stream.indirect.scatter.add.f32 [tilespmem:s30], [sflag:$0x6], $0x1, s29, s22, $0xb8;
	[tilespmem:$0x1CA80] =	vst v63  }
0xa6: {  	_ =	swait.ge [sflag:s20], $0x80  }
0xa7: {  	p0 =	seq.s32 s9, $0x2780;
	[sflag:s20] =	ssyncset.done $0x0  }
0xa8: {  	s10 =	sadd.s32 @!p0 s9, s18;
	s13 =	simm.s32 @!p0 $0x0;
	[sflag:s20] =	ssyncadd.s32 $0xFFFFFF80  }
0xa9: {  	[tilespmem:s13], [sflag:$0x1] =	stream.linear.gather @!p0 [hbm4b:s10+s13], $0x180, $0x38;
	[tilespmem:$0x1CA80] =	vst v63  }
0xaa: {  	s10 =	simm.s32 @!p0 $0x1  }
0xab: {  	_ =	swait.ge @!p0 [sflag:s10], $0x180  }
0xac: {  	[sflag:s10] =	ssyncset.done @!p0 $0x0  }
0xad: {  	[sflag:s10] =	ssyncadd.s32 @!p0 $0xFFFFFE80;
	s10 =	simm.s32 @!p0 $0x4  }
0xae: {  	_ =	swait.ge @!p0 [sflag:s10], $0x4000  }
0xaf: {  	[sflag:s10] =	ssyncset.done @!p0 $0x0  }
0xb0: {  	s14 =	simm.s32 @!p0 $0x400;
	[sflag:s10] =	ssyncadd.s32 @!p0 $0xFFFFC000;
	s10 =	simm.s32 @!p0 $0x80  }
0xb1: {  	[tilespmem:s14], [sflag:$0x2] =	stream.indirect.gather @!p0 [hbm4b:s5+s10], $0x80, s13, s10, $0xb8;
	[tilespmem:$0x1CA80] =	vst v63  }
0xb2: {  	v2 =	vld [tilespmem:$0x280]  }
0xb3: {  	v3 =	vld [tilespmem:$0x290]  }
0xb4: {  	v60 =	vld [tilespmem:$0x2A0]  }
0xb5: {  	v61 =	vld [tilespmem:$0x2B0]  }
0xb6: {  	v62 =	vld [tilespmem:$0x2C0]  }
0xb7: {  	v63 =	vld [tilespmem:$0x2F0];
	[tilespmem:$0x8480] =	vst v2  }
0xb8: {  	v2 =	vld [tilespmem:$0x2D0];
	[tilespmem:$0x8490] =	vst v3  }
0xb9: {  	v3 =	vld [tilespmem:$0x2E0];
	[tilespmem:$0x84A0] =	vst v60  }
0xba: {  	[tilespmem:$0x84B0] =	vst v61  }
0xbb: {  	[tilespmem:$0x84C0] =	vst v62  }
0xbc: {  	[tilespmem:$0x84F0] =	vst v63  }
0xbd: {  	[tilespmem:$0x84D0] =	vst v2  }
0xbe: {  	[tilespmem:$0x84E0] =	vst v3  }
0xbf: {  	_ =	swait.ge [sflag:s31], $0x4000  }
0xc0: {  	[sflag:s31] =	ssyncset.done $0x0  }
0xc1: {  	[sflag:s31] =	ssyncadd.s32 $0xFFFFC000  }
0xc2: {  	[spmem:s2] =	stream.indirect.scatter.add.f32 [tilespmem:s25], [sflag:$0x5], $0x80, s0, s22, $0xb8;
	[tilespmem:$0x1CA80] =	vst v63  }
.Ltmp3:
0xc3: {  	_ = 	snop;
	(pc) =	sbr.rel @p0 .LBB2_6-.Ltmp3, $4  }
0xc4: {  	[spmem:s3] =	stream.indirect.scatter.add.f32 [tilespmem:s30], [sflag:$0x6], $0x1, s1, s22, $0xb8;
	[tilespmem:$0x1CA80] =	vst v63  }
0xc5: {  	_ =	swait.ge [sflag:s20], $0x80  }
0xc6: {  	[sflag:s20] =	ssyncset.done $0x0  }
0xc7: {  	[sflag:s20] =	ssyncadd.s32 $0xFFFFFF80  }
.Ltmp4:
0xc8: {  	(pc) =	sbr.rel .LBB2_4-.Ltmp4, $3  }
0xc9: {  	_ =	sdelay $0x1  }
0xca: {  	s10 =	sadd.s32 s9, s17;
	s9 =	sadd.s32 $0x80, s9  }
0xcb: {  	[tilespmem:s23], [sflag:$0x1] =	stream.linear.gather [hbm4b:s10+s4], $0x180, $0x38;
	[tilespmem:$0x1CA80] =	vst v63  }
.LBB2_7:
0xcc: {  	_ =	sfence.sel $0x180000  }
0xcd: {  	[bflag:$0x0] =	sbarrier.arrive $0xFFFF  }
0xce: {  	_ =	strace $0x90000047  }
0xcf: {  	s0 =	stileid.u32;
	[bflag:$0x2] =	sbarrier.arrive $0xFFFF  }
0xd0: {  	p0 =	sne.s32 s0, $0x0;
	s0 =	rddreg [dreg:$0x4]  }
0xd1: {  	s0 =	sadd.s32 @!p0 $0x100000, s0  }
0xd2: {  	[sflag:s0] =	ssyncadd.tile.s32 @!p0 $0x1;
	_ =	shalt  }
.Lfunc_end2:
_tile_overlayer_lowered:
.L_overlay_start_2:
0xd3: {  	(tag) =	ssettag $0x2  }
0xd4: {  	s0 =	rddreg [dreg:$0x0];
	s2 =	stileid.u32  }
0xd5: {  	s1 =	rddreg [dreg:$0x1];
	p0 =	sne.s32 s2, $0x0  }
0xd6: {  	s3 =	rddreg [dreg:$0x2];
	[bflag:$0x3] =	sbarrier.arrive $0xFFFF;
	s2 =	simm.s32 @!p0 $0x1C06  }
0xd7: {  	[timem:s3], [sflag:s2] =	dma.local @!p0 [hbm:s0], s1  }
0xd8: {  	s0 =	simm.s32 @!p0 $0x6  }
0xd9: {  	_ =	swait.ge @!p0 [sflag:s0], s1  }
0xda: {  	s1 =	ssub.s32 @!p0 $0x0, s1;
	[sflag:s0] =	ssyncset.done @!p0 $0x0  }
0xdb: {  	[sflag:s0] =	ssyncadd.s32 @!p0 s1  }
0xdc: {  	[bflag:$0x3] =	sbarrier.arrive $0xFFFF  }
0xdd: {  	_ =	shalt  }

</sc_bundles>
